<compile_context>
chip_gen: v7x
topology: tpu7x:2x2x1
jax: 0.10.2.dev20260603
libtpu: 0.0.44.dev20260713+nightly
codegen_flags: <defaults>
</compile_context>

<pallas_src>
import functools

import jax
import jax.numpy as jnp
from jax import lax
from jax.experimental import pallas as pl
from jax.experimental.pallas import tpu as pltpu
from jax.experimental.pallas import tpu_sc as plsc

_LANES = 16


def _pe_add_kernel(B, S, E, NW, C):
    SPW = S // NW
    NCHUNK = SPW // C
    T = NCHUNK * B
    mesh = plsc.VectorSubcoreMesh(core_axis_name="c", subcore_axis_name="s")

    @functools.partial(
        pl.kernel,
        mesh=mesh,
        out_type=jax.ShapeDtypeStruct((B * S, E), jnp.float32),
        scratch_types=[
            pltpu.VMEM((C, E), jnp.float32),
            pltpu.VMEM((C, E), jnp.float32),
            pltpu.VMEM((C, E), jnp.float32),
            pltpu.VMEM((C, E), jnp.float32),
            pltpu.VMEM((C, E), jnp.float32),
            pltpu.SemaphoreType.DMA,
            pltpu.SemaphoreType.DMA,
            pltpu.SemaphoreType.DMA,
            pltpu.SemaphoreType.DMA,
            pltpu.SemaphoreType.DMA,
            pltpu.SemaphoreType.DMA,
            pltpu.SemaphoreType.DMA,
            pltpu.SemaphoreType.DMA,
        ],
        compiler_params=pltpu.CompilerParams(use_tc_tiling_on_sc=True),
    )
    def k(tok_hbm, pos_hbm, out_hbm, tv0, tv1, tv2, pv0, pv1,
          si0, si1, si2, so0, so1, so2, sp0, sp1):
        tvm = (tv0, tv1, tv2)
        pvm = (pv0, pv1)
        sem_in = (si0, si1, si2)
        sem_out = (so0, so1, so2)
        sem_pos = (sp0, sp1)
        wid = lax.axis_index("s") * 2 + lax.axis_index("c")
        s_base = wid * SPW

        def row0(t):
            ci, b = divmod(t, B)
            return b * S + s_base + ci * C

        def start_in(t):
            p = t % 3
            return pltpu.async_copy(
                tok_hbm.at[pl.ds(row0(t), C), :], tvm[p], sem_in[p])

        def start_pos(ci):
            q = ci % 2
            return pltpu.async_copy(
                pos_hbm.at[pl.ds(s_base + ci * C, C), :], pvm[q], sem_pos[q])

        in_d = {0: start_in(0), 1: start_in(1)}
        pos_d = {0: start_pos(0)}
        out_d = {}

        for t in range(T):
            p = t % 3
            ci, b = divmod(t, B)
            if b == 0:
                pos_d[ci].wait()
                if ci + 1 < NCHUNK:
                    pos_d[ci + 1] = start_pos(ci + 1)
            in_d[t].wait()
            tvm_p = tvm[p]
            pvm_q = pvm[ci % 2]

            del tvm_p, pvm_q

            out_d[t] = pltpu.async_copy(
                tvm[p], out_hbm.at[pl.ds(row0(t), C), :], sem_out[p])
            if t + 2 < T:
                if t - 1 >= 0:
                    out_d[t - 1].wait()
                in_d[t + 2] = start_in(t + 2)

        for t in range(max(T - 3, 0), T):
            out_d[t].wait()

    return k


def kernel(token_embeddings, pos_embedding):
    B, S, E = token_embeddings.shape
    tok2d = token_embeddings.reshape(B * S, E)
    pos2d = pos_embedding[:S]
    NW = 32
    C = 32
    out = _pe_add_kernel(B, S, E, NW, C)(tok2d, pos2d)
    return out.reshape(B, S, E)

# --- scband reference (transcript-rebuilt; emitter-appended) ---
"""Pipeline reference for scband-positional-encoding-24257975288549 (READ-ONLY COPY).

The authoritative reference and input builder live on the scoring server;
editing this copy changes nothing except your own understanding.
"""

import math
import jax, jax.numpy as jnp
import numpy as np

EMB_SIZE = 768
MAXLEN = 8192
BATCH = 4
SEQ = 8192

def _build_pos_embedding(emb_size, maxlen):
    den = jnp.exp(-jnp.arange(0, emb_size, 2, dtype=jnp.float32) * math.log(10000.0) / emb_size)
    pos = jnp.arange(0, maxlen, dtype=jnp.float32).reshape(maxlen, 1)
    pe = jnp.zeros((maxlen, emb_size), dtype=jnp.float32)
    pe = pe.at[:, 0::2].set(jnp.sin(pos * den))
    pe = pe.at[:, 1::2].set(jnp.cos(pos * den))
    return pe

def setup_inputs(seed: int = 0) -> dict:
    key = jax.random.key(seed)
    token_embeddings = jax.random.normal(key, (BATCH, SEQ, EMB_SIZE), dtype=jnp.float32)
    pos_embedding = _build_pos_embedding(EMB_SIZE, MAXLEN)
    return {"token_embeddings": token_embeddings, "pos_embedding": pos_embedding}

def reference(token_embeddings, pos_embedding):
    batch_size, n_tokens, _ = token_embeddings.shape
    position_ids = jnp.tile(jnp.arange(n_tokens, dtype=jnp.int64 if jax.config.jax_enable_x64 else jnp.int32)[None, :], (batch_size, 1))
    position_embeddings = jnp.take(pos_embedding, position_ids, axis=0)
    positioned_embeddings = token_embeddings + position_embeddings
    # dropout p=0.0 -> identity
    return positioned_embeddings

if __name__ == "__main__":
    import jax
    _d = setup_inputs()
    print(jax.jit(kernel)(*tuple(_d.values())))

</pallas_src>

<mosaic_0001>
#map = affine_map<(d0, d1) -> (0, 0)>
module attributes {stable_mosaic.version = 14 : i64} {
  func.func @k(%arg0: i32, %arg1: i32, %arg2: memref<32768x768xf32, #tpu.memory_space<hbm>>, %arg3: memref<8192x768xf32, #tpu.memory_space<hbm>>, %arg4: memref<32768x768xf32, #tpu.memory_space<hbm>>, %arg5: memref<32x768xf32, #tpu.memory_space<vmem>>, %arg6: memref<32x768xf32, #tpu.memory_space<vmem>>, %arg7: memref<32x768xf32, #tpu.memory_space<vmem>>, %arg8: memref<32x768xf32, #tpu.memory_space<vmem>>, %arg9: memref<32x768xf32, #tpu.memory_space<vmem>>, %arg10: memref<!tpu.dma_semaphore, #tpu.memory_space<semaphore_mem>>, %arg11: memref<!tpu.dma_semaphore, #tpu.memory_space<semaphore_mem>>, %arg12: memref<!tpu.dma_semaphore, #tpu.memory_space<semaphore_mem>>, %arg13: memref<!tpu.dma_semaphore, #tpu.memory_space<semaphore_mem>>, %arg14: memref<!tpu.dma_semaphore, #tpu.memory_space<semaphore_mem>>, %arg15: memref<!tpu.dma_semaphore, #tpu.memory_space<semaphore_mem>>, %arg16: memref<!tpu.dma_semaphore, #tpu.memory_space<semaphore_mem>>, %arg17: memref<!tpu.dma_semaphore, #tpu.memory_space<semaphore_mem>>) attributes {dimension_semantics = [#tpu.dimension_semantics<core_parallel>, #tpu.dimension_semantics<subcore_parallel>], iteration_bounds = array<i64: 2, 16>, scalar_prefetch = 0 : i64, scratch_operands = 13 : i64, tpu.core_type = #tpu.core_type<sc_vector_subcore>, window_params = [{transform_indices = #map}, {transform_indices = #map}, {transform_indices = #map}]} {
    %mul3A = arith.constant 2 : i32
    %mul3A_0 = arith.muli %arg1, %mul3A : i32
    %add3A = arith.addi %mul3A_0, %arg0 : i32
    %mul3A_1 = arith.constant 256 : i32
    %mul3A_2 = arith.muli %add3A, %mul3A_1 : i32
    %add3A_3 = arith.constant 0 : i32
    %add3A_4 = arith.addi %add3A_3, %mul3A_2 : i32
    %add3A_5 = arith.constant 0 : i32
    %add3A_6 = arith.addi %add3A_4, %add3A_5 : i32
    %dma_start3A = arith.constant 0 : i32
    %dma_start3A_7 = tpu.memref_slice %arg2[%add3A_6, %dma_start3A] : memref<32768x768xf32, #tpu.memory_space<hbm>> -> memref<32x768xf32, #tpu.memory_space<hbm>>
    %dma_start3A_8 = arith.constant 0 : i32
    %dma_start3A_9 = tpu.memref_slice %arg2[%add3A_6, %dma_start3A_8] : memref<32768x768xf32, #tpu.memory_space<hbm>> -> memref<32x768xf32, #tpu.memory_space<hbm>>
    tpu.enqueue_dma source(%dma_start3A_9 : memref<32x768xf32, #tpu.memory_space<hbm>>) target(%arg5 : memref<32x768xf32, #tpu.memory_space<vmem>>) target_semaphore(%arg10 : memref<!tpu.dma_semaphore, #tpu.memory_space<semaphore_mem>>)
    %add3A_10 = arith.constant 8192 : i32
    %add3A_11 = arith.addi %add3A_10, %mul3A_2 : i32
    %add3A_12 = arith.constant 0 : i32
    %add3A_13 = arith.addi %add3A_11, %add3A_12 : i32
    %dma_start3A_14 = arith.constant 0 : i32
    %dma_start3A_15 = tpu.memref_slice %arg2[%add3A_13, %dma_start3A_14] : memref<32768x768xf32, #tpu.memory_space<hbm>> -> memref<32x768xf32, #tpu.memory_space<hbm>>
    %dma_start3A_16 = arith.constant 0 : i32
    %dma_start3A_17 = tpu.memref_slice %arg2[%add3A_13, %dma_start3A_16] : memref<32768x768xf32, #tpu.memory_space<hbm>> -> memref<32x768xf32, #tpu.memory_space<hbm>>
    tpu.enqueue_dma source(%dma_start3A_17 : memref<32x768xf32, #tpu.memory_space<hbm>>) target(%arg6 : memref<32x768xf32, #tpu.memory_space<vmem>>) target_semaphore(%arg11 : memref<!tpu.dma_semaphore, #tpu.memory_space<semaphore_mem>>)
    %add3A_18 = arith.constant 0 : i32
    %add3A_19 = arith.addi %mul3A_2, %add3A_18 : i32
    %dma_start3A_20 = arith.constant 0 : i32
    %dma_start3A_21 = tpu.memref_slice %arg3[%add3A_19, %dma_start3A_20] : memref<8192x768xf32, #tpu.memory_space<hbm>> -> memref<32x768xf32, #tpu.memory_space<hbm>>
    %dma_start3A_22 = arith.constant 0 : i32
    %dma_start3A_23 = tpu.memref_slice %arg3[%add3A_19, %dma_start3A_22] : memref<8192x768xf32, #tpu.memory_space<hbm>> -> memref<32x768xf32, #tpu.memory_space<hbm>>
    tpu.enqueue_dma source(%dma_start3A_23 : memref<32x768xf32, #tpu.memory_space<hbm>>) target(%arg8 : memref<32x768xf32, #tpu.memory_space<vmem>>) target_semaphore(%arg16 : memref<!tpu.dma_semaphore, #tpu.memory_space<semaphore_mem>>)
    %dma_wait3A = arith.constant 0 : i32
    %dma_wait3A_24 = tpu.memref_slice %arg3[%add3A_19, %dma_wait3A] : memref<8192x768xf32, #tpu.memory_space<hbm>> -> memref<32x768xf32, #tpu.memory_space<hbm>>
    %dma_wait3A_25 = arith.constant 0 : i32
    %dma_wait3A_26 = tpu.memref_slice %arg3[%add3A_19, %dma_wait3A_25] : memref<8192x768xf32, #tpu.memory_space<hbm>> -> memref<32x768xf32, #tpu.memory_space<hbm>>
    tpu.wait_dma2 semaphore(%arg16 : memref<!tpu.dma_semaphore, #tpu.memory_space<semaphore_mem>>) src(%dma_wait3A_26 : memref<32x768xf32, #tpu.memory_space<hbm>>) dst(%arg8 : memref<32x768xf32, #tpu.memory_space<vmem>>)
    %add3A_27 = arith.constant 32 : i32
    %add3A_28 = arith.addi %mul3A_2, %add3A_27 : i32
    %dma_start3A_29 = arith.constant 0 : i32
    %dma_start3A_30 = tpu.memref_slice %arg3[%add3A_28, %dma_start3A_29] : memref<8192x768xf32, #tpu.memory_space<hbm>> -> memref<32x768xf32, #tpu.memory_space<hbm>>
    %dma_start3A_31 = arith.constant 0 : i32
    %dma_start3A_32 = tpu.memref_slice %arg3[%add3A_28, %dma_start3A_31] : memref<8192x768xf32, #tpu.memory_space<hbm>> -> memref<32x768xf32, #tpu.memory_space<hbm>>
    tpu.enqueue_dma source(%dma_start3A_32 : memref<32x768xf32, #tpu.memory_space<hbm>>) target(%arg9 : memref<32x768xf32, #tpu.memory_space<vmem>>) target_semaphore(%arg17 : memref<!tpu.dma_semaphore, #tpu.memory_space<semaphore_mem>>)
    %dma_wait3A_33 = arith.constant 0 : i32
    %dma_wait3A_34 = tpu.memref_slice %arg2[%add3A_6, %dma_wait3A_33] : memref<32768x768xf32, #tpu.memory_space<hbm>> -> memref<32x768xf32, #tpu.memory_space<hbm>>
    %dma_wait3A_35 = arith.constant 0 : i32
    %dma_wait3A_36 = tpu.memref_slice %arg2[%add3A_6, %dma_wait3A_35] : memref<32768x768xf32, #tpu.memory_space<hbm>> -> memref<32x768xf32, #tpu.memory_space<hbm>>
    tpu.wait_dma2 semaphore(%arg10 : memref<!tpu.dma_semaphore, #tpu.memory_space<semaphore_mem>>) src(%dma_wait3A_36 : memref<32x768xf32, #tpu.memory_space<hbm>>) dst(%arg5 : memref<32x768xf32, #tpu.memory_space<vmem>>)
    %add3A_37 = arith.constant 0 : i32
    %add3A_38 = arith.addi %add3A_37, %mul3A_2 : i32
    %add3A_39 = arith.constant 0 : i32
    %add3A_40 = arith.addi %add3A_38, %add3A_39 : i32
    %dma_start3A_41 = arith.constant 0 : i32
    %dma_start3A_42 = tpu.memref_slice %arg4[%add3A_40, %dma_start3A_41] : memref<32768x768xf32, #tpu.memory_space<hbm>> -> memref<32x768xf32, #tpu.memory_space<hbm>>
    %dma_start3A_43 = arith.constant 0 : i32
    %dma_start3A_44 = tpu.memref_slice %arg4[%add3A_40, %dma_start3A_43] : memref<32768x768xf32, #tpu.memory_space<hbm>> -> memref<32x768xf32, #tpu.memory_space<hbm>>
    tpu.enqueue_dma source(%arg5 : memref<32x768xf32, #tpu.memory_space<vmem>>) target(%dma_start3A_44 : memref<32x768xf32, #tpu.memory_space<hbm>>) target_semaphore(%arg13 : memref<!tpu.dma_semaphore, #tpu.memory_space<semaphore_mem>>)
    %add3A_45 = arith.constant 16384 : i32
    %add3A_46 = arith.addi %add3A_45, %mul3A_2 : i32
    %add3A_47 = arith.constant 0 : i32
    %add3A_48 = arith.addi %add3A_46, %add3A_47 : i32
    %dma_start3A_49 = arith.constant 0 : i32
    %dma_start3A_50 = tpu.memref_slice %arg2[%add3A_48, %dma_start3A_49] : memref<32768x768xf32, #tpu.memory_space<hbm>> -> memref<32x768xf32, #tpu.memory_space<hbm>>
    %dma_start3A_51 = arith.constant 0 : i32
    %dma_start3A_52 = tpu.memref_slice %arg2[%add3A_48, %dma_start3A_51] : memref<32768x768xf32, #tpu.memory_space<hbm>> -> memref<32x768xf32, #tpu.memory_space<hbm>>
    tpu.enqueue_dma source(%dma_start3A_52 : memref<32x768xf32, #tpu.memory_space<hbm>>) target(%arg7 : memref<32x768xf32, #tpu.memory_space<vmem>>) target_semaphore(%arg12 : memref<!tpu.dma_semaphore, #tpu.memory_space<semaphore_mem>>)
    %dma_wait3A_53 = arith.constant 0 : i32
    %dma_wait3A_54 = tpu.memref_slice %arg2[%add3A_13, %dma_wait3A_53] : memref<32768x768xf32, #tpu.memory_space<hbm>> -> memref<32x768xf32, #tpu.memory_space<hbm>>
    %dma_wait3A_55 = arith.constant 0 : i32
    %dma_wait3A_56 = tpu.memref_slice %arg2[%add3A_13, %dma_wait3A_55] : memref<32768x768xf32, #tpu.memory_space<hbm>> -> memref<32x768xf32, #tpu.memory_space<hbm>>
    tpu.wait_dma2 semaphore(%arg11 : memref<!tpu.dma_semaphore, #tpu.memory_space<semaphore_mem>>) src(%dma_wait3A_56 : memref<32x768xf32, #tpu.memory_space<hbm>>) dst(%arg6 : memref<32x768xf32, #tpu.memory_space<vmem>>)
    %add3A_57 = arith.constant 8192 : i32
    %add3A_58 = arith.addi %add3A_57, %mul3A_2 : i32
    %add3A_59 = arith.constant 0 : i32
    %add3A_60 = arith.addi %add3A_58, %add3A_59 : i32
    %dma_start3A_61 = arith.constant 0 : i32
    %dma_start3A_62 = tpu.memref_slice %arg4[%add3A_60, %dma_start3A_61] : memref<32768x768xf32, #tpu.memory_space<hbm>> -> memref<32x768xf32, #tpu.memory_space<hbm>>
    %dma_start3A_63 = arith.constant 0 : i32
    %dma_start3A_64 = tpu.memref_slice %arg4[%add3A_60, %dma_start3A_63] : memref<32768x768xf32, #tpu.memory_space<hbm>> -> memref<32x768xf32, #tpu.memory_space<hbm>>
    tpu.enqueue_dma source(%arg6 : memref<32x768xf32, #tpu.memory_space<vmem>>) target(%dma_start3A_64 : memref<32x768xf32, #tpu.memory_space<hbm>>) target_semaphore(%arg14 : memref<!tpu.dma_semaphore, #tpu.memory_space<semaphore_mem>>)
    %dma_wait3A_65 = arith.constant 0 : i32
    %dma_wait3A_66 = tpu.memref_slice %arg4[%add3A_40, %dma_wait3A_65] : memref<32768x768xf32, #tpu.memory_space<hbm>> -> memref<32x768xf32, #tpu.memory_space<hbm>>
    %dma_wait3A_67 = arith.constant 0 : i32
    %dma_wait3A_68 = tpu.memref_slice %arg4[%add3A_40, %dma_wait3A_67] : memref<32768x768xf32, #tpu.memory_space<hbm>> -> memref<32x768xf32, #tpu.memory_space<hbm>>
    tpu.wait_dma2 semaphore(%arg13 : memref<!tpu.dma_semaphore, #tpu.memory_space<semaphore_mem>>) src(%arg5 : memref<32x768xf32, #tpu.memory_space<vmem>>) dst(%dma_wait3A_68 : memref<32x768xf32, #tpu.memory_space<hbm>>)
    %add3A_69 = arith.constant 24576 : i32
    %add3A_70 = arith.addi %add3A_69, %mul3A_2 : i32
    %add3A_71 = arith.constant 0 : i32
    %add3A_72 = arith.addi %add3A_70, %add3A_71 : i32
    %dma_start3A_73 = arith.constant 0 : i32
    %dma_start3A_74 = tpu.memref_slice %arg2[%add3A_72, %dma_start3A_73] : memref<32768x768xf32, #tpu.memory_space<hbm>> -> memref<32x768xf32, #tpu.memory_space<hbm>>
    %dma_start3A_75 = arith.constant 0 : i32
    %dma_start3A_76 = tpu.memref_slice %arg2[%add3A_72, %dma_start3A_75] : memref<32768x768xf32, #tpu.memory_space<hbm>> -> memref<32x768xf32, #tpu.memory_space<hbm>>
    tpu.enqueue_dma source(%dma_start3A_76 : memref<32x768xf32, #tpu.memory_space<hbm>>) target(%arg5 : memref<32x768xf32, #tpu.memory_space<vmem>>) target_semaphore(%arg10 : memref<!tpu.dma_semaphore, #tpu.memory_space<semaphore_mem>>)
    %dma_wait3A_77 = arith.constant 0 : i32
    %dma_wait3A_78 = tpu.memref_slice %arg2[%add3A_48, %dma_wait3A_77] : memref<32768x768xf32, #tpu.memory_space<hbm>> -> memref<32x768xf32, #tpu.memory_space<hbm>>
    %dma_wait3A_79 = arith.constant 0 : i32
    %dma_wait3A_80 = tpu.memref_slice %arg2[%add3A_48, %dma_wait3A_79] : memref<32768x768xf32, #tpu.memory_space<hbm>> -> memref<32x768xf32, #tpu.memory_space<hbm>>
    tpu.wait_dma2 semaphore(%arg12 : memref<!tpu.dma_semaphore, #tpu.memory_space<semaphore_mem>>) src(%dma_wait3A_80 : memref<32x768xf32, #tpu.memory_space<hbm>>) dst(%arg7 : memref<32x768xf32, #tpu.memory_space<vmem>>)
    %add3A_81 = arith.constant 16384 : i32
    %add3A_82 = arith.addi %add3A_81, %mul3A_2 : i32
    %add3A_83 = arith.constant 0 : i32
    %add3A_84 = arith.addi %add3A_82, %add3A_83 : i32
    %dma_start3A_85 = arith.constant 0 : i32
    %dma_start3A_86 = tpu.memref_slice %arg4[%add3A_84, %dma_start3A_85] : memref<32768x768xf32, #tpu.memory_space<hbm>> -> memref<32x768xf32, #tpu.memory_space<hbm>>
    %dma_start3A_87 = arith.constant 0 : i32
    %dma_start3A_88 = tpu.memref_slice %arg4[%add3A_84, %dma_start3A_87] : memref<32768x768xf32, #tpu.memory_space<hbm>> -> memref<32x768xf32, #tpu.memory_space<hbm>>
    tpu.enqueue_dma source(%arg7 : memref<32x768xf32, #tpu.memory_space<vmem>>) target(%dma_start3A_88 : memref<32x768xf32, #tpu.memory_space<hbm>>) target_semaphore(%arg15 : memref<!tpu.dma_semaphore, #tpu.memory_space<semaphore_mem>>)
    %dma_wait3A_89 = arith.constant 0 : i32
    %dma_wait3A_90 = tpu.memref_slice %arg4[%add3A_60, %dma_wait3A_89] : memref<32768x768xf32, #tpu.memory_space<hbm>> -> memref<32x768xf32, #tpu.memory_space<hbm>>
    %dma_wait3A_91 = arith.constant 0 : i32
    %dma_wait3A_92 = tpu.memref_slice %arg4[%add3A_60, %dma_wait3A_91] : memref<32768x768xf32, #tpu.memory_space<hbm>> -> memref<32x768xf32, #tpu.memory_space<hbm>>
    tpu.wait_dma2 semaphore(%arg14 : memref<!tpu.dma_semaphore, #tpu.memory_space<semaphore_mem>>) src(%arg6 : memref<32x768xf32, #tpu.memory_space<vmem>>) dst(%dma_wait3A_92 : memref<32x768xf32, #tpu.memory_space<hbm>>)
    %add3A_93 = arith.constant 0 : i32
    %add3A_94 = arith.addi %add3A_93, %mul3A_2 : i32
    %add3A_95 = arith.constant 32 : i32
    %add3A_96 = arith.addi %add3A_94, %add3A_95 : i32
    %dma_start3A_97 = arith.constant 0 : i32
    %dma_start3A_98 = tpu.memref_slice %arg2[%add3A_96, %dma_start3A_97] : memref<32768x768xf32, #tpu.memory_space<hbm>> -> memref<32x768xf32, #tpu.memory_space<hbm>>
    %dma_start3A_99 = arith.constant 0 : i32
    %dma_start3A_100 = tpu.memref_slice %arg2[%add3A_96, %dma_start3A_99] : memref<32768x768xf32, #tpu.memory_space<hbm>> -> memref<32x768xf32, #tpu.memory_space<hbm>>
    tpu.enqueue_dma source(%dma_start3A_100 : memref<32x768xf32, #tpu.memory_space<hbm>>) target(%arg6 : memref<32x768xf32, #tpu.memory_space<vmem>>) target_semaphore(%arg11 : memref<!tpu.dma_semaphore, #tpu.memory_space<semaphore_mem>>)
    %dma_wait3A_101 = arith.constant 0 : i32
    %dma_wait3A_102 = tpu.memref_slice %arg2[%add3A_72, %dma_wait3A_101] : memref<32768x768xf32, #tpu.memory_space<hbm>> -> memref<32x768xf32, #tpu.memory_space<hbm>>
    %dma_wait3A_103 = arith.constant 0 : i32
    %dma_wait3A_104 = tpu.memref_slice %arg2[%add3A_72, %dma_wait3A_103] : memref<32768x768xf32, #tpu.memory_space<hbm>> -> memref<32x768xf32, #tpu.memory_space<hbm>>
    tpu.wait_dma2 semaphore(%arg10 : memref<!tpu.dma_semaphore, #tpu.memory_space<semaphore_mem>>) src(%dma_wait3A_104 : memref<32x768xf32, #tpu.memory_space<hbm>>) dst(%arg5 : memref<32x768xf32, #tpu.memory_space<vmem>>)
    %add3A_105 = arith.constant 24576 : i32
    %add3A_106 = arith.addi %add3A_105, %mul3A_2 : i32
    %add3A_107 = arith.constant 0 : i32
    %add3A_108 = arith.addi %add3A_106, %add3A_107 : i32
    %dma_start3A_109 = arith.constant 0 : i32
    %dma_start3A_110 = tpu.memref_slice %arg4[%add3A_108, %dma_start3A_109] : memref<32768x768xf32, #tpu.memory_space<hbm>> -> memref<32x768xf32, #tpu.memory_space<hbm>>
    %dma_start3A_111 = arith.constant 0 : i32
    %dma_start3A_112 = tpu.memref_slice %arg4[%add3A_108, %dma_start3A_111] : memref<32768x768xf32, #tpu.memory_space<hbm>> -> memref<32x768xf32, #tpu.memory_space<hbm>>
    tpu.enqueue_dma source(%arg5 : memref<32x768xf32, #tpu.memory_space<vmem>>) target(%dma_start3A_112 : memref<32x768xf32, #tpu.memory_space<hbm>>) target_semaphore(%arg13 : memref<!tpu.dma_semaphore, #tpu.memory_space<semaphore_mem>>)
    %dma_wait3A_113 = arith.constant 0 : i32
    %dma_wait3A_114 = tpu.memref_slice %arg4[%add3A_84, %dma_wait3A_113] : memref<32768x768xf32, #tpu.memory_space<hbm>> -> memref<32x768xf32, #tpu.memory_space<hbm>>
    %dma_wait3A_115 = arith.constant 0 : i32
    %dma_wait3A_116 = tpu.memref_slice %arg4[%add3A_84, %dma_wait3A_115] : memref<32768x768xf32, #tpu.memory_space<hbm>> -> memref<32x768xf32, #tpu.memory_space<hbm>>
    tpu.wait_dma2 semaphore(%arg15 : memref<!tpu.dma_semaphore, #tpu.memory_space<semaphore_mem>>) src(%arg7 : memref<32x768xf32, #tpu.memory_space<vmem>>) dst(%dma_wait3A_116 : memref<32x768xf32, #tpu.memory_space<hbm>>)
    %add3A_117 = arith.constant 8192 : i32
    %add3A_118 = arith.addi %add3A_117, %mul3A_2 : i32
    %add3A_119 = arith.constant 32 : i32
    %add3A_120 = arith.addi %add3A_118, %add3A_119 : i32
    %dma_start3A_121 = arith.constant 0 : i32
    %dma_start3A_122 = tpu.memref_slice %arg2[%add3A_120, %dma_start3A_121] : memref<32768x768xf32, #tpu.memory_space<hbm>> -> memref<32x768xf32, #tpu.memory_space<hbm>>
    %dma_start3A_123 = arith.constant 0 : i32
    %dma_start3A_124 = tpu.memref_slice %arg2[%add3A_120, %dma_start3A_123] : memref<32768x768xf32, #tpu.memory_space<hbm>> -> memref<32x768xf32, #tpu.memory_space<hbm>>
    tpu.enqueue_dma source(%dma_start3A_124 : memref<32x768xf32, #tpu.memory_space<hbm>>) target(%arg7 : memref<32x768xf32, #tpu.memory_space<vmem>>) target_semaphore(%arg12 : memref<!tpu.dma_semaphore, #tpu.memory_space<semaphore_mem>>)
    %dma_wait3A_125 = arith.constant 0 : i32
    %dma_wait3A_126 = tpu.memref_slice %arg3[%add3A_28, %dma_wait3A_125] : memref<8192x768xf32, #tpu.memory_space<hbm>> -> memref<32x768xf32, #tpu.memory_space<hbm>>
    %dma_wait3A_127 = arith.constant 0 : i32
    %dma_wait3A_128 = tpu.memref_slice %arg3[%add3A_28, %dma_wait3A_127] : memref<8192x768xf32, #tpu.memory_space<hbm>> -> memref<32x768xf32, #tpu.memory_space<hbm>>
    tpu.wait_dma2 semaphore(%arg17 : memref<!tpu.dma_semaphore, #tpu.memory_space<semaphore_mem>>) src(%dma_wait3A_128 : memref<32x768xf32, #tpu.memory_space<hbm>>) dst(%arg9 : memref<32x768xf32, #tpu.memory_space<vmem>>)
    %add3A_129 = arith.constant 64 : i32
    %add3A_130 = arith.addi %mul3A_2, %add3A_129 : i32
    %dma_start3A_131 = arith.constant 0 : i32
    %dma_start3A_132 = tpu.memref_slice %arg3[%add3A_130, %dma_start3A_131] : memref<8192x768xf32, #tpu.memory_space<hbm>> -> memref<32x768xf32, #tpu.memory_space<hbm>>
    %dma_start3A_133 = arith.constant 0 : i32
    %dma_start3A_134 = tpu.memref_slice %arg3[%add3A_130, %dma_start3A_133] : memref<8192x768xf32, #tpu.memory_space<hbm>> -> memref<32x768xf32, #tpu.memory_space<hbm>>
    tpu.enqueue_dma source(%dma_start3A_134 : memref<32x768xf32, #tpu.memory_space<hbm>>) target(%arg8 : memref<32x768xf32, #tpu.memory_space<vmem>>) target_semaphore(%arg16 : memref<!tpu.dma_semaphore, #tpu.memory_space<semaphore_mem>>)
    %dma_wait3A_135 = arith.constant 0 : i32
    %dma_wait3A_136 = tpu.memref_slice %arg2[%add3A_96, %dma_wait3A_135] : memref<32768x768xf32, #tpu.memory_space<hbm>> -> memref<32x768xf32, #tpu.memory_space<hbm>>
    %dma_wait3A_137 = arith.constant 0 : i32
    %dma_wait3A_138 = tpu.memref_slice %arg2[%add3A_96, %dma_wait3A_137] : memref<32768x768xf32, #tpu.memory_space<hbm>> -> memref<32x768xf32, #tpu.memory_space<hbm>>
    tpu.wait_dma2 semaphore(%arg11 : memref<!tpu.dma_semaphore, #tpu.memory_space<semaphore_mem>>) src(%dma_wait3A_138 : memref<32x768xf32, #tpu.memory_space<hbm>>) dst(%arg6 : memref<32x768xf32, #tpu.memory_space<vmem>>)
    %add3A_139 = arith.constant 0 : i32
    %add3A_140 = arith.addi %add3A_139, %mul3A_2 : i32
    %add3A_141 = arith.constant 32 : i32
    %add3A_142 = arith.addi %add3A_140, %add3A_141 : i32
    %dma_start3A_143 = arith.constant 0 : i32
    %dma_start3A_144 = tpu.memref_slice %arg4[%add3A_142, %dma_start3A_143] : memref<32768x768xf32, #tpu.memory_space<hbm>> -> memref<32x768xf32, #tpu.memory_space<hbm>>
    %dma_start3A_145 = arith.constant 0 : i32
    %dma_start3A_146 = tpu.memref_slice %arg4[%add3A_142, %dma_start3A_145] : memref<32768x768xf32, #tpu.memory_space<hbm>> -> memref<32x768xf32, #tpu.memory_space<hbm>>
    tpu.enqueue_dma source(%arg6 : memref<32x768xf32, #tpu.memory_space<vmem>>) target(%dma_start3A_146 : memref<32x768xf32, #tpu.memory_space<hbm>>) target_semaphore(%arg14 : memref<!tpu.dma_semaphore, #tpu.memory_space<semaphore_mem>>)
    %dma_wait3A_147 = arith.constant 0 : i32
    %dma_wait3A_148 = tpu.memref_slice %arg4[%add3A_108, %dma_wait3A_147] : memref<32768x768xf32, #tpu.memory_space<hbm>> -> memref<32x768xf32, #tpu.memory_space<hbm>>
    %dma_wait3A_149 = arith.constant 0 : i32
    %dma_wait3A_150 = tpu.memref_slice %arg4[%add3A_108, %dma_wait3A_149] : memref<32768x768xf32, #tpu.memory_space<hbm>> -> memref<32x768xf32, #tpu.memory_space<hbm>>
    tpu.wait_dma2 semaphore(%arg13 : memref<!tpu.dma_semaphore, #tpu.memory_space<semaphore_mem>>) src(%arg5 : memref<32x768xf32, #tpu.memory_space<vmem>>) dst(%dma_wait3A_150 : memref<32x768xf32, #tpu.memory_space<hbm>>)
    %add3A_151 = arith.constant 16384 : i32
    %add3A_152 = arith.addi %add3A_151, %mul3A_2 : i32
    %add3A_153 = arith.constant 32 : i32
    %add3A_154 = arith.addi %add3A_152, %add3A_153 : i32
    %dma_start3A_155 = arith.constant 0 : i32
    %dma_start3A_156 = tpu.memref_slice %arg2[%add3A_154, %dma_start3A_155] : memref<32768x768xf32, #tpu.memory_space<hbm>> -> memref<32x768xf32, #tpu.memory_space<hbm>>
    %dma_start3A_157 = arith.constant 0 : i32
    %dma_start3A_158 = tpu.memref_slice %arg2[%add3A_154, %dma_start3A_157] : memref<32768x768xf32, #tpu.memory_space<hbm>> -> memref<32x768xf32, #tpu.memory_space<hbm>>
    tpu.enqueue_dma source(%dma_start3A_158 : memref<32x768xf32, #tpu.memory_space<hbm>>) target(%arg5 : memref<32x768xf32, #tpu.memory_space<vmem>>) target_semaphore(%arg10 : memref<!tpu.dma_semaphore, #tpu.memory_space<semaphore_mem>>)
    %dma_wait3A_159 = arith.constant 0 : i32
    %dma_wait3A_160 = tpu.memref_slice %arg2[%add3A_120, %dma_wait3A_159] : memref<32768x768xf32, #tpu.memory_space<hbm>> -> memref<32x768xf32, #tpu.memory_space<hbm>>
    %dma_wait3A_161 = arith.constant 0 : i32
    %dma_wait3A_162 = tpu.memref_slice %arg2[%add3A_120, %dma_wait3A_161] : memref<32768x768xf32, #tpu.memory_space<hbm>> -> memref<32x768xf32, #tpu.memory_space<hbm>>
    tpu.wait_dma2 semaphore(%arg12 : memref<!tpu.dma_semaphore, #tpu.memory_space<semaphore_mem>>) src(%dma_wait3A_162 : memref<32x768xf32, #tpu.memory_space<hbm>>) dst(%arg7 : memref<32x768xf32, #tpu.memory_space<vmem>>)
    %add3A_163 = arith.constant 8192 : i32
    %add3A_164 = arith.addi %add3A_163, %mul3A_2 : i32
    %add3A_165 = arith.constant 32 : i32
    %add3A_166 = arith.addi %add3A_164, %add3A_165 : i32
    %dma_start3A_167 = arith.constant 0 : i32
    %dma_start3A_168 = tpu.memref_slice %arg4[%add3A_166, %dma_start3A_167] : memref<32768x768xf32, #tpu.memory_space<hbm>> -> memref<32x768xf32, #tpu.memory_space<hbm>>
    %dma_start3A_169 = arith.constant 0 : i32
    %dma_start3A_170 = tpu.memref_slice %arg4[%add3A_166, %dma_start3A_169] : memref<32768x768xf32, #tpu.memory_space<hbm>> -> memref<32x768xf32, #tpu.memory_space<hbm>>
    tpu.enqueue_dma source(%arg7 : memref<32x768xf32, #tpu.memory_space<vmem>>) target(%dma_start3A_170 : memref<32x768xf32, #tpu.memory_space<hbm>>) target_semaphore(%arg15 : memref<!tpu.dma_semaphore, #tpu.memory_space<semaphore_mem>>)
    %dma_wait3A_171 = arith.constant 0 : i32
    %dma_wait3A_172 = tpu.memref_slice %arg4[%add3A_142, %dma_wait3A_171] : memref<32768x768xf32, #tpu.memory_space<hbm>> -> memref<32x768xf32, #tpu.memory_space<hbm>>
    %dma_wait3A_173 = arith.constant 0 : i32
    %dma_wait3A_174 = tpu.memref_slice %arg4[%add3A_142, %dma_wait3A_173] : memref<32768x768xf32, #tpu.memory_space<hbm>> -> memref<32x768xf32, #tpu.memory_space<hbm>>
    tpu.wait_dma2 semaphore(%arg14 : memref<!tpu.dma_semaphore, #tpu.memory_space<semaphore_mem>>) src(%arg6 : memref<32x768xf32, #tpu.memory_space<vmem>>) dst(%dma_wait3A_174 : memref<32x768xf32, #tpu.memory_space<hbm>>)
    %add3A_175 = arith.constant 24576 : i32
    %add3A_176 = arith.addi %add3A_175, %mul3A_2 : i32
    %add3A_177 = arith.constant 32 : i32
    %add3A_178 = arith.addi %add3A_176, %add3A_177 : i32
    %dma_start3A_179 = arith.constant 0 : i32
    %dma_start3A_180 = tpu.memref_slice %arg2[%add3A_178, %dma_start3A_179] : memref<32768x768xf32, #tpu.memory_space<hbm>> -> memref<32x768xf32, #tpu.memory_space<hbm>>
    %dma_start3A_181 = arith.constant 0 : i32
    %dma_start3A_182 = tpu.memref_slice %arg2[%add3A_178, %dma_start3A_181] : memref<32768x768xf32, #tpu.memory_space<hbm>> -> memref<32x768xf32, #tpu.memory_space<hbm>>
    tpu.enqueue_dma source(%dma_start3A_182 : memref<32x768xf32, #tpu.memory_space<hbm>>) target(%arg6 : memref<32x768xf32, #tpu.memory_space<vmem>>) target_semaphore(%arg11 : memref<!tpu.dma_semaphore, #tpu.memory_space<semaphore_mem>>)
    %dma_wait3A_183 = arith.constant 0 : i32
    %dma_wait3A_184 = tpu.memref_slice %arg2[%add3A_154, %dma_wait3A_183] : memref<32768x768xf32, #tpu.memory_space<hbm>> -> memref<32x768xf32, #tpu.memory_space<hbm>>
    %dma_wait3A_185 = arith.constant 0 : i32
    %dma_wait3A_186 = tpu.memref_slice %arg2[%add3A_154, %dma_wait3A_185] : memref<32768x768xf32, #tpu.memory_space<hbm>> -> memref<32x768xf32, #tpu.memory_space<hbm>>
    tpu.wait_dma2 semaphore(%arg10 : memref<!tpu.dma_semaphore, #tpu.memory_space<semaphore_mem>>) src(%dma_wait3A_186 : memref<32x768xf32, #tpu.memory_space<hbm>>) dst(%arg5 : memref<32x768xf32, #tpu.memory_space<vmem>>)
    %add3A_187 = arith.constant 16384 : i32
    %add3A_188 = arith.addi %add3A_187, %mul3A_2 : i32
    %add3A_189 = arith.constant 32 : i32
    %add3A_190 = arith.addi %add3A_188, %add3A_189 : i32
    %dma_start3A_191 = arith.constant 0 : i32
    %dma_start3A_192 = tpu.memref_slice %arg4[%add3A_190, %dma_start3A_191] : memref<32768x768xf32, #tpu.memory_space<hbm>> -> memref<32x768xf32, #tpu.memory_space<hbm>>
    %dma_start3A_193 = arith.constant 0 : i32
    %dma_start3A_194 = tpu.memref_slice %arg4[%add3A_190, %dma_start3A_193] : memref<32768x768xf32, #tpu.memory_space<hbm>> -> memref<32x768xf32, #tpu.memory_space<hbm>>
    tpu.enqueue_dma source(%arg5 : memref<32x768xf32, #tpu.memory_space<vmem>>) target(%dma_start3A_194 : memref<32x768xf32, #tpu.memory_space<hbm>>) target_semaphore(%arg13 : memref<!tpu.dma_semaphore, #tpu.memory_space<semaphore_mem>>)
    %dma_wait3A_195 = arith.constant 0 : i32
    %dma_wait3A_196 = tpu.memref_slice %arg4[%add3A_166, %dma_wait3A_195] : memref<32768x768xf32, #tpu.memory_space<hbm>> -> memref<32x768xf32, #tpu.memory_space<hbm>>
    %dma_wait3A_197 = arith.constant 0 : i32
    %dma_wait3A_198 = tpu.memref_slice %arg4[%add3A_166, %dma_wait3A_197] : memref<32768x768xf32, #tpu.memory_space<hbm>> -> memref<32x768xf32, #tpu.memory_space<hbm>>
    tpu.wait_dma2 semaphore(%arg15 : memref<!tpu.dma_semaphore, #tpu.memory_space<semaphore_mem>>) src(%arg7 : memref<32x768xf32, #tpu.memory_space<vmem>>) dst(%dma_wait3A_198 : memref<32x768xf32, #tpu.memory_space<hbm>>)
    %add3A_199 = arith.constant 0 : i32
    %add3A_200 = arith.addi %add3A_199, %mul3A_2 : i32
    %add3A_201 = arith.constant 64 : i32
    %add3A_202 = arith.addi %add3A_200, %add3A_201 : i32
    %dma_start3A_203 = arith.constant 0 : i32
    %dma_start3A_204 = tpu.memref_slice %arg2[%add3A_202, %dma_start3A_203] : memref<32768x768xf32, #tpu.memory_space<hbm>> -> memref<32x768xf32, #tpu.memory_space<hbm>>
    %dma_start3A_205 = arith.constant 0 : i32
    %dma_start3A_206 = tpu.memref_slice %arg2[%add3A_202, %dma_start3A_205] : memref<32768x768xf32, #tpu.memory_space<hbm>> -> memref<32x768xf32, #tpu.memory_space<hbm>>
    tpu.enqueue_dma source(%dma_start3A_206 : memref<32x768xf32, #tpu.memory_space<hbm>>) target(%arg7 : memref<32x768xf32, #tpu.memory_space<vmem>>) target_semaphore(%arg12 : memref<!tpu.dma_semaphore, #tpu.memory_space<semaphore_mem>>)
    %dma_wait3A_207 = arith.constant 0 : i32
    %dma_wait3A_208 = tpu.memref_slice %arg2[%add3A_178, %dma_wait3A_207] : memref<32768x768xf32, #tpu.memory_space<hbm>> -> memref<32x768xf32, #tpu.memory_space<hbm>>
    %dma_wait3A_209 = arith.constant 0 : i32
    %dma_wait3A_210 = tpu.memref_slice %arg2[%add3A_178, %dma_wait3A_209] : memref<32768x768xf32, #tpu.memory_space<hbm>> -> memref<32x768xf32, #tpu.memory_space<hbm>>
    tpu.wait_dma2 semaphore(%arg11 : memref<!tpu.dma_semaphore, #tpu.memory_space<semaphore_mem>>) src(%dma_wait3A_210 : memref<32x768xf32, #tpu.memory_space<hbm>>) dst(%arg6 : memref<32x768xf32, #tpu.memory_space<vmem>>)
    %add3A_211 = arith.constant 24576 : i32
    %add3A_212 = arith.addi %add3A_211, %mul3A_2 : i32
    %add3A_213 = arith.constant 32 : i32
    %add3A_214 = arith.addi %add3A_212, %add3A_213 : i32
    %dma_start3A_215 = arith.constant 0 : i32
    %dma_start3A_216 = tpu.memref_slice %arg4[%add3A_214, %dma_start3A_215] : memref<32768x768xf32, #tpu.memory_space<hbm>> -> memref<32x768xf32, #tpu.memory_space<hbm>>
    %dma_start3A_217 = arith.constant 0 : i32
    %dma_start3A_218 = tpu.memref_slice %arg4[%add3A_214, %dma_start3A_217] : memref<32768x768xf32, #tpu.memory_space<hbm>> -> memref<32x768xf32, #tpu.memory_space<hbm>>
    tpu.enqueue_dma source(%arg6 : memref<32x768xf32, #tpu.memory_space<vmem>>) target(%dma_start3A_218 : memref<32x768xf32, #tpu.memory_space<hbm>>) target_semaphore(%arg14 : memref<!tpu.dma_semaphore, #tpu.memory_space<semaphore_mem>>)
    %dma_wait3A_219 = arith.constant 0 : i32
    %dma_wait3A_220 = tpu.memref_slice %arg4[%add3A_190, %dma_wait3A_219] : memref<32768x768xf32, #tpu.memory_space<hbm>> -> memref<32x768xf32, #tpu.memory_space<hbm>>
    %dma_wait3A_221 = arith.constant 0 : i32
    %dma_wait3A_222 = tpu.memref_slice %arg4[%add3A_190, %dma_wait3A_221] : memref<32768x768xf32, #tpu.memory_space<hbm>> -> memref<32x768xf32, #tpu.memory_space<hbm>>
    tpu.wait_dma2 semaphore(%arg13 : memref<!tpu.dma_semaphore, #tpu.memory_space<semaphore_mem>>) src(%arg5 : memref<32x768xf32, #tpu.memory_space<vmem>>) dst(%dma_wait3A_222 : memref<32x768xf32, #tpu.memory_space<hbm>>)
    %add3A_223 = arith.constant 8192 : i32
    %add3A_224 = arith.addi %add3A_223, %mul3A_2 : i32
    %add3A_225 = arith.constant 64 : i32
    %add3A_226 = arith.addi %add3A_224, %add3A_225 : i32
    %dma_start3A_227 = arith.constant 0 : i32
    %dma_start3A_228 = tpu.memref_slice %arg2[%add3A_226, %dma_start3A_227] : memref<32768x768xf32, #tpu.memory_space<hbm>> -> memref<32x768xf32, #tpu.memory_space<hbm>>
    %dma_start3A_229 = arith.constant 0 : i32
    %dma_start3A_230 = tpu.memref_slice %arg2[%add3A_226, %dma_start3A_229] : memref<32768x768xf32, #tpu.memory_space<hbm>> -> memref<32x768xf32, #tpu.memory_space<hbm>>
    tpu.enqueue_dma source(%dma_start3A_230 : memref<32x768xf32, #tpu.memory_space<hbm>>) target(%arg5 : memref<32x768xf32, #tpu.memory_space<vmem>>) target_semaphore(%arg10 : memref<!tpu.dma_semaphore, #tpu.memory_space<semaphore_mem>>)
    %dma_wait3A_231 = arith.constant 0 : i32
    %dma_wait3A_232 = tpu.memref_slice %arg3[%add3A_130, %dma_wait3A_231] : memref<8192x768xf32, #tpu.memory_space<hbm>> -> memref<32x768xf32, #tpu.memory_space<hbm>>
    %dma_wait3A_233 = arith.constant 0 : i32
    %dma_wait3A_234 = tpu.memref_slice %arg3[%add3A_130, %dma_wait3A_233] : memref<8192x768xf32, #tpu.memory_space<hbm>> -> memref<32x768xf32, #tpu.memory_space<hbm>>
    tpu.wait_dma2 semaphore(%arg16 : memref<!tpu.dma_semaphore, #tpu.memory_space<semaphore_mem>>) src(%dma_wait3A_234 : memref<32x768xf32, #tpu.memory_space<hbm>>) dst(%arg8 : memref<32x768xf32, #tpu.memory_space<vmem>>)
    %add3A_235 = arith.constant 96 : i32
    %add3A_236 = arith.addi %mul3A_2, %add3A_235 : i32
    %dma_start3A_237 = arith.constant 0 : i32
    %dma_start3A_238 = tpu.memref_slice %arg3[%add3A_236, %dma_start3A_237] : memref<8192x768xf32, #tpu.memory_space<hbm>> -> memref<32x768xf32, #tpu.memory_space<hbm>>
    %dma_start3A_239 = arith.constant 0 : i32
    %dma_start3A_240 = tpu.memref_slice %arg3[%add3A_236, %dma_start3A_239] : memref<8192x768xf32, #tpu.memory_space<hbm>> -> memref<32x768xf32, #tpu.memory_space<hbm>>
    tpu.enqueue_dma source(%dma_start3A_240 : memref<32x768xf32, #tpu.memory_space<hbm>>) target(%arg9 : memref<32x768xf32, #tpu.memory_space<vmem>>) target_semaphore(%arg17 : memref<!tpu.dma_semaphore, #tpu.memory_space<semaphore_mem>>)
    %dma_wait3A_241 = arith.constant 0 : i32
    %dma_wait3A_242 = tpu.memref_slice %arg2[%add3A_202, %dma_wait3A_241] : memref<32768x768xf32, #tpu.memory_space<hbm>> -> memref<32x768xf32, #tpu.memory_space<hbm>>
    %dma_wait3A_243 = arith.constant 0 : i32
    %dma_wait3A_244 = tpu.memref_slice %arg2[%add3A_202, %dma_wait3A_243] : memref<32768x768xf32, #tpu.memory_space<hbm>> -> memref<32x768xf32, #tpu.memory_space<hbm>>
    tpu.wait_dma2 semaphore(%arg12 : memref<!tpu.dma_semaphore, #tpu.memory_space<semaphore_mem>>) src(%dma_wait3A_244 : memref<32x768xf32, #tpu.memory_space<hbm>>) dst(%arg7 : memref<32x768xf32, #tpu.memory_space<vmem>>)
    %add3A_245 = arith.constant 0 : i32
    %add3A_246 = arith.addi %add3A_245, %mul3A_2 : i32
    %add3A_247 = arith.constant 64 : i32
    %add3A_248 = arith.addi %add3A_246, %add3A_247 : i32
    %dma_start3A_249 = arith.constant 0 : i32
    %dma_start3A_250 = tpu.memref_slice %arg4[%add3A_248, %dma_start3A_249] : memref<32768x768xf32, #tpu.memory_space<hbm>> -> memref<32x768xf32, #tpu.memory_space<hbm>>
    %dma_start3A_251 = arith.constant 0 : i32
    %dma_start3A_252 = tpu.memref_slice %arg4[%add3A_248, %dma_start3A_251] : memref<32768x768xf32, #tpu.memory_space<hbm>> -> memref<32x768xf32, #tpu.memory_space<hbm>>
    tpu.enqueue_dma source(%arg7 : memref<32x768xf32, #tpu.memory_space<vmem>>) target(%dma_start3A_252 : memref<32x768xf32, #tpu.memory_space<hbm>>) target_semaphore(%arg15 : memref<!tpu.dma_semaphore, #tpu.memory_space<semaphore_mem>>)
    %dma_wait3A_253 = arith.constant 0 : i32
    %dma_wait3A_254 = tpu.memref_slice %arg4[%add3A_214, %dma_wait3A_253] : memref<32768x768xf32, #tpu.memory_space<hbm>> -> memref<32x768xf32, #tpu.memory_space<hbm>>
    %dma_wait3A_255 = arith.constant 0 : i32
    %dma_wait3A_256 = tpu.memref_slice %arg4[%add3A_214, %dma_wait3A_255] : memref<32768x768xf32, #tpu.memory_space<hbm>> -> memref<32x768xf32, #tpu.memory_space<hbm>>
    tpu.wait_dma2 semaphore(%arg14 : memref<!tpu.dma_semaphore, #tpu.memory_space<semaphore_mem>>) src(%arg6 : memref<32x768xf32, #tpu.memory_space<vmem>>) dst(%dma_wait3A_256 : memref<32x768xf32, #tpu.memory_space<hbm>>)
    %add3A_257 = arith.constant 16384 : i32
    %add3A_258 = arith.addi %add3A_257, %mul3A_2 : i32
    %add3A_259 = arith.constant 64 : i32
    %add3A_260 = arith.addi %add3A_258, %add3A_259 : i32
    %dma_start3A_261 = arith.constant 0 : i32
    %dma_start3A_262 = tpu.memref_slice %arg2[%add3A_260, %dma_start3A_261] : memref<32768x768xf32, #tpu.memory_space<hbm>> -> memref<32x768xf32, #tpu.memory_space<hbm>>
    %dma_start3A_263 = arith.constant 0 : i32
    %dma_start3A_264 = tpu.memref_slice %arg2[%add3A_260, %dma_start3A_263] : memref<32768x768xf32, #tpu.memory_space<hbm>> -> memref<32x768xf32, #tpu.memory_space<hbm>>
    tpu.enqueue_dma source(%dma_start3A_264 : memref<32x768xf32, #tpu.memory_space<hbm>>) target(%arg6 : memref<32x768xf32, #tpu.memory_space<vmem>>) target_semaphore(%arg11 : memref<!tpu.dma_semaphore, #tpu.memory_space<semaphore_mem>>)
    %dma_wait3A_265 = arith.constant 0 : i32
    %dma_wait3A_266 = tpu.memref_slice %arg2[%add3A_226, %dma_wait3A_265] : memref<32768x768xf32, #tpu.memory_space<hbm>> -> memref<32x768xf32, #tpu.memory_space<hbm>>
    %dma_wait3A_267 = arith.constant 0 : i32
    %dma_wait3A_268 = tpu.memref_slice %arg2[%add3A_226, %dma_wait3A_267] : memref<32768x768xf32, #tpu.memory_space<hbm>> -> memref<32x768xf32, #tpu.memory_space<hbm>>
    tpu.wait_dma2 semaphore(%arg10 : memref<!tpu.dma_semaphore, #tpu.memory_space<semaphore_mem>>) src(%dma_wait3A_268 : memref<32x768xf32, #tpu.memory_space<hbm>>) dst(%arg5 : memref<32x768xf32, #tpu.memory_space<vmem>>)
    %add3A_269 = arith.constant 8192 : i32
    %add3A_270 = arith.addi %add3A_269, %mul3A_2 : i32
    %add3A_271 = arith.constant 64 : i32
    %add3A_272 = arith.addi %add3A_270, %add3A_271 : i32
    %dma_start3A_273 = arith.constant 0 : i32
    %dma_start3A_274 = tpu.memref_slice %arg4[%add3A_272, %dma_start3A_273] : memref<32768x768xf32, #tpu.memory_space<hbm>> -> memref<32x768xf32, #tpu.memory_space<hbm>>
    %dma_start3A_275 = arith.constant 0 : i32
    %dma_start3A_276 = tpu.memref_slice %arg4[%add3A_272, %dma_start3A_275] : memref<32768x768xf32, #tpu.memory_space<hbm>> -> memref<32x768xf32, #tpu.memory_space<hbm>>
    tpu.enqueue_dma source(%arg5 : memref<32x768xf32, #tpu.memory_space<vmem>>) target(%dma_start3A_276 : memref<32x768xf32, #tpu.memory_space<hbm>>) target_semaphore(%arg13 : memref<!tpu.dma_semaphore, #tpu.memory_space<semaphore_mem>>)
    %dma_wait3A_277 = arith.constant 0 : i32
    %dma_wait3A_278 = tpu.memref_slice %arg4[%add3A_248, %dma_wait3A_277] : memref<32768x768xf32, #tpu.memory_space<hbm>> -> memref<32x768xf32, #tpu.memory_space<hbm>>
    %dma_wait3A_279 = arith.constant 0 : i32
    %dma_wait3A_280 = tpu.memref_slice %arg4[%add3A_248, %dma_wait3A_279] : memref<32768x768xf32, #tpu.memory_space<hbm>> -> memref<32x768xf32, #tpu.memory_space<hbm>>
    tpu.wait_dma2 semaphore(%arg15 : memref<!tpu.dma_semaphore, #tpu.memory_space<semaphore_mem>>) src(%arg7 : memref<32x768xf32, #tpu.memory_space<vmem>>) dst(%dma_wait3A_280 : memref<32x768xf32, #tpu.memory_space<hbm>>)
    %add3A_281 = arith.constant 24576 : i32
    %add3A_282 = arith.addi %add3A_281, %mul3A_2 : i32
    %add3A_283 = arith.constant 64 : i32
    %add3A_284 = arith.addi %add3A_282, %add3A_283 : i32
    %dma_start3A_285 = arith.constant 0 : i32
    %dma_start3A_286 = tpu.memref_slice %arg2[%add3A_284, %dma_start3A_285] : memref<32768x768xf32, #tpu.memory_space<hbm>> -> memref<32x768xf32, #tpu.memory_space<hbm>>
    %dma_start3A_287 = arith.constant 0 : i32
    %dma_start3A_288 = tpu.memref_slice %arg2[%add3A_284, %dma_start3A_287] : memref<32768x768xf32, #tpu.memory_space<hbm>> -> memref<32x768xf32, #tpu.memory_space<hbm>>
    tpu.enqueue_dma source(%dma_start3A_288 : memref<32x768xf32, #tpu.memory_space<hbm>>) target(%arg7 : memref<32x768xf32, #tpu.memory_space<vmem>>) target_semaphore(%arg12 : memref<!tpu.dma_semaphore, #tpu.memory_space<semaphore_mem>>)
    %dma_wait3A_289 = arith.constant 0 : i32
    %dma_wait3A_290 = tpu.memref_slice %arg2[%add3A_260, %dma_wait3A_289] : memref<32768x768xf32, #tpu.memory_space<hbm>> -> memref<32x768xf32, #tpu.memory_space<hbm>>
    %dma_wait3A_291 = arith.constant 0 : i32
    %dma_wait3A_292 = tpu.memref_slice %arg2[%add3A_260, %dma_wait3A_291] : memref<32768x768xf32, #tpu.memory_space<hbm>> -> memref<32x768xf32, #tpu.memory_space<hbm>>
    tpu.wait_dma2 semaphore(%arg11 : memref<!tpu.dma_semaphore, #tpu.memory_space<semaphore_mem>>) src(%dma_wait3A_292 : memref<32x768xf32, #tpu.memory_space<hbm>>) dst(%arg6 : memref<32x768xf32, #tpu.memory_space<vmem>>)
    %add3A_293 = arith.constant 16384 : i32
    %add3A_294 = arith.addi %add3A_293, %mul3A_2 : i32
    %add3A_295 = arith.constant 64 : i32
    %add3A_296 = arith.addi %add3A_294, %add3A_295 : i32
    %dma_start3A_297 = arith.constant 0 : i32
    %dma_start3A_298 = tpu.memref_slice %arg4[%add3A_296, %dma_start3A_297] : memref<32768x768xf32, #tpu.memory_space<hbm>> -> memref<32x768xf32, #tpu.memory_space<hbm>>
    %dma_start3A_299 = arith.constant 0 : i32
    %dma_start3A_300 = tpu.memref_slice %arg4[%add3A_296, %dma_start3A_299] : memref<32768x768xf32, #tpu.memory_space<hbm>> -> memref<32x768xf32, #tpu.memory_space<hbm>>
    tpu.enqueue_dma source(%arg6 : memref<32x768xf32, #tpu.memory_space<vmem>>) target(%dma_start3A_300 : memref<32x768xf32, #tpu.memory_space<hbm>>) target_semaphore(%arg14 : memref<!tpu.dma_semaphore, #tpu.memory_space<semaphore_mem>>)
    %dma_wait3A_301 = arith.constant 0 : i32
    %dma_wait3A_302 = tpu.memref_slice %arg4[%add3A_272, %dma_wait3A_301] : memref<32768x768xf32, #tpu.memory_space<hbm>> -> memref<32x768xf32, #tpu.memory_space<hbm>>
    %dma_wait3A_303 = arith.constant 0 : i32
    %dma_wait3A_304 = tpu.memref_slice %arg4[%add3A_272, %dma_wait3A_303] : memref<32768x768xf32, #tpu.memory_space<hbm>> -> memref<32x768xf32, #tpu.memory_space<hbm>>
    tpu.wait_dma2 semaphore(%arg13 : memref<!tpu.dma_semaphore, #tpu.memory_space<semaphore_mem>>) src(%arg5 : memref<32x768xf32, #tpu.memory_space<vmem>>) dst(%dma_wait3A_304 : memref<32x768xf32, #tpu.memory_space<hbm>>)
    %add3A_305 = arith.constant 0 : i32
    %add3A_306 = arith.addi %add3A_305, %mul3A_2 : i32
    %add3A_307 = arith.constant 96 : i32
    %add3A_308 = arith.addi %add3A_306, %add3A_307 : i32
    %dma_start3A_309 = arith.constant 0 : i32
    %dma_start3A_310 = tpu.memref_slice %arg2[%add3A_308, %dma_start3A_309] : memref<32768x768xf32, #tpu.memory_space<hbm>> -> memref<32x768xf32, #tpu.memory_space<hbm>>
    %dma_start3A_311 = arith.constant 0 : i32
    %dma_start3A_312 = tpu.memref_slice %arg2[%add3A_308, %dma_start3A_311] : memref<32768x768xf32, #tpu.memory_space<hbm>> -> memref<32x768xf32, #tpu.memory_space<hbm>>
    tpu.enqueue_dma source(%dma_start3A_312 : memref<32x768xf32, #tpu.memory_space<hbm>>) target(%arg5 : memref<32x768xf32, #tpu.memory_space<vmem>>) target_semaphore(%arg10 : memref<!tpu.dma_semaphore, #tpu.memory_space<semaphore_mem>>)
    %dma_wait3A_313 = arith.constant 0 : i32
    %dma_wait3A_314 = tpu.memref_slice %arg2[%add3A_284, %dma_wait3A_313] : memref<32768x768xf32, #tpu.memory_space<hbm>> -> memref<32x768xf32, #tpu.memory_space<hbm>>
    %dma_wait3A_315 = arith.constant 0 : i32
    %dma_wait3A_316 = tpu.memref_slice %arg2[%add3A_284, %dma_wait3A_315] : memref<32768x768xf32, #tpu.memory_space<hbm>> -> memref<32x768xf32, #tpu.memory_space<hbm>>
    tpu.wait_dma2 semaphore(%arg12 : memref<!tpu.dma_semaphore, #tpu.memory_space<semaphore_mem>>) src(%dma_wait3A_316 : memref<32x768xf32, #tpu.memory_space<hbm>>) dst(%arg7 : memref<32x768xf32, #tpu.memory_space<vmem>>)
    %add3A_317 = arith.constant 24576 : i32
    %add3A_318 = arith.addi %add3A_317, %mul3A_2 : i32
    %add3A_319 = arith.constant 64 : i32
    %add3A_320 = arith.addi %add3A_318, %add3A_319 : i32
    %dma_start3A_321 = arith.constant 0 : i32
    %dma_start3A_322 = tpu.memref_slice %arg4[%add3A_320, %dma_start3A_321] : memref<32768x768xf32, #tpu.memory_space<hbm>> -> memref<32x768xf32, #tpu.memory_space<hbm>>
    %dma_start3A_323 = arith.constant 0 : i32
    %dma_start3A_324 = tpu.memref_slice %arg4[%add3A_320, %dma_start3A_323] : memref<32768x768xf32, #tpu.memory_space<hbm>> -> memref<32x768xf32, #tpu.memory_space<hbm>>
    tpu.enqueue_dma source(%arg7 : memref<32x768xf32, #tpu.memory_space<vmem>>) target(%dma_start3A_324 : memref<32x768xf32, #tpu.memory_space<hbm>>) target_semaphore(%arg15 : memref<!tpu.dma_semaphore, #tpu.memory_space<semaphore_mem>>)
    %dma_wait3A_325 = arith.constant 0 : i32
    %dma_wait3A_326 = tpu.memref_slice %arg4[%add3A_296, %dma_wait3A_325] : memref<32768x768xf32, #tpu.memory_space<hbm>> -> memref<32x768xf32, #tpu.memory_space<hbm>>
    %dma_wait3A_327 = arith.constant 0 : i32
    %dma_wait3A_328 = tpu.memref_slice %arg4[%add3A_296, %dma_wait3A_327] : memref<32768x768xf32, #tpu.memory_space<hbm>> -> memref<32x768xf32, #tpu.memory_space<hbm>>
    tpu.wait_dma2 semaphore(%arg14 : memref<!tpu.dma_semaphore, #tpu.memory_space<semaphore_mem>>) src(%arg6 : memref<32x768xf32, #tpu.memory_space<vmem>>) dst(%dma_wait3A_328 : memref<32x768xf32, #tpu.memory_space<hbm>>)
    %add3A_329 = arith.constant 8192 : i32
    %add3A_330 = arith.addi %add3A_329, %mul3A_2 : i32
    %add3A_331 = arith.constant 96 : i32
    %add3A_332 = arith.addi %add3A_330, %add3A_331 : i32
    %dma_start3A_333 = arith.constant 0 : i32
    %dma_start3A_334 = tpu.memref_slice %arg2[%add3A_332, %dma_start3A_333] : memref<32768x768xf32, #tpu.memory_space<hbm>> -> memref<32x768xf32, #tpu.memory_space<hbm>>
    %dma_start3A_335 = arith.constant 0 : i32
    %dma_start3A_336 = tpu.memref_slice %arg2[%add3A_332, %dma_start3A_335] : memref<32768x768xf32, #tpu.memory_space<hbm>> -> memref<32x768xf32, #tpu.memory_space<hbm>>
    tpu.enqueue_dma source(%dma_start3A_336 : memref<32x768xf32, #tpu.memory_space<hbm>>) target(%arg6 : memref<32x768xf32, #tpu.memory_space<vmem>>) target_semaphore(%arg11 : memref<!tpu.dma_semaphore, #tpu.memory_space<semaphore_mem>>)
    %dma_wait3A_337 = arith.constant 0 : i32
    %dma_wait3A_338 = tpu.memref_slice %arg3[%add3A_236, %dma_wait3A_337] : memref<8192x768xf32, #tpu.memory_space<hbm>> -> memref<32x768xf32, #tpu.memory_space<hbm>>
    %dma_wait3A_339 = arith.constant 0 : i32
    %dma_wait3A_340 = tpu.memref_slice %arg3[%add3A_236, %dma_wait3A_339] : memref<8192x768xf32, #tpu.memory_space<hbm>> -> memref<32x768xf32, #tpu.memory_space<hbm>>
    tpu.wait_dma2 semaphore(%arg17 : memref<!tpu.dma_semaphore, #tpu.memory_space<semaphore_mem>>) src(%dma_wait3A_340 : memref<32x768xf32, #tpu.memory_space<hbm>>) dst(%arg9 : memref<32x768xf32, #tpu.memory_space<vmem>>)
    %add3A_341 = arith.constant 128 : i32
    %add3A_342 = arith.addi %mul3A_2, %add3A_341 : i32
    %dma_start3A_343 = arith.constant 0 : i32
    %dma_start3A_344 = tpu.memref_slice %arg3[%add3A_342, %dma_start3A_343] : memref<8192x768xf32, #tpu.memory_space<hbm>> -> memref<32x768xf32, #tpu.memory_space<hbm>>
    %dma_start3A_345 = arith.constant 0 : i32
    %dma_start3A_346 = tpu.memref_slice %arg3[%add3A_342, %dma_start3A_345] : memref<8192x768xf32, #tpu.memory_space<hbm>> -> memref<32x768xf32, #tpu.memory_space<hbm>>
    tpu.enqueue_dma source(%dma_start3A_346 : memref<32x768xf32, #tpu.memory_space<hbm>>) target(%arg8 : memref<32x768xf32, #tpu.memory_space<vmem>>) target_semaphore(%arg16 : memref<!tpu.dma_semaphore, #tpu.memory_space<semaphore_mem>>)
    %dma_wait3A_347 = arith.constant 0 : i32
    %dma_wait3A_348 = tpu.memref_slice %arg2[%add3A_308, %dma_wait3A_347] : memref<32768x768xf32, #tpu.memory_space<hbm>> -> memref<32x768xf32, #tpu.memory_space<hbm>>
    %dma_wait3A_349 = arith.constant 0 : i32
    %dma_wait3A_350 = tpu.memref_slice %arg2[%add3A_308, %dma_wait3A_349] : memref<32768x768xf32, #tpu.memory_space<hbm>> -> memref<32x768xf32, #tpu.memory_space<hbm>>
    tpu.wait_dma2 semaphore(%arg10 : memref<!tpu.dma_semaphore, #tpu.memory_space<semaphore_mem>>) src(%dma_wait3A_350 : memref<32x768xf32, #tpu.memory_space<hbm>>) dst(%arg5 : memref<32x768xf32, #tpu.memory_space<vmem>>)
    %add3A_351 = arith.constant 0 : i32
    %add3A_352 = arith.addi %add3A_351, %mul3A_2 : i32
    %add3A_353 = arith.constant 96 : i32
    %add3A_354 = arith.addi %add3A_352, %add3A_353 : i32
    %dma_start3A_355 = arith.constant 0 : i32
    %dma_start3A_356 = tpu.memref_slice %arg4[%add3A_354, %dma_start3A_355] : memref<32768x768xf32, #tpu.memory_space<hbm>> -> memref<32x768xf32, #tpu.memory_space<hbm>>
    %dma_start3A_357 = arith.constant 0 : i32
    %dma_start3A_358 = tpu.memref_slice %arg4[%add3A_354, %dma_start3A_357] : memref<32768x768xf32, #tpu.memory_space<hbm>> -> memref<32x768xf32, #tpu.memory_space<hbm>>
    tpu.enqueue_dma source(%arg5 : memref<32x768xf32, #tpu.memory_space<vmem>>) target(%dma_start3A_358 : memref<32x768xf32, #tpu.memory_space<hbm>>) target_semaphore(%arg13 : memref<!tpu.dma_semaphore, #tpu.memory_space<semaphore_mem>>)
    %dma_wait3A_359 = arith.constant 0 : i32
    %dma_wait3A_360 = tpu.memref_slice %arg4[%add3A_320, %dma_wait3A_359] : memref<32768x768xf32, #tpu.memory_space<hbm>> -> memref<32x768xf32, #tpu.memory_space<hbm>>
    %dma_wait3A_361 = arith.constant 0 : i32
    %dma_wait3A_362 = tpu.memref_slice %arg4[%add3A_320, %dma_wait3A_361] : memref<32768x768xf32, #tpu.memory_space<hbm>> -> memref<32x768xf32, #tpu.memory_space<hbm>>
    tpu.wait_dma2 semaphore(%arg15 : memref<!tpu.dma_semaphore, #tpu.memory_space<semaphore_mem>>) src(%arg7 : memref<32x768xf32, #tpu.memory_space<vmem>>) dst(%dma_wait3A_362 : memref<32x768xf32, #tpu.memory_space<hbm>>)
    %add3A_363 = arith.constant 16384 : i32
    %add3A_364 = arith.addi %add3A_363, %mul3A_2 : i32
    %add3A_365 = arith.constant 96 : i32
    %add3A_366 = arith.addi %add3A_364, %add3A_365 : i32
    %dma_start3A_367 = arith.constant 0 : i32
    %dma_start3A_368 = tpu.memref_slice %arg2[%add3A_366, %dma_start3A_367] : memref<32768x768xf32, #tpu.memory_space<hbm>> -> memref<32x768xf32, #tpu.memory_space<hbm>>
    %dma_start3A_369 = arith.constant 0 : i32
    %dma_start3A_370 = tpu.memref_slice %arg2[%add3A_366, %dma_start3A_369] : memref<32768x768xf32, #tpu.memory_space<hbm>> -> memref<32x768xf32, #tpu.memory_space<hbm>>
    tpu.enqueue_dma source(%dma_start3A_370 : memref<32x768xf32, #tpu.memory_space<hbm>>) target(%arg7 : memref<32x768xf32, #tpu.memory_space<vmem>>) target_semaphore(%arg12 : memref<!tpu.dma_semaphore, #tpu.memory_space<semaphore_mem>>)
    %dma_wait3A_371 = arith.constant 0 : i32
    %dma_wait3A_372 = tpu.memref_slice %arg2[%add3A_332, %dma_wait3A_371] : memref<32768x768xf32, #tpu.memory_space<hbm>> -> memref<32x768xf32, #tpu.memory_space<hbm>>
    %dma_wait3A_373 = arith.constant 0 : i32
    %dma_wait3A_374 = tpu.memref_slice %arg2[%add3A_332, %dma_wait3A_373] : memref<32768x768xf32, #tpu.memory_space<hbm>> -> memref<32x768xf32, #tpu.memory_space<hbm>>
    tpu.wait_dma2 semaphore(%arg11 : memref<!tpu.dma_semaphore, #tpu.memory_space<semaphore_mem>>) src(%dma_wait3A_374 : memref<32x768xf32, #tpu.memory_space<hbm>>) dst(%arg6 : memref<32x768xf32, #tpu.memory_space<vmem>>)
    %add3A_375 = arith.constant 8192 : i32
    %add3A_376 = arith.addi %add3A_375, %mul3A_2 : i32
    %add3A_377 = arith.constant 96 : i32
    %add3A_378 = arith.addi %add3A_376, %add3A_377 : i32
    %dma_start3A_379 = arith.constant 0 : i32
    %dma_start3A_380 = tpu.memref_slice %arg4[%add3A_378, %dma_start3A_379] : memref<32768x768xf32, #tpu.memory_space<hbm>> -> memref<32x768xf32, #tpu.memory_space<hbm>>
    %dma_start3A_381 = arith.constant 0 : i32
    %dma_start3A_382 = tpu.memref_slice %arg4[%add3A_378, %dma_start3A_381] : memref<32768x768xf32, #tpu.memory_space<hbm>> -> memref<32x768xf32, #tpu.memory_space<hbm>>
    tpu.enqueue_dma source(%arg6 : memref<32x768xf32, #tpu.memory_space<vmem>>) target(%dma_start3A_382 : memref<32x768xf32, #tpu.memory_space<hbm>>) target_semaphore(%arg14 : memref<!tpu.dma_semaphore, #tpu.memory_space<semaphore_mem>>)
    %dma_wait3A_383 = arith.constant 0 : i32
    %dma_wait3A_384 = tpu.memref_slice %arg4[%add3A_354, %dma_wait3A_383] : memref<32768x768xf32, #tpu.memory_space<hbm>> -> memref<32x768xf32, #tpu.memory_space<hbm>>
    %dma_wait3A_385 = arith.constant 0 : i32
    %dma_wait3A_386 = tpu.memref_slice %arg4[%add3A_354, %dma_wait3A_385] : memref<32768x768xf32, #tpu.memory_space<hbm>> -> memref<32x768xf32, #tpu.memory_space<hbm>>
    tpu.wait_dma2 semaphore(%arg13 : memref<!tpu.dma_semaphore, #tpu.memory_space<semaphore_mem>>) src(%arg5 : memref<32x768xf32, #tpu.memory_space<vmem>>) dst(%dma_wait3A_386 : memref<32x768xf32, #tpu.memory_space<hbm>>)
    %add3A_387 = arith.constant 24576 : i32
    %add3A_388 = arith.addi %add3A_387, %mul3A_2 : i32
    %add3A_389 = arith.constant 96 : i32
    %add3A_390 = arith.addi %add3A_388, %add3A_389 : i32
    %dma_start3A_391 = arith.constant 0 : i32
    %dma_start3A_392 = tpu.memref_slice %arg2[%add3A_390, %dma_start3A_391] : memref<32768x768xf32, #tpu.memory_space<hbm>> -> memref<32x768xf32, #tpu.memory_space<hbm>>
    %dma_start3A_393 = arith.constant 0 : i32
    %dma_start3A_394 = tpu.memref_slice %arg2[%add3A_390, %dma_start3A_393] : memref<32768x768xf32, #tpu.memory_space<hbm>> -> memref<32x768xf32, #tpu.memory_space<hbm>>
    tpu.enqueue_dma source(%dma_start3A_394 : memref<32x768xf32, #tpu.memory_space<hbm>>) target(%arg5 : memref<32x768xf32, #tpu.memory_space<vmem>>) target_semaphore(%arg10 : memref<!tpu.dma_semaphore, #tpu.memory_space<semaphore_mem>>)
    %dma_wait3A_395 = arith.constant 0 : i32
    %dma_wait3A_396 = tpu.memref_slice %arg2[%add3A_366, %dma_wait3A_395] : memref<32768x768xf32, #tpu.memory_space<hbm>> -> memref<32x768xf32, #tpu.memory_space<hbm>>
    %dma_wait3A_397 = arith.constant 0 : i32
    %dma_wait3A_398 = tpu.memref_slice %arg2[%add3A_366, %dma_wait3A_397] : memref<32768x768xf32, #tpu.memory_space<hbm>> -> memref<32x768xf32, #tpu.memory_space<hbm>>
    tpu.wait_dma2 semaphore(%arg12 : memref<!tpu.dma_semaphore, #tpu.memory_space<semaphore_mem>>) src(%dma_wait3A_398 : memref<32x768xf32, #tpu.memory_space<hbm>>) dst(%arg7 : memref<32x768xf32, #tpu.memory_space<vmem>>)
    %add3A_399 = arith.constant 16384 : i32
    %add3A_400 = arith.addi %add3A_399, %mul3A_2 : i32
    %add3A_401 = arith.constant 96 : i32
    %add3A_402 = arith.addi %add3A_400, %add3A_401 : i32
    %dma_start3A_403 = arith.constant 0 : i32
    %dma_start3A_404 = tpu.memref_slice %arg4[%add3A_402, %dma_start3A_403] : memref<32768x768xf32, #tpu.memory_space<hbm>> -> memref<32x768xf32, #tpu.memory_space<hbm>>
    %dma_start3A_405 = arith.constant 0 : i32
    %dma_start3A_406 = tpu.memref_slice %arg4[%add3A_402, %dma_start3A_405] : memref<32768x768xf32, #tpu.memory_space<hbm>> -> memref<32x768xf32, #tpu.memory_space<hbm>>
    tpu.enqueue_dma source(%arg7 : memref<32x768xf32, #tpu.memory_space<vmem>>) target(%dma_start3A_406 : memref<32x768xf32, #tpu.memory_space<hbm>>) target_semaphore(%arg15 : memref<!tpu.dma_semaphore, #tpu.memory_space<semaphore_mem>>)
    %dma_wait3A_407 = arith.constant 0 : i32
    %dma_wait3A_408 = tpu.memref_slice %arg4[%add3A_378, %dma_wait3A_407] : memref<32768x768xf32, #tpu.memory_space<hbm>> -> memref<32x768xf32, #tpu.memory_space<hbm>>
    %dma_wait3A_409 = arith.constant 0 : i32
    %dma_wait3A_410 = tpu.memref_slice %arg4[%add3A_378, %dma_wait3A_409] : memref<32768x768xf32, #tpu.memory_space<hbm>> -> memref<32x768xf32, #tpu.memory_space<hbm>>
    tpu.wait_dma2 semaphore(%arg14 : memref<!tpu.dma_semaphore, #tpu.memory_space<semaphore_mem>>) src(%arg6 : memref<32x768xf32, #tpu.memory_space<vmem>>) dst(%dma_wait3A_410 : memref<32x768xf32, #tpu.memory_space<hbm>>)
    %add3A_411 = arith.constant 0 : i32
    %add3A_412 = arith.addi %add3A_411, %mul3A_2 : i32
    %add3A_413 = arith.constant 128 : i32
    %add3A_414 = arith.addi %add3A_412, %add3A_413 : i32
    %dma_start3A_415 = arith.constant 0 : i32
    %dma_start3A_416 = tpu.memref_slice %arg2[%add3A_414, %dma_start3A_415] : memref<32768x768xf32, #tpu.memory_space<hbm>> -> memref<32x768xf32, #tpu.memory_space<hbm>>
    %dma_start3A_417 = arith.constant 0 : i32
    %dma_start3A_418 = tpu.memref_slice %arg2[%add3A_414, %dma_start3A_417] : memref<32768x768xf32, #tpu.memory_space<hbm>> -> memref<32x768xf32, #tpu.memory_space<hbm>>
    tpu.enqueue_dma source(%dma_start3A_418 : memref<32x768xf32, #tpu.memory_space<hbm>>) target(%arg6 : memref<32x768xf32, #tpu.memory_space<vmem>>) target_semaphore(%arg11 : memref<!tpu.dma_semaphore, #tpu.memory_space<semaphore_mem>>)
    %dma_wait3A_419 = arith.constant 0 : i32
    %dma_wait3A_420 = tpu.memref_slice %arg2[%add3A_390, %dma_wait3A_419] : memref<32768x768xf32, #tpu.memory_space<hbm>> -> memref<32x768xf32, #tpu.memory_space<hbm>>
    %dma_wait3A_421 = arith.constant 0 : i32
    %dma_wait3A_422 = tpu.memref_slice %arg2[%add3A_390, %dma_wait3A_421] : memref<32768x768xf32, #tpu.memory_space<hbm>> -> memref<32x768xf32, #tpu.memory_space<hbm>>
    tpu.wait_dma2 semaphore(%arg10 : memref<!tpu.dma_semaphore, #tpu.memory_space<semaphore_mem>>) src(%dma_wait3A_422 : memref<32x768xf32, #tpu.memory_space<hbm>>) dst(%arg5 : memref<32x768xf32, #tpu.memory_space<vmem>>)
    %add3A_423 = arith.constant 24576 : i32
    %add3A_424 = arith.addi %add3A_423, %mul3A_2 : i32
    %add3A_425 = arith.constant 96 : i32
    %add3A_426 = arith.addi %add3A_424, %add3A_425 : i32
    %dma_start3A_427 = arith.constant 0 : i32
    %dma_start3A_428 = tpu.memref_slice %arg4[%add3A_426, %dma_start3A_427] : memref<32768x768xf32, #tpu.memory_space<hbm>> -> memref<32x768xf32, #tpu.memory_space<hbm>>
    %dma_start3A_429 = arith.constant 0 : i32
    %dma_start3A_430 = tpu.memref_slice %arg4[%add3A_426, %dma_start3A_429] : memref<32768x768xf32, #tpu.memory_space<hbm>> -> memref<32x768xf32, #tpu.memory_space<hbm>>
    tpu.enqueue_dma source(%arg5 : memref<32x768xf32, #tpu.memory_space<vmem>>) target(%dma_start3A_430 : memref<32x768xf32, #tpu.memory_space<hbm>>) target_semaphore(%arg13 : memref<!tpu.dma_semaphore, #tpu.memory_space<semaphore_mem>>)
    %dma_wait3A_431 = arith.constant 0 : i32
    %dma_wait3A_432 = tpu.memref_slice %arg4[%add3A_402, %dma_wait3A_431] : memref<32768x768xf32, #tpu.memory_space<hbm>> -> memref<32x768xf32, #tpu.memory_space<hbm>>
    %dma_wait3A_433 = arith.constant 0 : i32
    %dma_wait3A_434 = tpu.memref_slice %arg4[%add3A_402, %dma_wait3A_433] : memref<32768x768xf32, #tpu.memory_space<hbm>> -> memref<32x768xf32, #tpu.memory_space<hbm>>
    tpu.wait_dma2 semaphore(%arg15 : memref<!tpu.dma_semaphore, #tpu.memory_space<semaphore_mem>>) src(%arg7 : memref<32x768xf32, #tpu.memory_space<vmem>>) dst(%dma_wait3A_434 : memref<32x768xf32, #tpu.memory_space<hbm>>)
    %add3A_435 = arith.constant 8192 : i32
    %add3A_436 = arith.addi %add3A_435, %mul3A_2 : i32
    %add3A_437 = arith.constant 128 : i32
    %add3A_438 = arith.addi %add3A_436, %add3A_437 : i32
    %dma_start3A_439 = arith.constant 0 : i32
    %dma_start3A_440 = tpu.memref_slice %arg2[%add3A_438, %dma_start3A_439] : memref<32768x768xf32, #tpu.memory_space<hbm>> -> memref<32x768xf32, #tpu.memory_space<hbm>>
    %dma_start3A_441 = arith.constant 0 : i32
    %dma_start3A_442 = tpu.memref_slice %arg2[%add3A_438, %dma_start3A_441] : memref<32768x768xf32, #tpu.memory_space<hbm>> -> memref<32x768xf32, #tpu.memory_space<hbm>>
    tpu.enqueue_dma source(%dma_start3A_442 : memref<32x768xf32, #tpu.memory_space<hbm>>) target(%arg7 : memref<32x768xf32, #tpu.memory_space<vmem>>) target_semaphore(%arg12 : memref<!tpu.dma_semaphore, #tpu.memory_space<semaphore_mem>>)
    %dma_wait3A_443 = arith.constant 0 : i32
    %dma_wait3A_444 = tpu.memref_slice %arg3[%add3A_342, %dma_wait3A_443] : memref<8192x768xf32, #tpu.memory_space<hbm>> -> memref<32x768xf32, #tpu.memory_space<hbm>>
    %dma_wait3A_445 = arith.constant 0 : i32
    %dma_wait3A_446 = tpu.memref_slice %arg3[%add3A_342, %dma_wait3A_445] : memref<8192x768xf32, #tpu.memory_space<hbm>> -> memref<32x768xf32, #tpu.memory_space<hbm>>
    tpu.wait_dma2 semaphore(%arg16 : memref<!tpu.dma_semaphore, #tpu.memory_space<semaphore_mem>>) src(%dma_wait3A_446 : memref<32x768xf32, #tpu.memory_space<hbm>>) dst(%arg8 : memref<32x768xf32, #tpu.memory_space<vmem>>)
    %add3A_447 = arith.constant 160 : i32
    %add3A_448 = arith.addi %mul3A_2, %add3A_447 : i32
    %dma_start3A_449 = arith.constant 0 : i32
    %dma_start3A_450 = tpu.memref_slice %arg3[%add3A_448, %dma_start3A_449] : memref<8192x768xf32, #tpu.memory_space<hbm>> -> memref<32x768xf32, #tpu.memory_space<hbm>>
    %dma_start3A_451 = arith.constant 0 : i32
    %dma_start3A_452 = tpu.memref_slice %arg3[%add3A_448, %dma_start3A_451] : memref<8192x768xf32, #tpu.memory_space<hbm>> -> memref<32x768xf32, #tpu.memory_space<hbm>>
    tpu.enqueue_dma source(%dma_start3A_452 : memref<32x768xf32, #tpu.memory_space<hbm>>) target(%arg9 : memref<32x768xf32, #tpu.memory_space<vmem>>) target_semaphore(%arg17 : memref<!tpu.dma_semaphore, #tpu.memory_space<semaphore_mem>>)
    %dma_wait3A_453 = arith.constant 0 : i32
    %dma_wait3A_454 = tpu.memref_slice %arg2[%add3A_414, %dma_wait3A_453] : memref<32768x768xf32, #tpu.memory_space<hbm>> -> memref<32x768xf32, #tpu.memory_space<hbm>>
    %dma_wait3A_455 = arith.constant 0 : i32
    %dma_wait3A_456 = tpu.memref_slice %arg2[%add3A_414, %dma_wait3A_455] : memref<32768x768xf32, #tpu.memory_space<hbm>> -> memref<32x768xf32, #tpu.memory_space<hbm>>
    tpu.wait_dma2 semaphore(%arg11 : memref<!tpu.dma_semaphore, #tpu.memory_space<semaphore_mem>>) src(%dma_wait3A_456 : memref<32x768xf32, #tpu.memory_space<hbm>>) dst(%arg6 : memref<32x768xf32, #tpu.memory_space<vmem>>)
    %add3A_457 = arith.constant 0 : i32
    %add3A_458 = arith.addi %add3A_457, %mul3A_2 : i32
    %add3A_459 = arith.constant 128 : i32
    %add3A_460 = arith.addi %add3A_458, %add3A_459 : i32
    %dma_start3A_461 = arith.constant 0 : i32
    %dma_start3A_462 = tpu.memref_slice %arg4[%add3A_460, %dma_start3A_461] : memref<32768x768xf32, #tpu.memory_space<hbm>> -> memref<32x768xf32, #tpu.memory_space<hbm>>
    %dma_start3A_463 = arith.constant 0 : i32
    %dma_start3A_464 = tpu.memref_slice %arg4[%add3A_460, %dma_start3A_463] : memref<32768x768xf32, #tpu.memory_space<hbm>> -> memref<32x768xf32, #tpu.memory_space<hbm>>
    tpu.enqueue_dma source(%arg6 : memref<32x768xf32, #tpu.memory_space<vmem>>) target(%dma_start3A_464 : memref<32x768xf32, #tpu.memory_space<hbm>>) target_semaphore(%arg14 : memref<!tpu.dma_semaphore, #tpu.memory_space<semaphore_mem>>)
    %dma_wait3A_465 = arith.constant 0 : i32
    %dma_wait3A_466 = tpu.memref_slice %arg4[%add3A_426, %dma_wait3A_465] : memref<32768x768xf32, #tpu.memory_space<hbm>> -> memref<32x768xf32, #tpu.memory_space<hbm>>
    %dma_wait3A_467 = arith.constant 0 : i32
    %dma_wait3A_468 = tpu.memref_slice %arg4[%add3A_426, %dma_wait3A_467] : memref<32768x768xf32, #tpu.memory_space<hbm>> -> memref<32x768xf32, #tpu.memory_space<hbm>>
    tpu.wait_dma2 semaphore(%arg13 : memref<!tpu.dma_semaphore, #tpu.memory_space<semaphore_mem>>) src(%arg5 : memref<32x768xf32, #tpu.memory_space<vmem>>) dst(%dma_wait3A_468 : memref<32x768xf32, #tpu.memory_space<hbm>>)
    %add3A_469 = arith.constant 16384 : i32
    %add3A_470 = arith.addi %add3A_469, %mul3A_2 : i32
    %add3A_471 = arith.constant 128 : i32
    %add3A_472 = arith.addi %add3A_470, %add3A_471 : i32
    %dma_start3A_473 = arith.constant 0 : i32
    %dma_start3A_474 = tpu.memref_slice %arg2[%add3A_472, %dma_start3A_473] : memref<32768x768xf32, #tpu.memory_space<hbm>> -> memref<32x768xf32, #tpu.memory_space<hbm>>
    %dma_start3A_475 = arith.constant 0 : i32
    %dma_start3A_476 = tpu.memref_slice %arg2[%add3A_472, %dma_start3A_475] : memref<32768x768xf32, #tpu.memory_space<hbm>> -> memref<32x768xf32, #tpu.memory_space<hbm>>
    tpu.enqueue_dma source(%dma_start3A_476 : memref<32x768xf32, #tpu.memory_space<hbm>>) target(%arg5 : memref<32x768xf32, #tpu.memory_space<vmem>>) target_semaphore(%arg10 : memref<!tpu.dma_semaphore, #tpu.memory_space<semaphore_mem>>)
    %dma_wait3A_477 = arith.constant 0 : i32
    %dma_wait3A_478 = tpu.memref_slice %arg2[%add3A_438, %dma_wait3A_477] : memref<32768x768xf32, #tpu.memory_space<hbm>> -> memref<32x768xf32, #tpu.memory_space<hbm>>
    %dma_wait3A_479 = arith.constant 0 : i32
    %dma_wait3A_480 = tpu.memref_slice %arg2[%add3A_438, %dma_wait3A_479] : memref<32768x768xf32, #tpu.memory_space<hbm>> -> memref<32x768xf32, #tpu.memory_space<hbm>>
    tpu.wait_dma2 semaphore(%arg12 : memref<!tpu.dma_semaphore, #tpu.memory_space<semaphore_mem>>) src(%dma_wait3A_480 : memref<32x768xf32, #tpu.memory_space<hbm>>) dst(%arg7 : memref<32x768xf32, #tpu.memory_space<vmem>>)
    %add3A_481 = arith.constant 8192 : i32
    %add3A_482 = arith.addi %add3A_481, %mul3A_2 : i32
    %add3A_483 = arith.constant 128 : i32
    %add3A_484 = arith.addi %add3A_482, %add3A_483 : i32
    %dma_start3A_485 = arith.constant 0 : i32
    %dma_start3A_486 = tpu.memref_slice %arg4[%add3A_484, %dma_start3A_485] : memref<32768x768xf32, #tpu.memory_space<hbm>> -> memref<32x768xf32, #tpu.memory_space<hbm>>
    %dma_start3A_487 = arith.constant 0 : i32
    %dma_start3A_488 = tpu.memref_slice %arg4[%add3A_484, %dma_start3A_487] : memref<32768x768xf32, #tpu.memory_space<hbm>> -> memref<32x768xf32, #tpu.memory_space<hbm>>
    tpu.enqueue_dma source(%arg7 : memref<32x768xf32, #tpu.memory_space<vmem>>) target(%dma_start3A_488 : memref<32x768xf32, #tpu.memory_space<hbm>>) target_semaphore(%arg15 : memref<!tpu.dma_semaphore, #tpu.memory_space<semaphore_mem>>)
    %dma_wait3A_489 = arith.constant 0 : i32
    %dma_wait3A_490 = tpu.memref_slice %arg4[%add3A_460, %dma_wait3A_489] : memref<32768x768xf32, #tpu.memory_space<hbm>> -> memref<32x768xf32, #tpu.memory_space<hbm>>
    %dma_wait3A_491 = arith.constant 0 : i32
    %dma_wait3A_492 = tpu.memref_slice %arg4[%add3A_460, %dma_wait3A_491] : memref<32768x768xf32, #tpu.memory_space<hbm>> -> memref<32x768xf32, #tpu.memory_space<hbm>>
    tpu.wait_dma2 semaphore(%arg14 : memref<!tpu.dma_semaphore, #tpu.memory_space<semaphore_mem>>) src(%arg6 : memref<32x768xf32, #tpu.memory_space<vmem>>) dst(%dma_wait3A_492 : memref<32x768xf32, #tpu.memory_space<hbm>>)
    %add3A_493 = arith.constant 24576 : i32
    %add3A_494 = arith.addi %add3A_493, %mul3A_2 : i32
    %add3A_495 = arith.constant 128 : i32
    %add3A_496 = arith.addi %add3A_494, %add3A_495 : i32
    %dma_start3A_497 = arith.constant 0 : i32
    %dma_start3A_498 = tpu.memref_slice %arg2[%add3A_496, %dma_start3A_497] : memref<32768x768xf32, #tpu.memory_space<hbm>> -> memref<32x768xf32, #tpu.memory_space<hbm>>
    %dma_start3A_499 = arith.constant 0 : i32
    %dma_start3A_500 = tpu.memref_slice %arg2[%add3A_496, %dma_start3A_499] : memref<32768x768xf32, #tpu.memory_space<hbm>> -> memref<32x768xf32, #tpu.memory_space<hbm>>
    tpu.enqueue_dma source(%dma_start3A_500 : memref<32x768xf32, #tpu.memory_space<hbm>>) target(%arg6 : memref<32x768xf32, #tpu.memory_space<vmem>>) target_semaphore(%arg11 : memref<!tpu.dma_semaphore, #tpu.memory_space<semaphore_mem>>)
    %dma_wait3A_501 = arith.constant 0 : i32
    %dma_wait3A_502 = tpu.memref_slice %arg2[%add3A_472, %dma_wait3A_501] : memref<32768x768xf32, #tpu.memory_space<hbm>> -> memref<32x768xf32, #tpu.memory_space<hbm>>
    %dma_wait3A_503 = arith.constant 0 : i32
    %dma_wait3A_504 = tpu.memref_slice %arg2[%add3A_472, %dma_wait3A_503] : memref<32768x768xf32, #tpu.memory_space<hbm>> -> memref<32x768xf32, #tpu.memory_space<hbm>>
    tpu.wait_dma2 semaphore(%arg10 : memref<!tpu.dma_semaphore, #tpu.memory_space<semaphore_mem>>) src(%dma_wait3A_504 : memref<32x768xf32, #tpu.memory_space<hbm>>) dst(%arg5 : memref<32x768xf32, #tpu.memory_space<vmem>>)
    %add3A_505 = arith.constant 16384 : i32
    %add3A_506 = arith.addi %add3A_505, %mul3A_2 : i32
    %add3A_507 = arith.constant 128 : i32
    %add3A_508 = arith.addi %add3A_506, %add3A_507 : i32
    %dma_start3A_509 = arith.constant 0 : i32
    %dma_start3A_510 = tpu.memref_slice %arg4[%add3A_508, %dma_start3A_509] : memref<32768x768xf32, #tpu.memory_space<hbm>> -> memref<32x768xf32, #tpu.memory_space<hbm>>
    %dma_start3A_511 = arith.constant 0 : i32
    %dma_start3A_512 = tpu.memref_slice %arg4[%add3A_508, %dma_start3A_511] : memref<32768x768xf32, #tpu.memory_space<hbm>> -> memref<32x768xf32, #tpu.memory_space<hbm>>
    tpu.enqueue_dma source(%arg5 : memref<32x768xf32, #tpu.memory_space<vmem>>) target(%dma_start3A_512 : memref<32x768xf32, #tpu.memory_space<hbm>>) target_semaphore(%arg13 : memref<!tpu.dma_semaphore, #tpu.memory_space<semaphore_mem>>)
    %dma_wait3A_513 = arith.constant 0 : i32
    %dma_wait3A_514 = tpu.memref_slice %arg4[%add3A_484, %dma_wait3A_513] : memref<32768x768xf32, #tpu.memory_space<hbm>> -> memref<32x768xf32, #tpu.memory_space<hbm>>
    %dma_wait3A_515 = arith.constant 0 : i32
    %dma_wait3A_516 = tpu.memref_slice %arg4[%add3A_484, %dma_wait3A_515] : memref<32768x768xf32, #tpu.memory_space<hbm>> -> memref<32x768xf32, #tpu.memory_space<hbm>>
    tpu.wait_dma2 semaphore(%arg15 : memref<!tpu.dma_semaphore, #tpu.memory_space<semaphore_mem>>) src(%arg7 : memref<32x768xf32, #tpu.memory_space<vmem>>) dst(%dma_wait3A_516 : memref<32x768xf32, #tpu.memory_space<hbm>>)
    %add3A_517 = arith.constant 0 : i32
    %add3A_518 = arith.addi %add3A_517, %mul3A_2 : i32
    %add3A_519 = arith.constant 160 : i32
    %add3A_520 = arith.addi %add3A_518, %add3A_519 : i32
    %dma_start3A_521 = arith.constant 0 : i32
    %dma_start3A_522 = tpu.memref_slice %arg2[%add3A_520, %dma_start3A_521] : memref<32768x768xf32, #tpu.memory_space<hbm>> -> memref<32x768xf32, #tpu.memory_space<hbm>>
    %dma_start3A_523 = arith.constant 0 : i32
    %dma_start3A_524 = tpu.memref_slice %arg2[%add3A_520, %dma_start3A_523] : memref<32768x768xf32, #tpu.memory_space<hbm>> -> memref<32x768xf32, #tpu.memory_space<hbm>>
    tpu.enqueue_dma source(%dma_start3A_524 : memref<32x768xf32, #tpu.memory_space<hbm>>) target(%arg7 : memref<32x768xf32, #tpu.memory_space<vmem>>) target_semaphore(%arg12 : memref<!tpu.dma_semaphore, #tpu.memory_space<semaphore_mem>>)
    %dma_wait3A_525 = arith.constant 0 : i32
    %dma_wait3A_526 = tpu.memref_slice %arg2[%add3A_496, %dma_wait3A_525] : memref<32768x768xf32, #tpu.memory_space<hbm>> -> memref<32x768xf32, #tpu.memory_space<hbm>>
    %dma_wait3A_527 = arith.constant 0 : i32
    %dma_wait3A_528 = tpu.memref_slice %arg2[%add3A_496, %dma_wait3A_527] : memref<32768x768xf32, #tpu.memory_space<hbm>> -> memref<32x768xf32, #tpu.memory_space<hbm>>
    tpu.wait_dma2 semaphore(%arg11 : memref<!tpu.dma_semaphore, #tpu.memory_space<semaphore_mem>>) src(%dma_wait3A_528 : memref<32x768xf32, #tpu.memory_space<hbm>>) dst(%arg6 : memref<32x768xf32, #tpu.memory_space<vmem>>)
    %add3A_529 = arith.constant 24576 : i32
    %add3A_530 = arith.addi %add3A_529, %mul3A_2 : i32
    %add3A_531 = arith.constant 128 : i32
    %add3A_532 = arith.addi %add3A_530, %add3A_531 : i32
    %dma_start3A_533 = arith.constant 0 : i32
    %dma_start3A_534 = tpu.memref_slice %arg4[%add3A_532, %dma_start3A_533] : memref<32768x768xf32, #tpu.memory_space<hbm>> -> memref<32x768xf32, #tpu.memory_space<hbm>>
    %dma_start3A_535 = arith.constant 0 : i32
    %dma_start3A_536 = tpu.memref_slice %arg4[%add3A_532, %dma_start3A_535] : memref<32768x768xf32, #tpu.memory_space<hbm>> -> memref<32x768xf32, #tpu.memory_space<hbm>>
    tpu.enqueue_dma source(%arg6 : memref<32x768xf32, #tpu.memory_space<vmem>>) target(%dma_start3A_536 : memref<32x768xf32, #tpu.memory_space<hbm>>) target_semaphore(%arg14 : memref<!tpu.dma_semaphore, #tpu.memory_space<semaphore_mem>>)
    %dma_wait3A_537 = arith.constant 0 : i32
    %dma_wait3A_538 = tpu.memref_slice %arg4[%add3A_508, %dma_wait3A_537] : memref<32768x768xf32, #tpu.memory_space<hbm>> -> memref<32x768xf32, #tpu.memory_space<hbm>>
    %dma_wait3A_539 = arith.constant 0 : i32
    %dma_wait3A_540 = tpu.memref_slice %arg4[%add3A_508, %dma_wait3A_539] : memref<32768x768xf32, #tpu.memory_space<hbm>> -> memref<32x768xf32, #tpu.memory_space<hbm>>
    tpu.wait_dma2 semaphore(%arg13 : memref<!tpu.dma_semaphore, #tpu.memory_space<semaphore_mem>>) src(%arg5 : memref<32x768xf32, #tpu.memory_space<vmem>>) dst(%dma_wait3A_540 : memref<32x768xf32, #tpu.memory_space<hbm>>)
    %add3A_541 = arith.constant 8192 : i32
    %add3A_542 = arith.addi %add3A_541, %mul3A_2 : i32
    %add3A_543 = arith.constant 160 : i32
    %add3A_544 = arith.addi %add3A_542, %add3A_543 : i32
    %dma_start3A_545 = arith.constant 0 : i32
    %dma_start3A_546 = tpu.memref_slice %arg2[%add3A_544, %dma_start3A_545] : memref<32768x768xf32, #tpu.memory_space<hbm>> -> memref<32x768xf32, #tpu.memory_space<hbm>>
    %dma_start3A_547 = arith.constant 0 : i32
    %dma_start3A_548 = tpu.memref_slice %arg2[%add3A_544, %dma_start3A_547] : memref<32768x768xf32, #tpu.memory_space<hbm>> -> memref<32x768xf32, #tpu.memory_space<hbm>>
    tpu.enqueue_dma source(%dma_start3A_548 : memref<32x768xf32, #tpu.memory_space<hbm>>) target(%arg5 : memref<32x768xf32, #tpu.memory_space<vmem>>) target_semaphore(%arg10 : memref<!tpu.dma_semaphore, #tpu.memory_space<semaphore_mem>>)
    %dma_wait3A_549 = arith.constant 0 : i32
    %dma_wait3A_550 = tpu.memref_slice %arg3[%add3A_448, %dma_wait3A_549] : memref<8192x768xf32, #tpu.memory_space<hbm>> -> memref<32x768xf32, #tpu.memory_space<hbm>>
    %dma_wait3A_551 = arith.constant 0 : i32
    %dma_wait3A_552 = tpu.memref_slice %arg3[%add3A_448, %dma_wait3A_551] : memref<8192x768xf32, #tpu.memory_space<hbm>> -> memref<32x768xf32, #tpu.memory_space<hbm>>
    tpu.wait_dma2 semaphore(%arg17 : memref<!tpu.dma_semaphore, #tpu.memory_space<semaphore_mem>>) src(%dma_wait3A_552 : memref<32x768xf32, #tpu.memory_space<hbm>>) dst(%arg9 : memref<32x768xf32, #tpu.memory_space<vmem>>)
    %add3A_553 = arith.constant 192 : i32
    %add3A_554 = arith.addi %mul3A_2, %add3A_553 : i32
    %dma_start3A_555 = arith.constant 0 : i32
    %dma_start3A_556 = tpu.memref_slice %arg3[%add3A_554, %dma_start3A_555] : memref<8192x768xf32, #tpu.memory_space<hbm>> -> memref<32x768xf32, #tpu.memory_space<hbm>>
    %dma_start3A_557 = arith.constant 0 : i32
    %dma_start3A_558 = tpu.memref_slice %arg3[%add3A_554, %dma_start3A_557] : memref<8192x768xf32, #tpu.memory_space<hbm>> -> memref<32x768xf32, #tpu.memory_space<hbm>>
    tpu.enqueue_dma source(%dma_start3A_558 : memref<32x768xf32, #tpu.memory_space<hbm>>) target(%arg8 : memref<32x768xf32, #tpu.memory_space<vmem>>) target_semaphore(%arg16 : memref<!tpu.dma_semaphore, #tpu.memory_space<semaphore_mem>>)
    %dma_wait3A_559 = arith.constant 0 : i32
    %dma_wait3A_560 = tpu.memref_slice %arg2[%add3A_520, %dma_wait3A_559] : memref<32768x768xf32, #tpu.memory_space<hbm>> -> memref<32x768xf32, #tpu.memory_space<hbm>>
    %dma_wait3A_561 = arith.constant 0 : i32
    %dma_wait3A_562 = tpu.memref_slice %arg2[%add3A_520, %dma_wait3A_561] : memref<32768x768xf32, #tpu.memory_space<hbm>> -> memref<32x768xf32, #tpu.memory_space<hbm>>
    tpu.wait_dma2 semaphore(%arg12 : memref<!tpu.dma_semaphore, #tpu.memory_space<semaphore_mem>>) src(%dma_wait3A_562 : memref<32x768xf32, #tpu.memory_space<hbm>>) dst(%arg7 : memref<32x768xf32, #tpu.memory_space<vmem>>)
    %add3A_563 = arith.constant 0 : i32
    %add3A_564 = arith.addi %add3A_563, %mul3A_2 : i32
    %add3A_565 = arith.constant 160 : i32
    %add3A_566 = arith.addi %add3A_564, %add3A_565 : i32
    %dma_start3A_567 = arith.constant 0 : i32
    %dma_start3A_568 = tpu.memref_slice %arg4[%add3A_566, %dma_start3A_567] : memref<32768x768xf32, #tpu.memory_space<hbm>> -> memref<32x768xf32, #tpu.memory_space<hbm>>
    %dma_start3A_569 = arith.constant 0 : i32
    %dma_start3A_570 = tpu.memref_slice %arg4[%add3A_566, %dma_start3A_569] : memref<32768x768xf32, #tpu.memory_space<hbm>> -> memref<32x768xf32, #tpu.memory_space<hbm>>
    tpu.enqueue_dma source(%arg7 : memref<32x768xf32, #tpu.memory_space<vmem>>) target(%dma_start3A_570 : memref<32x768xf32, #tpu.memory_space<hbm>>) target_semaphore(%arg15 : memref<!tpu.dma_semaphore, #tpu.memory_space<semaphore_mem>>)
    %dma_wait3A_571 = arith.constant 0 : i32
    %dma_wait3A_572 = tpu.memref_slice %arg4[%add3A_532, %dma_wait3A_571] : memref<32768x768xf32, #tpu.memory_space<hbm>> -> memref<32x768xf32, #tpu.memory_space<hbm>>
    %dma_wait3A_573 = arith.constant 0 : i32
    %dma_wait3A_574 = tpu.memref_slice %arg4[%add3A_532, %dma_wait3A_573] : memref<32768x768xf32, #tpu.memory_space<hbm>> -> memref<32x768xf32, #tpu.memory_space<hbm>>
    tpu.wait_dma2 semaphore(%arg14 : memref<!tpu.dma_semaphore, #tpu.memory_space<semaphore_mem>>) src(%arg6 : memref<32x768xf32, #tpu.memory_space<vmem>>) dst(%dma_wait3A_574 : memref<32x768xf32, #tpu.memory_space<hbm>>)
    %add3A_575 = arith.constant 16384 : i32
    %add3A_576 = arith.addi %add3A_575, %mul3A_2 : i32
    %add3A_577 = arith.constant 160 : i32
    %add3A_578 = arith.addi %add3A_576, %add3A_577 : i32
    %dma_start3A_579 = arith.constant 0 : i32
    %dma_start3A_580 = tpu.memref_slice %arg2[%add3A_578, %dma_start3A_579] : memref<32768x768xf32, #tpu.memory_space<hbm>> -> memref<32x768xf32, #tpu.memory_space<hbm>>
    %dma_start3A_581 = arith.constant 0 : i32
    %dma_start3A_582 = tpu.memref_slice %arg2[%add3A_578, %dma_start3A_581] : memref<32768x768xf32, #tpu.memory_space<hbm>> -> memref<32x768xf32, #tpu.memory_space<hbm>>
    tpu.enqueue_dma source(%dma_start3A_582 : memref<32x768xf32, #tpu.memory_space<hbm>>) target(%arg6 : memref<32x768xf32, #tpu.memory_space<vmem>>) target_semaphore(%arg11 : memref<!tpu.dma_semaphore, #tpu.memory_space<semaphore_mem>>)
    %dma_wait3A_583 = arith.constant 0 : i32
    %dma_wait3A_584 = tpu.memref_slice %arg2[%add3A_544, %dma_wait3A_583] : memref<32768x768xf32, #tpu.memory_space<hbm>> -> memref<32x768xf32, #tpu.memory_space<hbm>>
    %dma_wait3A_585 = arith.constant 0 : i32
    %dma_wait3A_586 = tpu.memref_slice %arg2[%add3A_544, %dma_wait3A_585] : memref<32768x768xf32, #tpu.memory_space<hbm>> -> memref<32x768xf32, #tpu.memory_space<hbm>>
    tpu.wait_dma2 semaphore(%arg10 : memref<!tpu.dma_semaphore, #tpu.memory_space<semaphore_mem>>) src(%dma_wait3A_586 : memref<32x768xf32, #tpu.memory_space<hbm>>) dst(%arg5 : memref<32x768xf32, #tpu.memory_space<vmem>>)
    %add3A_587 = arith.constant 8192 : i32
    %add3A_588 = arith.addi %add3A_587, %mul3A_2 : i32
    %add3A_589 = arith.constant 160 : i32
    %add3A_590 = arith.addi %add3A_588, %add3A_589 : i32
    %dma_start3A_591 = arith.constant 0 : i32
    %dma_start3A_592 = tpu.memref_slice %arg4[%add3A_590, %dma_start3A_591] : memref<32768x768xf32, #tpu.memory_space<hbm>> -> memref<32x768xf32, #tpu.memory_space<hbm>>
    %dma_start3A_593 = arith.constant 0 : i32
    %dma_start3A_594 = tpu.memref_slice %arg4[%add3A_590, %dma_start3A_593] : memref<32768x768xf32, #tpu.memory_space<hbm>> -> memref<32x768xf32, #tpu.memory_space<hbm>>
    tpu.enqueue_dma source(%arg5 : memref<32x768xf32, #tpu.memory_space<vmem>>) target(%dma_start3A_594 : memref<32x768xf32, #tpu.memory_space<hbm>>) target_semaphore(%arg13 : memref<!tpu.dma_semaphore, #tpu.memory_space<semaphore_mem>>)
    %dma_wait3A_595 = arith.constant 0 : i32
    %dma_wait3A_596 = tpu.memref_slice %arg4[%add3A_566, %dma_wait3A_595] : memref<32768x768xf32, #tpu.memory_space<hbm>> -> memref<32x768xf32, #tpu.memory_space<hbm>>
    %dma_wait3A_597 = arith.constant 0 : i32
    %dma_wait3A_598 = tpu.memref_slice %arg4[%add3A_566, %dma_wait3A_597] : memref<32768x768xf32, #tpu.memory_space<hbm>> -> memref<32x768xf32, #tpu.memory_space<hbm>>
    tpu.wait_dma2 semaphore(%arg15 : memref<!tpu.dma_semaphore, #tpu.memory_space<semaphore_mem>>) src(%arg7 : memref<32x768xf32, #tpu.memory_space<vmem>>) dst(%dma_wait3A_598 : memref<32x768xf32, #tpu.memory_space<hbm>>)
    %add3A_599 = arith.constant 24576 : i32
    %add3A_600 = arith.addi %add3A_599, %mul3A_2 : i32
    %add3A_601 = arith.constant 160 : i32
    %add3A_602 = arith.addi %add3A_600, %add3A_601 : i32
    %dma_start3A_603 = arith.constant 0 : i32
    %dma_start3A_604 = tpu.memref_slice %arg2[%add3A_602, %dma_start3A_603] : memref<32768x768xf32, #tpu.memory_space<hbm>> -> memref<32x768xf32, #tpu.memory_space<hbm>>
    %dma_start3A_605 = arith.constant 0 : i32
    %dma_start3A_606 = tpu.memref_slice %arg2[%add3A_602, %dma_start3A_605] : memref<32768x768xf32, #tpu.memory_space<hbm>> -> memref<32x768xf32, #tpu.memory_space<hbm>>
    tpu.enqueue_dma source(%dma_start3A_606 : memref<32x768xf32, #tpu.memory_space<hbm>>) target(%arg7 : memref<32x768xf32, #tpu.memory_space<vmem>>) target_semaphore(%arg12 : memref<!tpu.dma_semaphore, #tpu.memory_space<semaphore_mem>>)
    %dma_wait3A_607 = arith.constant 0 : i32
    %dma_wait3A_608 = tpu.memref_slice %arg2[%add3A_578, %dma_wait3A_607] : memref<32768x768xf32, #tpu.memory_space<hbm>> -> memref<32x768xf32, #tpu.memory_space<hbm>>
    %dma_wait3A_609 = arith.constant 0 : i32
    %dma_wait3A_610 = tpu.memref_slice %arg2[%add3A_578, %dma_wait3A_609] : memref<32768x768xf32, #tpu.memory_space<hbm>> -> memref<32x768xf32, #tpu.memory_space<hbm>>
    tpu.wait_dma2 semaphore(%arg11 : memref<!tpu.dma_semaphore, #tpu.memory_space<semaphore_mem>>) src(%dma_wait3A_610 : memref<32x768xf32, #tpu.memory_space<hbm>>) dst(%arg6 : memref<32x768xf32, #tpu.memory_space<vmem>>)
    %add3A_611 = arith.constant 16384 : i32
    %add3A_612 = arith.addi %add3A_611, %mul3A_2 : i32
    %add3A_613 = arith.constant 160 : i32
    %add3A_614 = arith.addi %add3A_612, %add3A_613 : i32
    %dma_start3A_615 = arith.constant 0 : i32
    %dma_start3A_616 = tpu.memref_slice %arg4[%add3A_614, %dma_start3A_615] : memref<32768x768xf32, #tpu.memory_space<hbm>> -> memref<32x768xf32, #tpu.memory_space<hbm>>
    %dma_start3A_617 = arith.constant 0 : i32
    %dma_start3A_618 = tpu.memref_slice %arg4[%add3A_614, %dma_start3A_617] : memref<32768x768xf32, #tpu.memory_space<hbm>> -> memref<32x768xf32, #tpu.memory_space<hbm>>
    tpu.enqueue_dma source(%arg6 : memref<32x768xf32, #tpu.memory_space<vmem>>) target(%dma_start3A_618 : memref<32x768xf32, #tpu.memory_space<hbm>>) target_semaphore(%arg14 : memref<!tpu.dma_semaphore, #tpu.memory_space<semaphore_mem>>)
    %dma_wait3A_619 = arith.constant 0 : i32
    %dma_wait3A_620 = tpu.memref_slice %arg4[%add3A_590, %dma_wait3A_619] : memref<32768x768xf32, #tpu.memory_space<hbm>> -> memref<32x768xf32, #tpu.memory_space<hbm>>
    %dma_wait3A_621 = arith.constant 0 : i32
    %dma_wait3A_622 = tpu.memref_slice %arg4[%add3A_590, %dma_wait3A_621] : memref<32768x768xf32, #tpu.memory_space<hbm>> -> memref<32x768xf32, #tpu.memory_space<hbm>>
    tpu.wait_dma2 semaphore(%arg13 : memref<!tpu.dma_semaphore, #tpu.memory_space<semaphore_mem>>) src(%arg5 : memref<32x768xf32, #tpu.memory_space<vmem>>) dst(%dma_wait3A_622 : memref<32x768xf32, #tpu.memory_space<hbm>>)
    %add3A_623 = arith.constant 0 : i32
    %add3A_624 = arith.addi %add3A_623, %mul3A_2 : i32
    %add3A_625 = arith.constant 192 : i32
    %add3A_626 = arith.addi %add3A_624, %add3A_625 : i32
    %dma_start3A_627 = arith.constant 0 : i32
    %dma_start3A_628 = tpu.memref_slice %arg2[%add3A_626, %dma_start3A_627] : memref<32768x768xf32, #tpu.memory_space<hbm>> -> memref<32x768xf32, #tpu.memory_space<hbm>>
    %dma_start3A_629 = arith.constant 0 : i32
    %dma_start3A_630 = tpu.memref_slice %arg2[%add3A_626, %dma_start3A_629] : memref<32768x768xf32, #tpu.memory_space<hbm>> -> memref<32x768xf32, #tpu.memory_space<hbm>>
    tpu.enqueue_dma source(%dma_start3A_630 : memref<32x768xf32, #tpu.memory_space<hbm>>) target(%arg5 : memref<32x768xf32, #tpu.memory_space<vmem>>) target_semaphore(%arg10 : memref<!tpu.dma_semaphore, #tpu.memory_space<semaphore_mem>>)
    %dma_wait3A_631 = arith.constant 0 : i32
    %dma_wait3A_632 = tpu.memref_slice %arg2[%add3A_602, %dma_wait3A_631] : memref<32768x768xf32, #tpu.memory_space<hbm>> -> memref<32x768xf32, #tpu.memory_space<hbm>>
    %dma_wait3A_633 = arith.constant 0 : i32
    %dma_wait3A_634 = tpu.memref_slice %arg2[%add3A_602, %dma_wait3A_633] : memref<32768x768xf32, #tpu.memory_space<hbm>> -> memref<32x768xf32, #tpu.memory_space<hbm>>
    tpu.wait_dma2 semaphore(%arg12 : memref<!tpu.dma_semaphore, #tpu.memory_space<semaphore_mem>>) src(%dma_wait3A_634 : memref<32x768xf32, #tpu.memory_space<hbm>>) dst(%arg7 : memref<32x768xf32, #tpu.memory_space<vmem>>)
    %add3A_635 = arith.constant 24576 : i32
    %add3A_636 = arith.addi %add3A_635, %mul3A_2 : i32
    %add3A_637 = arith.constant 160 : i32
    %add3A_638 = arith.addi %add3A_636, %add3A_637 : i32
    %dma_start3A_639 = arith.constant 0 : i32
    %dma_start3A_640 = tpu.memref_slice %arg4[%add3A_638, %dma_start3A_639] : memref<32768x768xf32, #tpu.memory_space<hbm>> -> memref<32x768xf32, #tpu.memory_space<hbm>>
    %dma_start3A_641 = arith.constant 0 : i32
    %dma_start3A_642 = tpu.memref_slice %arg4[%add3A_638, %dma_start3A_641] : memref<32768x768xf32, #tpu.memory_space<hbm>> -> memref<32x768xf32, #tpu.memory_space<hbm>>
    tpu.enqueue_dma source(%arg7 : memref<32x768xf32, #tpu.memory_space<vmem>>) target(%dma_start3A_642 : memref<32x768xf32, #tpu.memory_space<hbm>>) target_semaphore(%arg15 : memref<!tpu.dma_semaphore, #tpu.memory_space<semaphore_mem>>)
    %dma_wait3A_643 = arith.constant 0 : i32
    %dma_wait3A_644 = tpu.memref_slice %arg4[%add3A_614, %dma_wait3A_643] : memref<32768x768xf32, #tpu.memory_space<hbm>> -> memref<32x768xf32, #tpu.memory_space<hbm>>
    %dma_wait3A_645 = arith.constant 0 : i32
    %dma_wait3A_646 = tpu.memref_slice %arg4[%add3A_614, %dma_wait3A_645] : memref<32768x768xf32, #tpu.memory_space<hbm>> -> memref<32x768xf32, #tpu.memory_space<hbm>>
    tpu.wait_dma2 semaphore(%arg14 : memref<!tpu.dma_semaphore, #tpu.memory_space<semaphore_mem>>) src(%arg6 : memref<32x768xf32, #tpu.memory_space<vmem>>) dst(%dma_wait3A_646 : memref<32x768xf32, #tpu.memory_space<hbm>>)
    %add3A_647 = arith.constant 8192 : i32
    %add3A_648 = arith.addi %add3A_647, %mul3A_2 : i32
    %add3A_649 = arith.constant 192 : i32
    %add3A_650 = arith.addi %add3A_648, %add3A_649 : i32
    %dma_start3A_651 = arith.constant 0 : i32
    %dma_start3A_652 = tpu.memref_slice %arg2[%add3A_650, %dma_start3A_651] : memref<32768x768xf32, #tpu.memory_space<hbm>> -> memref<32x768xf32, #tpu.memory_space<hbm>>
    %dma_start3A_653 = arith.constant 0 : i32
    %dma_start3A_654 = tpu.memref_slice %arg2[%add3A_650, %dma_start3A_653] : memref<32768x768xf32, #tpu.memory_space<hbm>> -> memref<32x768xf32, #tpu.memory_space<hbm>>
    tpu.enqueue_dma source(%dma_start3A_654 : memref<32x768xf32, #tpu.memory_space<hbm>>) target(%arg6 : memref<32x768xf32, #tpu.memory_space<vmem>>) target_semaphore(%arg11 : memref<!tpu.dma_semaphore, #tpu.memory_space<semaphore_mem>>)
    %dma_wait3A_655 = arith.constant 0 : i32
    %dma_wait3A_656 = tpu.memref_slice %arg3[%add3A_554, %dma_wait3A_655] : memref<8192x768xf32, #tpu.memory_space<hbm>> -> memref<32x768xf32, #tpu.memory_space<hbm>>
    %dma_wait3A_657 = arith.constant 0 : i32
    %dma_wait3A_658 = tpu.memref_slice %arg3[%add3A_554, %dma_wait3A_657] : memref<8192x768xf32, #tpu.memory_space<hbm>> -> memref<32x768xf32, #tpu.memory_space<hbm>>
    tpu.wait_dma2 semaphore(%arg16 : memref<!tpu.dma_semaphore, #tpu.memory_space<semaphore_mem>>) src(%dma_wait3A_658 : memref<32x768xf32, #tpu.memory_space<hbm>>) dst(%arg8 : memref<32x768xf32, #tpu.memory_space<vmem>>)
    %add3A_659 = arith.constant 224 : i32
    %add3A_660 = arith.addi %mul3A_2, %add3A_659 : i32
    %dma_start3A_661 = arith.constant 0 : i32
    %dma_start3A_662 = tpu.memref_slice %arg3[%add3A_660, %dma_start3A_661] : memref<8192x768xf32, #tpu.memory_space<hbm>> -> memref<32x768xf32, #tpu.memory_space<hbm>>
    %dma_start3A_663 = arith.constant 0 : i32
    %dma_start3A_664 = tpu.memref_slice %arg3[%add3A_660, %dma_start3A_663] : memref<8192x768xf32, #tpu.memory_space<hbm>> -> memref<32x768xf32, #tpu.memory_space<hbm>>
    tpu.enqueue_dma source(%dma_start3A_664 : memref<32x768xf32, #tpu.memory_space<hbm>>) target(%arg9 : memref<32x768xf32, #tpu.memory_space<vmem>>) target_semaphore(%arg17 : memref<!tpu.dma_semaphore, #tpu.memory_space<semaphore_mem>>)
    %dma_wait3A_665 = arith.constant 0 : i32
    %dma_wait3A_666 = tpu.memref_slice %arg2[%add3A_626, %dma_wait3A_665] : memref<32768x768xf32, #tpu.memory_space<hbm>> -> memref<32x768xf32, #tpu.memory_space<hbm>>
    %dma_wait3A_667 = arith.constant 0 : i32
    %dma_wait3A_668 = tpu.memref_slice %arg2[%add3A_626, %dma_wait3A_667] : memref<32768x768xf32, #tpu.memory_space<hbm>> -> memref<32x768xf32, #tpu.memory_space<hbm>>
    tpu.wait_dma2 semaphore(%arg10 : memref<!tpu.dma_semaphore, #tpu.memory_space<semaphore_mem>>) src(%dma_wait3A_668 : memref<32x768xf32, #tpu.memory_space<hbm>>) dst(%arg5 : memref<32x768xf32, #tpu.memory_space<vmem>>)
    %add3A_669 = arith.constant 0 : i32
    %add3A_670 = arith.addi %add3A_669, %mul3A_2 : i32
    %add3A_671 = arith.constant 192 : i32
    %add3A_672 = arith.addi %add3A_670, %add3A_671 : i32
    %dma_start3A_673 = arith.constant 0 : i32
    %dma_start3A_674 = tpu.memref_slice %arg4[%add3A_672, %dma_start3A_673] : memref<32768x768xf32, #tpu.memory_space<hbm>> -> memref<32x768xf32, #tpu.memory_space<hbm>>
    %dma_start3A_675 = arith.constant 0 : i32
    %dma_start3A_676 = tpu.memref_slice %arg4[%add3A_672, %dma_start3A_675] : memref<32768x768xf32, #tpu.memory_space<hbm>> -> memref<32x768xf32, #tpu.memory_space<hbm>>
    tpu.enqueue_dma source(%arg5 : memref<32x768xf32, #tpu.memory_space<vmem>>) target(%dma_start3A_676 : memref<32x768xf32, #tpu.memory_space<hbm>>) target_semaphore(%arg13 : memref<!tpu.dma_semaphore, #tpu.memory_space<semaphore_mem>>)
    %dma_wait3A_677 = arith.constant 0 : i32
    %dma_wait3A_678 = tpu.memref_slice %arg4[%add3A_638, %dma_wait3A_677] : memref<32768x768xf32, #tpu.memory_space<hbm>> -> memref<32x768xf32, #tpu.memory_space<hbm>>
    %dma_wait3A_679 = arith.constant 0 : i32
    %dma_wait3A_680 = tpu.memref_slice %arg4[%add3A_638, %dma_wait3A_679] : memref<32768x768xf32, #tpu.memory_space<hbm>> -> memref<32x768xf32, #tpu.memory_space<hbm>>
    tpu.wait_dma2 semaphore(%arg15 : memref<!tpu.dma_semaphore, #tpu.memory_space<semaphore_mem>>) src(%arg7 : memref<32x768xf32, #tpu.memory_space<vmem>>) dst(%dma_wait3A_680 : memref<32x768xf32, #tpu.memory_space<hbm>>)
    %add3A_681 = arith.constant 16384 : i32
    %add3A_682 = arith.addi %add3A_681, %mul3A_2 : i32
    %add3A_683 = arith.constant 192 : i32
    %add3A_684 = arith.addi %add3A_682, %add3A_683 : i32
    %dma_start3A_685 = arith.constant 0 : i32
    %dma_start3A_686 = tpu.memref_slice %arg2[%add3A_684, %dma_start3A_685] : memref<32768x768xf32, #tpu.memory_space<hbm>> -> memref<32x768xf32, #tpu.memory_space<hbm>>
    %dma_start3A_687 = arith.constant 0 : i32
    %dma_start3A_688 = tpu.memref_slice %arg2[%add3A_684, %dma_start3A_687] : memref<32768x768xf32, #tpu.memory_space<hbm>> -> memref<32x768xf32, #tpu.memory_space<hbm>>
    tpu.enqueue_dma source(%dma_start3A_688 : memref<32x768xf32, #tpu.memory_space<hbm>>) target(%arg7 : memref<32x768xf32, #tpu.memory_space<vmem>>) target_semaphore(%arg12 : memref<!tpu.dma_semaphore, #tpu.memory_space<semaphore_mem>>)
    %dma_wait3A_689 = arith.constant 0 : i32
    %dma_wait3A_690 = tpu.memref_slice %arg2[%add3A_650, %dma_wait3A_689] : memref<32768x768xf32, #tpu.memory_space<hbm>> -> memref<32x768xf32, #tpu.memory_space<hbm>>
    %dma_wait3A_691 = arith.constant 0 : i32
    %dma_wait3A_692 = tpu.memref_slice %arg2[%add3A_650, %dma_wait3A_691] : memref<32768x768xf32, #tpu.memory_space<hbm>> -> memref<32x768xf32, #tpu.memory_space<hbm>>
    tpu.wait_dma2 semaphore(%arg11 : memref<!tpu.dma_semaphore, #tpu.memory_space<semaphore_mem>>) src(%dma_wait3A_692 : memref<32x768xf32, #tpu.memory_space<hbm>>) dst(%arg6 : memref<32x768xf32, #tpu.memory_space<vmem>>)
    %add3A_693 = arith.constant 8192 : i32
    %add3A_694 = arith.addi %add3A_693, %mul3A_2 : i32
    %add3A_695 = arith.constant 192 : i32
    %add3A_696 = arith.addi %add3A_694, %add3A_695 : i32
    %dma_start3A_697 = arith.constant 0 : i32
    %dma_start3A_698 = tpu.memref_slice %arg4[%add3A_696, %dma_start3A_697] : memref<32768x768xf32, #tpu.memory_space<hbm>> -> memref<32x768xf32, #tpu.memory_space<hbm>>
    %dma_start3A_699 = arith.constant 0 : i32
    %dma_start3A_700 = tpu.memref_slice %arg4[%add3A_696, %dma_start3A_699] : memref<32768x768xf32, #tpu.memory_space<hbm>> -> memref<32x768xf32, #tpu.memory_space<hbm>>
    tpu.enqueue_dma source(%arg6 : memref<32x768xf32, #tpu.memory_space<vmem>>) target(%dma_start3A_700 : memref<32x768xf32, #tpu.memory_space<hbm>>) target_semaphore(%arg14 : memref<!tpu.dma_semaphore, #tpu.memory_space<semaphore_mem>>)
    %dma_wait3A_701 = arith.constant 0 : i32
    %dma_wait3A_702 = tpu.memref_slice %arg4[%add3A_672, %dma_wait3A_701] : memref<32768x768xf32, #tpu.memory_space<hbm>> -> memref<32x768xf32, #tpu.memory_space<hbm>>
    %dma_wait3A_703 = arith.constant 0 : i32
    %dma_wait3A_704 = tpu.memref_slice %arg4[%add3A_672, %dma_wait3A_703] : memref<32768x768xf32, #tpu.memory_space<hbm>> -> memref<32x768xf32, #tpu.memory_space<hbm>>
    tpu.wait_dma2 semaphore(%arg13 : memref<!tpu.dma_semaphore, #tpu.memory_space<semaphore_mem>>) src(%arg5 : memref<32x768xf32, #tpu.memory_space<vmem>>) dst(%dma_wait3A_704 : memref<32x768xf32, #tpu.memory_space<hbm>>)
    %add3A_705 = arith.constant 24576 : i32
    %add3A_706 = arith.addi %add3A_705, %mul3A_2 : i32
    %add3A_707 = arith.constant 192 : i32
    %add3A_708 = arith.addi %add3A_706, %add3A_707 : i32
    %dma_start3A_709 = arith.constant 0 : i32
    %dma_start3A_710 = tpu.memref_slice %arg2[%add3A_708, %dma_start3A_709] : memref<32768x768xf32, #tpu.memory_space<hbm>> -> memref<32x768xf32, #tpu.memory_space<hbm>>
    %dma_start3A_711 = arith.constant 0 : i32
    %dma_start3A_712 = tpu.memref_slice %arg2[%add3A_708, %dma_start3A_711] : memref<32768x768xf32, #tpu.memory_space<hbm>> -> memref<32x768xf32, #tpu.memory_space<hbm>>
    tpu.enqueue_dma source(%dma_start3A_712 : memref<32x768xf32, #tpu.memory_space<hbm>>) target(%arg5 : memref<32x768xf32, #tpu.memory_space<vmem>>) target_semaphore(%arg10 : memref<!tpu.dma_semaphore, #tpu.memory_space<semaphore_mem>>)
    %dma_wait3A_713 = arith.constant 0 : i32
    %dma_wait3A_714 = tpu.memref_slice %arg2[%add3A_684, %dma_wait3A_713] : memref<32768x768xf32, #tpu.memory_space<hbm>> -> memref<32x768xf32, #tpu.memory_space<hbm>>
    %dma_wait3A_715 = arith.constant 0 : i32
    %dma_wait3A_716 = tpu.memref_slice %arg2[%add3A_684, %dma_wait3A_715] : memref<32768x768xf32, #tpu.memory_space<hbm>> -> memref<32x768xf32, #tpu.memory_space<hbm>>
    tpu.wait_dma2 semaphore(%arg12 : memref<!tpu.dma_semaphore, #tpu.memory_space<semaphore_mem>>) src(%dma_wait3A_716 : memref<32x768xf32, #tpu.memory_space<hbm>>) dst(%arg7 : memref<32x768xf32, #tpu.memory_space<vmem>>)
    %add3A_717 = arith.constant 16384 : i32
    %add3A_718 = arith.addi %add3A_717, %mul3A_2 : i32
    %add3A_719 = arith.constant 192 : i32
    %add3A_720 = arith.addi %add3A_718, %add3A_719 : i32
    %dma_start3A_721 = arith.constant 0 : i32
    %dma_start3A_722 = tpu.memref_slice %arg4[%add3A_720, %dma_start3A_721] : memref<32768x768xf32, #tpu.memory_space<hbm>> -> memref<32x768xf32, #tpu.memory_space<hbm>>
    %dma_start3A_723 = arith.constant 0 : i32
    %dma_start3A_724 = tpu.memref_slice %arg4[%add3A_720, %dma_start3A_723] : memref<32768x768xf32, #tpu.memory_space<hbm>> -> memref<32x768xf32, #tpu.memory_space<hbm>>
    tpu.enqueue_dma source(%arg7 : memref<32x768xf32, #tpu.memory_space<vmem>>) target(%dma_start3A_724 : memref<32x768xf32, #tpu.memory_space<hbm>>) target_semaphore(%arg15 : memref<!tpu.dma_semaphore, #tpu.memory_space<semaphore_mem>>)
    %dma_wait3A_725 = arith.constant 0 : i32
    %dma_wait3A_726 = tpu.memref_slice %arg4[%add3A_696, %dma_wait3A_725] : memref<32768x768xf32, #tpu.memory_space<hbm>> -> memref<32x768xf32, #tpu.memory_space<hbm>>
    %dma_wait3A_727 = arith.constant 0 : i32
    %dma_wait3A_728 = tpu.memref_slice %arg4[%add3A_696, %dma_wait3A_727] : memref<32768x768xf32, #tpu.memory_space<hbm>> -> memref<32x768xf32, #tpu.memory_space<hbm>>
    tpu.wait_dma2 semaphore(%arg14 : memref<!tpu.dma_semaphore, #tpu.memory_space<semaphore_mem>>) src(%arg6 : memref<32x768xf32, #tpu.memory_space<vmem>>) dst(%dma_wait3A_728 : memref<32x768xf32, #tpu.memory_space<hbm>>)
    %add3A_729 = arith.constant 0 : i32
    %add3A_730 = arith.addi %add3A_729, %mul3A_2 : i32
    %add3A_731 = arith.constant 224 : i32
    %add3A_732 = arith.addi %add3A_730, %add3A_731 : i32
    %dma_start3A_733 = arith.constant 0 : i32
    %dma_start3A_734 = tpu.memref_slice %arg2[%add3A_732, %dma_start3A_733] : memref<32768x768xf32, #tpu.memory_space<hbm>> -> memref<32x768xf32, #tpu.memory_space<hbm>>
    %dma_start3A_735 = arith.constant 0 : i32
    %dma_start3A_736 = tpu.memref_slice %arg2[%add3A_732, %dma_start3A_735] : memref<32768x768xf32, #tpu.memory_space<hbm>> -> memref<32x768xf32, #tpu.memory_space<hbm>>
    tpu.enqueue_dma source(%dma_start3A_736 : memref<32x768xf32, #tpu.memory_space<hbm>>) target(%arg6 : memref<32x768xf32, #tpu.memory_space<vmem>>) target_semaphore(%arg11 : memref<!tpu.dma_semaphore, #tpu.memory_space<semaphore_mem>>)
    %dma_wait3A_737 = arith.constant 0 : i32
    %dma_wait3A_738 = tpu.memref_slice %arg2[%add3A_708, %dma_wait3A_737] : memref<32768x768xf32, #tpu.memory_space<hbm>> -> memref<32x768xf32, #tpu.memory_space<hbm>>
    %dma_wait3A_739 = arith.constant 0 : i32
    %dma_wait3A_740 = tpu.memref_slice %arg2[%add3A_708, %dma_wait3A_739] : memref<32768x768xf32, #tpu.memory_space<hbm>> -> memref<32x768xf32, #tpu.memory_space<hbm>>
    tpu.wait_dma2 semaphore(%arg10 : memref<!tpu.dma_semaphore, #tpu.memory_space<semaphore_mem>>) src(%dma_wait3A_740 : memref<32x768xf32, #tpu.memory_space<hbm>>) dst(%arg5 : memref<32x768xf32, #tpu.memory_space<vmem>>)
    %add3A_741 = arith.constant 24576 : i32
    %add3A_742 = arith.addi %add3A_741, %mul3A_2 : i32
    %add3A_743 = arith.constant 192 : i32
    %add3A_744 = arith.addi %add3A_742, %add3A_743 : i32
    %dma_start3A_745 = arith.constant 0 : i32
    %dma_start3A_746 = tpu.memref_slice %arg4[%add3A_744, %dma_start3A_745] : memref<32768x768xf32, #tpu.memory_space<hbm>> -> memref<32x768xf32, #tpu.memory_space<hbm>>
    %dma_start3A_747 = arith.constant 0 : i32
    %dma_start3A_748 = tpu.memref_slice %arg4[%add3A_744, %dma_start3A_747] : memref<32768x768xf32, #tpu.memory_space<hbm>> -> memref<32x768xf32, #tpu.memory_space<hbm>>
    tpu.enqueue_dma source(%arg5 : memref<32x768xf32, #tpu.memory_space<vmem>>) target(%dma_start3A_748 : memref<32x768xf32, #tpu.memory_space<hbm>>) target_semaphore(%arg13 : memref<!tpu.dma_semaphore, #tpu.memory_space<semaphore_mem>>)
    %dma_wait3A_749 = arith.constant 0 : i32
    %dma_wait3A_750 = tpu.memref_slice %arg4[%add3A_720, %dma_wait3A_749] : memref<32768x768xf32, #tpu.memory_space<hbm>> -> memref<32x768xf32, #tpu.memory_space<hbm>>
    %dma_wait3A_751 = arith.constant 0 : i32
    %dma_wait3A_752 = tpu.memref_slice %arg4[%add3A_720, %dma_wait3A_751] : memref<32768x768xf32, #tpu.memory_space<hbm>> -> memref<32x768xf32, #tpu.memory_space<hbm>>
    tpu.wait_dma2 semaphore(%arg15 : memref<!tpu.dma_semaphore, #tpu.memory_space<semaphore_mem>>) src(%arg7 : memref<32x768xf32, #tpu.memory_space<vmem>>) dst(%dma_wait3A_752 : memref<32x768xf32, #tpu.memory_space<hbm>>)
    %add3A_753 = arith.constant 8192 : i32
    %add3A_754 = arith.addi %add3A_753, %mul3A_2 : i32
    %add3A_755 = arith.constant 224 : i32
    %add3A_756 = arith.addi %add3A_754, %add3A_755 : i32
    %dma_start3A_757 = arith.constant 0 : i32
    %dma_start3A_758 = tpu.memref_slice %arg2[%add3A_756, %dma_start3A_757] : memref<32768x768xf32, #tpu.memory_space<hbm>> -> memref<32x768xf32, #tpu.memory_space<hbm>>
    %dma_start3A_759 = arith.constant 0 : i32
    %dma_start3A_760 = tpu.memref_slice %arg2[%add3A_756, %dma_start3A_759] : memref<32768x768xf32, #tpu.memory_space<hbm>> -> memref<32x768xf32, #tpu.memory_space<hbm>>
    tpu.enqueue_dma source(%dma_start3A_760 : memref<32x768xf32, #tpu.memory_space<hbm>>) target(%arg7 : memref<32x768xf32, #tpu.memory_space<vmem>>) target_semaphore(%arg12 : memref<!tpu.dma_semaphore, #tpu.memory_space<semaphore_mem>>)
    %dma_wait3A_761 = arith.constant 0 : i32
    %dma_wait3A_762 = tpu.memref_slice %arg3[%add3A_660, %dma_wait3A_761] : memref<8192x768xf32, #tpu.memory_space<hbm>> -> memref<32x768xf32, #tpu.memory_space<hbm>>
    %dma_wait3A_763 = arith.constant 0 : i32
    %dma_wait3A_764 = tpu.memref_slice %arg3[%add3A_660, %dma_wait3A_763] : memref<8192x768xf32, #tpu.memory_space<hbm>> -> memref<32x768xf32, #tpu.memory_space<hbm>>
    tpu.wait_dma2 semaphore(%arg17 : memref<!tpu.dma_semaphore, #tpu.memory_space<semaphore_mem>>) src(%dma_wait3A_764 : memref<32x768xf32, #tpu.memory_space<hbm>>) dst(%arg9 : memref<32x768xf32, #tpu.memory_space<vmem>>)
    %dma_wait3A_765 = arith.constant 0 : i32
    %dma_wait3A_766 = tpu.memref_slice %arg2[%add3A_732, %dma_wait3A_765] : memref<32768x768xf32, #tpu.memory_space<hbm>> -> memref<32x768xf32, #tpu.memory_space<hbm>>
    %dma_wait3A_767 = arith.constant 0 : i32
    %dma_wait3A_768 = tpu.memref_slice %arg2[%add3A_732, %dma_wait3A_767] : memref<32768x768xf32, #tpu.memory_space<hbm>> -> memref<32x768xf32, #tpu.memory_space<hbm>>
    tpu.wait_dma2 semaphore(%arg11 : memref<!tpu.dma_semaphore, #tpu.memory_space<semaphore_mem>>) src(%dma_wait3A_768 : memref<32x768xf32, #tpu.memory_space<hbm>>) dst(%arg6 : memref<32x768xf32, #tpu.memory_space<vmem>>)
    %add3A_769 = arith.constant 0 : i32
    %add3A_770 = arith.addi %add3A_769, %mul3A_2 : i32
    %add3A_771 = arith.constant 224 : i32
    %add3A_772 = arith.addi %add3A_770, %add3A_771 : i32
    %dma_start3A_773 = arith.constant 0 : i32
    %dma_start3A_774 = tpu.memref_slice %arg4[%add3A_772, %dma_start3A_773] : memref<32768x768xf32, #tpu.memory_space<hbm>> -> memref<32x768xf32, #tpu.memory_space<hbm>>
    %dma_start3A_775 = arith.constant 0 : i32
    %dma_start3A_776 = tpu.memref_slice %arg4[%add3A_772, %dma_start3A_775] : memref<32768x768xf32, #tpu.memory_space<hbm>> -> memref<32x768xf32, #tpu.memory_space<hbm>>
    tpu.enqueue_dma source(%arg6 : memref<32x768xf32, #tpu.memory_space<vmem>>) target(%dma_start3A_776 : memref<32x768xf32, #tpu.memory_space<hbm>>) target_semaphore(%arg14 : memref<!tpu.dma_semaphore, #tpu.memory_space<semaphore_mem>>)
    %dma_wait3A_777 = arith.constant 0 : i32
    %dma_wait3A_778 = tpu.memref_slice %arg4[%add3A_744, %dma_wait3A_777] : memref<32768x768xf32, #tpu.memory_space<hbm>> -> memref<32x768xf32, #tpu.memory_space<hbm>>
    %dma_wait3A_779 = arith.constant 0 : i32
    %dma_wait3A_780 = tpu.memref_slice %arg4[%add3A_744, %dma_wait3A_779] : memref<32768x768xf32, #tpu.memory_space<hbm>> -> memref<32x768xf32, #tpu.memory_space<hbm>>
    tpu.wait_dma2 semaphore(%arg13 : memref<!tpu.dma_semaphore, #tpu.memory_space<semaphore_mem>>) src(%arg5 : memref<32x768xf32, #tpu.memory_space<vmem>>) dst(%dma_wait3A_780 : memref<32x768xf32, #tpu.memory_space<hbm>>)
    %add3A_781 = arith.constant 16384 : i32
    %add3A_782 = arith.addi %add3A_781, %mul3A_2 : i32
    %add3A_783 = arith.constant 224 : i32
    %add3A_784 = arith.addi %add3A_782, %add3A_783 : i32
    %dma_start3A_785 = arith.constant 0 : i32
    %dma_start3A_786 = tpu.memref_slice %arg2[%add3A_784, %dma_start3A_785] : memref<32768x768xf32, #tpu.memory_space<hbm>> -> memref<32x768xf32, #tpu.memory_space<hbm>>
    %dma_start3A_787 = arith.constant 0 : i32
    %dma_start3A_788 = tpu.memref_slice %arg2[%add3A_784, %dma_start3A_787] : memref<32768x768xf32, #tpu.memory_space<hbm>> -> memref<32x768xf32, #tpu.memory_space<hbm>>
    tpu.enqueue_dma source(%dma_start3A_788 : memref<32x768xf32, #tpu.memory_space<hbm>>) target(%arg5 : memref<32x768xf32, #tpu.memory_space<vmem>>) target_semaphore(%arg10 : memref<!tpu.dma_semaphore, #tpu.memory_space<semaphore_mem>>)
    %dma_wait3A_789 = arith.constant 0 : i32
    %dma_wait3A_790 = tpu.memref_slice %arg2[%add3A_756, %dma_wait3A_789] : memref<32768x768xf32, #tpu.memory_space<hbm>> -> memref<32x768xf32, #tpu.memory_space<hbm>>
    %dma_wait3A_791 = arith.constant 0 : i32
    %dma_wait3A_792 = tpu.memref_slice %arg2[%add3A_756, %dma_wait3A_791] : memref<32768x768xf32, #tpu.memory_space<hbm>> -> memref<32x768xf32, #tpu.memory_space<hbm>>
    tpu.wait_dma2 semaphore(%arg12 : memref<!tpu.dma_semaphore, #tpu.memory_space<semaphore_mem>>) src(%dma_wait3A_792 : memref<32x768xf32, #tpu.memory_space<hbm>>) dst(%arg7 : memref<32x768xf32, #tpu.memory_space<vmem>>)
    %add3A_793 = arith.constant 8192 : i32
    %add3A_794 = arith.addi %add3A_793, %mul3A_2 : i32
    %add3A_795 = arith.constant 224 : i32
    %add3A_796 = arith.addi %add3A_794, %add3A_795 : i32
    %dma_start3A_797 = arith.constant 0 : i32
    %dma_start3A_798 = tpu.memref_slice %arg4[%add3A_796, %dma_start3A_797] : memref<32768x768xf32, #tpu.memory_space<hbm>> -> memref<32x768xf32, #tpu.memory_space<hbm>>
    %dma_start3A_799 = arith.constant 0 : i32
    %dma_start3A_800 = tpu.memref_slice %arg4[%add3A_796, %dma_start3A_799] : memref<32768x768xf32, #tpu.memory_space<hbm>> -> memref<32x768xf32, #tpu.memory_space<hbm>>
    tpu.enqueue_dma source(%arg7 : memref<32x768xf32, #tpu.memory_space<vmem>>) target(%dma_start3A_800 : memref<32x768xf32, #tpu.memory_space<hbm>>) target_semaphore(%arg15 : memref<!tpu.dma_semaphore, #tpu.memory_space<semaphore_mem>>)
    %dma_wait3A_801 = arith.constant 0 : i32
    %dma_wait3A_802 = tpu.memref_slice %arg4[%add3A_772, %dma_wait3A_801] : memref<32768x768xf32, #tpu.memory_space<hbm>> -> memref<32x768xf32, #tpu.memory_space<hbm>>
    %dma_wait3A_803 = arith.constant 0 : i32
    %dma_wait3A_804 = tpu.memref_slice %arg4[%add3A_772, %dma_wait3A_803] : memref<32768x768xf32, #tpu.memory_space<hbm>> -> memref<32x768xf32, #tpu.memory_space<hbm>>
    tpu.wait_dma2 semaphore(%arg14 : memref<!tpu.dma_semaphore, #tpu.memory_space<semaphore_mem>>) src(%arg6 : memref<32x768xf32, #tpu.memory_space<vmem>>) dst(%dma_wait3A_804 : memref<32x768xf32, #tpu.memory_space<hbm>>)
    %add3A_805 = arith.constant 24576 : i32
    %add3A_806 = arith.addi %add3A_805, %mul3A_2 : i32
    %add3A_807 = arith.constant 224 : i32
    %add3A_808 = arith.addi %add3A_806, %add3A_807 : i32
    %dma_start3A_809 = arith.constant 0 : i32
    %dma_start3A_810 = tpu.memref_slice %arg2[%add3A_808, %dma_start3A_809] : memref<32768x768xf32, #tpu.memory_space<hbm>> -> memref<32x768xf32, #tpu.memory_space<hbm>>
    %dma_start3A_811 = arith.constant 0 : i32
    %dma_start3A_812 = tpu.memref_slice %arg2[%add3A_808, %dma_start3A_811] : memref<32768x768xf32, #tpu.memory_space<hbm>> -> memref<32x768xf32, #tpu.memory_space<hbm>>
    tpu.enqueue_dma source(%dma_start3A_812 : memref<32x768xf32, #tpu.memory_space<hbm>>) target(%arg6 : memref<32x768xf32, #tpu.memory_space<vmem>>) target_semaphore(%arg11 : memref<!tpu.dma_semaphore, #tpu.memory_space<semaphore_mem>>)
    %dma_wait3A_813 = arith.constant 0 : i32
    %dma_wait3A_814 = tpu.memref_slice %arg2[%add3A_784, %dma_wait3A_813] : memref<32768x768xf32, #tpu.memory_space<hbm>> -> memref<32x768xf32, #tpu.memory_space<hbm>>
    %dma_wait3A_815 = arith.constant 0 : i32
    %dma_wait3A_816 = tpu.memref_slice %arg2[%add3A_784, %dma_wait3A_815] : memref<32768x768xf32, #tpu.memory_space<hbm>> -> memref<32x768xf32, #tpu.memory_space<hbm>>
    tpu.wait_dma2 semaphore(%arg10 : memref<!tpu.dma_semaphore, #tpu.memory_space<semaphore_mem>>) src(%dma_wait3A_816 : memref<32x768xf32, #tpu.memory_space<hbm>>) dst(%arg5 : memref<32x768xf32, #tpu.memory_space<vmem>>)
    %add3A_817 = arith.constant 16384 : i32
    %add3A_818 = arith.addi %add3A_817, %mul3A_2 : i32
    %add3A_819 = arith.constant 224 : i32
    %add3A_820 = arith.addi %add3A_818, %add3A_819 : i32
    %dma_start3A_821 = arith.constant 0 : i32
    %dma_start3A_822 = tpu.memref_slice %arg4[%add3A_820, %dma_start3A_821] : memref<32768x768xf32, #tpu.memory_space<hbm>> -> memref<32x768xf32, #tpu.memory_space<hbm>>
    %dma_start3A_823 = arith.constant 0 : i32
    %dma_start3A_824 = tpu.memref_slice %arg4[%add3A_820, %dma_start3A_823] : memref<32768x768xf32, #tpu.memory_space<hbm>> -> memref<32x768xf32, #tpu.memory_space<hbm>>
    tpu.enqueue_dma source(%arg5 : memref<32x768xf32, #tpu.memory_space<vmem>>) target(%dma_start3A_824 : memref<32x768xf32, #tpu.memory_space<hbm>>) target_semaphore(%arg13 : memref<!tpu.dma_semaphore, #tpu.memory_space<semaphore_mem>>)
    %dma_wait3A_825 = arith.constant 0 : i32
    %dma_wait3A_826 = tpu.memref_slice %arg2[%add3A_808, %dma_wait3A_825] : memref<32768x768xf32, #tpu.memory_space<hbm>> -> memref<32x768xf32, #tpu.memory_space<hbm>>
    %dma_wait3A_827 = arith.constant 0 : i32
    %dma_wait3A_828 = tpu.memref_slice %arg2[%add3A_808, %dma_wait3A_827] : memref<32768x768xf32, #tpu.memory_space<hbm>> -> memref<32x768xf32, #tpu.memory_space<hbm>>
    tpu.wait_dma2 semaphore(%arg11 : memref<!tpu.dma_semaphore, #tpu.memory_space<semaphore_mem>>) src(%dma_wait3A_828 : memref<32x768xf32, #tpu.memory_space<hbm>>) dst(%arg6 : memref<32x768xf32, #tpu.memory_space<vmem>>)
    %add3A_829 = arith.constant 24576 : i32
    %add3A_830 = arith.addi %add3A_829, %mul3A_2 : i32
    %add3A_831 = arith.constant 224 : i32
    %add3A_832 = arith.addi %add3A_830, %add3A_831 : i32
    %dma_start3A_833 = arith.constant 0 : i32
    %dma_start3A_834 = tpu.memref_slice %arg4[%add3A_832, %dma_start3A_833] : memref<32768x768xf32, #tpu.memory_space<hbm>> -> memref<32x768xf32, #tpu.memory_space<hbm>>
    %dma_start3A_835 = arith.constant 0 : i32
    %dma_start3A_836 = tpu.memref_slice %arg4[%add3A_832, %dma_start3A_835] : memref<32768x768xf32, #tpu.memory_space<hbm>> -> memref<32x768xf32, #tpu.memory_space<hbm>>
    tpu.enqueue_dma source(%arg6 : memref<32x768xf32, #tpu.memory_space<vmem>>) target(%dma_start3A_836 : memref<32x768xf32, #tpu.memory_space<hbm>>) target_semaphore(%arg14 : memref<!tpu.dma_semaphore, #tpu.memory_space<semaphore_mem>>)
    %dma_wait3A_837 = arith.constant 0 : i32
    %dma_wait3A_838 = tpu.memref_slice %arg4[%add3A_796, %dma_wait3A_837] : memref<32768x768xf32, #tpu.memory_space<hbm>> -> memref<32x768xf32, #tpu.memory_space<hbm>>
    %dma_wait3A_839 = arith.constant 0 : i32
    %dma_wait3A_840 = tpu.memref_slice %arg4[%add3A_796, %dma_wait3A_839] : memref<32768x768xf32, #tpu.memory_space<hbm>> -> memref<32x768xf32, #tpu.memory_space<hbm>>
    tpu.wait_dma2 semaphore(%arg15 : memref<!tpu.dma_semaphore, #tpu.memory_space<semaphore_mem>>) src(%arg7 : memref<32x768xf32, #tpu.memory_space<vmem>>) dst(%dma_wait3A_840 : memref<32x768xf32, #tpu.memory_space<hbm>>)
    %dma_wait3A_841 = arith.constant 0 : i32
    %dma_wait3A_842 = tpu.memref_slice %arg4[%add3A_820, %dma_wait3A_841] : memref<32768x768xf32, #tpu.memory_space<hbm>> -> memref<32x768xf32, #tpu.memory_space<hbm>>
    %dma_wait3A_843 = arith.constant 0 : i32
    %dma_wait3A_844 = tpu.memref_slice %arg4[%add3A_820, %dma_wait3A_843] : memref<32768x768xf32, #tpu.memory_space<hbm>> -> memref<32x768xf32, #tpu.memory_space<hbm>>
    tpu.wait_dma2 semaphore(%arg13 : memref<!tpu.dma_semaphore, #tpu.memory_space<semaphore_mem>>) src(%arg5 : memref<32x768xf32, #tpu.memory_space<vmem>>) dst(%dma_wait3A_844 : memref<32x768xf32, #tpu.memory_space<hbm>>)
    %dma_wait3A_845 = arith.constant 0 : i32
    %dma_wait3A_846 = tpu.memref_slice %arg4[%add3A_832, %dma_wait3A_845] : memref<32768x768xf32, #tpu.memory_space<hbm>> -> memref<32x768xf32, #tpu.memory_space<hbm>>
    %dma_wait3A_847 = arith.constant 0 : i32
    %dma_wait3A_848 = tpu.memref_slice %arg4[%add3A_832, %dma_wait3A_847] : memref<32768x768xf32, #tpu.memory_space<hbm>> -> memref<32x768xf32, #tpu.memory_space<hbm>>
    tpu.wait_dma2 semaphore(%arg14 : memref<!tpu.dma_semaphore, #tpu.memory_space<semaphore_mem>>) src(%arg6 : memref<32x768xf32, #tpu.memory_space<vmem>>) dst(%dma_wait3A_848 : memref<32x768xf32, #tpu.memory_space<hbm>>)
    return
  }
}

</mosaic_0001>

<sc_bundles>
// kernel: kernel.3.cloned.1.call-start
scs
__scs_entry_jumppad:
0x0: {  	(pc) =	sbr.rel $0x88, $3  }
0x1: {  	(tag) =	ssettag $0x0;
	lr =	simm.s32 $0x1  }
0x2: {  	[smem:$0x3F9F] =	sst lr;
	_ =	strace $0xD0000000  }
0x3: {  	_ = 	snop  }
0x4: {  	_ = 	snop  }
0x5: {  	_ = 	snop  }
0x6: {  	_ = 	snop  }
0x7: {  	_ = 	snop  }
__scs_overlays_trampoline_lowered:
0x8: {  	[smem:$0x3FAE] =	sst s0  }
0x9: {  	[smem:$0x3FAF] =	sst s1  }
0xa: {  	[smem:$0x3FB0] =	sst s2  }
0xb: {  	[smem:$0x3FB1] =	sst s3  }
0xc: {  	[smem:$0x3FB2] =	sst s4  }
0xd: {  	[smem:$0x3FB3] =	sst s5  }
0xe: {  	[smem:$0x3FB4] =	sst s6  }
0xf: {  	[smem:$0x3FB5] =	sst s7  }
0x10: {  	[smem:$0x3FB6] =	sst s8  }
0x11: {  	[smem:$0x3FB7] =	sst s9;
	s0 =	simm.s32 @!p0 $0x0  }
0x12: {  	s1 =	sld [smem:$0x3F9D];
	s0 =	simm.s32 @p0 $0x1  }
0x13: {  	[smem:$0x3FB8] =	sst s0;
	s0 =	simm.s32 @!p1 $0x0  }
0x14: {  	s2 =	sld [smem:$0x3F9C];
	s0 =	simm.s32 @p1 $0x1  }
0x15: {  	[smem:$0x3FB9] =	sst s0;
	s0 =	simm.s32 @!p2 $0x0  }
0x16: {  	s3 =	sld [smem:$0x3FDB];
	s0 =	simm.s32 @p2 $0x1  }
0x17: {  	s4 =	simm.s32 $0x1BF5;
	[smem:$0x3FBB] =	sst s0  }
0x18: {  	s0 =	sld [smem:$0x3F9E];
	_ =	swait.ge [sflag:s4], $0x0  }
0x19: {  	s7 =	sld [smem:$0x3F9F]  }
0x1a: {  	s8 =	sadd.s32 $0xFFFFE003, lr  }
0x1b: {  	s9 =	sadd.s32 $0xFFFFFEF7, lr;
	s5 =	simm.s32 $0xFFFFFFFF;
	p2 =	slt.u32 s8, $0xFFFFF086  }
0x1c: {  	p1 =	slt.u32 s9, $0xF7A;
	s5 =	simm.s32 @!p2 $0x0  }
0x1d: {  	s5 =	simm.s32 @p1 $0x1;
	p0 =	seq.s32 s7, s2  }
0x1e: {  	s7 =	smul.u32 @!p0 $0xF7A, s2;
	p2 =	seq.s32 @!p0 s5, $0x0  }
0x1f: {  	s9 =	smul.u32 $0xF7A, s1;
	s8 =	simm.s32 @!p0 $0x1BF5;
	p2 =	por !p2, p0  }
0x20: {  	[sflag:s8] =	ssyncset.s32 @!p0 $0xFFFFF086;
	s6 =	sadd.s32 @!p0 s3, s7;
	s7 =	simm.s32 @!p0 $0x108  }
0x21: {  	s3 =	sadd.s32 s3, s9;
	s6 =	sadd.s32 @!p0 $0x88, s6;
	s7 =	simm.s32 @p2 $0x1082  }
0x22: {  	[simem:s7], [sflag:s8] =	dma.local @!p0 [hbm:s6], $0xF7A  }
0x23: {  	s9 =	sor.u32 $0xD0000000, s2;
	s6 =	simm.s32 $0x108;
	_ =	swait.ge @!p0 [sflag:s8], $0x0  }
0x24: {  	s3 =	sadd.s32 $0x88, s3;
	s6 =	simm.s32 @!p1 $0x1082;
	[sflag:s4] =	ssyncset.s32 $0xFFFFF086  }
0x25: {  	[simem:s6], [sflag:s4] =	dma.local [hbm:s3], $0xF7A  }
0x26: {  	[smem:$0x3F9F] =	sst s1;
	(tag) =	ssettag s2;
	_ =	strace s9  }
0x27: {  	s1 =	sld [smem:$0x3FAF]  }
0x28: {  	s2 =	sld [smem:$0x3FB0]  }
0x29: {  	s4 =	sld [smem:$0x3FB2]  }
0x2a: {  	p0 =	seq.s32 s5, $0x0;
	s5 =	sld [smem:$0x3FB3]  }
0x2b: {  	s6 =	sld [smem:$0x3FB4]  }
0x2c: {  	s7 =	sld [smem:$0x3FB5]  }
0x2d: {  	s3 =	simm.s32 $0x108;
	s8 =	sld [smem:$0x3FB6]  }
0x2e: {  	s3 =	simm.s32 @!p0 $0x1082;
	s9 =	sld [smem:$0x3FB7]  }
0x2f: {  	lr =	sadd.s32 s0, s3;
	s0 =	sld [smem:$0x3FAE]  }
0x30: {  	s3 =	sld [smem:$0x3FB1]  }
0x31: {  	[smem:$0x3FBA] =	sst s10  }
0x32: {  	s10 =	sld [smem:$0x3FB8];
	_ =	sdelay $0x3  }
0x33: {  	p0 =	seq.s32 s10, $0x1;
	s10 =	sld [smem:$0x3FBA];
	_ =	sdelay $0x3  }
0x34: {  	[smem:$0x3FBA] =	sst s10  }
0x35: {  	s10 =	sld [smem:$0x3FB9];
	_ =	sdelay $0x3  }
0x36: {  	p1 =	seq.s32 s10, $0x1;
	s10 =	sld [smem:$0x3FBA];
	_ =	sdelay $0x3  }
0x37: {  	[smem:$0x3FBA] =	sst s10  }
0x38: {  	s10 =	sld [smem:$0x3FBB]  }
0x39: {  	_ = 	snop;
	(pc) =	sbr.ind lr, $3  }
0x3a: {  	_ = 	snop  }
0x3b: {  	_ = 	snop  }
0x3c: {  	p2 =	seq.s32 s10, $0x1;
	s10 =	sld [smem:$0x3FBA]  }
0x3d: {  	_ =	shalt  }
0x3e: {  	_ =	shalt  }
0x3f: {  	_ =	shalt  }
0x40: {  	_ =	shalt  }
0x41: {  	_ =	shalt  }
0x42: {  	_ =	shalt  }
0x43: {  	_ =	shalt  }
0x44: {  	_ =	shalt  }
0x45: {  	_ =	shalt  }
0x46: {  	_ =	shalt  }
0x47: {  	_ =	shalt  }
0x48: {  	_ =	shalt  }
0x49: {  	_ =	shalt  }
0x4a: {  	_ =	shalt  }
0x4b: {  	_ =	shalt  }
0x4c: {  	_ =	shalt  }
0x4d: {  	_ =	shalt  }
0x4e: {  	_ =	shalt  }
0x4f: {  	_ =	shalt  }
0x50: {  	_ =	shalt  }
0x51: {  	_ =	shalt  }
0x52: {  	_ =	shalt  }
0x53: {  	_ =	shalt  }
0x54: {  	_ =	shalt  }
0x55: {  	_ =	shalt  }
0x56: {  	_ =	shalt  }
0x57: {  	_ =	shalt  }
0x58: {  	_ =	shalt  }
0x59: {  	_ =	shalt  }
0x5a: {  	_ =	shalt  }
0x5b: {  	_ =	shalt  }
0x5c: {  	_ =	shalt  }
0x5d: {  	_ =	shalt  }
0x5e: {  	_ =	shalt  }
0x5f: {  	_ =	shalt  }
0x60: {  	_ =	shalt  }
0x61: {  	_ =	shalt  }
0x62: {  	_ =	shalt  }
0x63: {  	_ =	shalt  }
0x64: {  	_ =	shalt  }
0x65: {  	_ =	shalt  }
0x66: {  	_ =	shalt  }
0x67: {  	_ =	shalt  }
0x68: {  	_ =	shalt  }
0x69: {  	_ =	shalt  }
0x6a: {  	_ =	shalt  }
0x6b: {  	_ =	shalt  }
0x6c: {  	_ =	shalt  }
0x6d: {  	_ =	shalt  }
0x6e: {  	_ =	shalt  }
0x6f: {  	_ =	shalt  }
0x70: {  	_ =	shalt  }
0x71: {  	_ =	shalt  }
0x72: {  	_ =	shalt  }
0x73: {  	_ =	shalt  }
0x74: {  	_ =	shalt  }
0x75: {  	_ =	shalt  }
0x76: {  	_ =	shalt  }
0x77: {  	_ =	shalt  }
0x78: {  	_ =	shalt  }
0x79: {  	_ =	shalt  }
0x7a: {  	_ =	shalt  }
0x7b: {  	_ =	shalt  }
0x7c: {  	_ =	shalt  }
0x7d: {  	_ =	shalt  }
0x7e: {  	_ =	shalt  }
0x7f: {  	_ =	shalt  }
0x80: {  	_ =	shalt  }
0x81: {  	_ =	shalt  }
0x82: {  	_ =	shalt  }
0x83: {  	_ =	shalt  }
0x84: {  	_ =	shalt  }
0x85: {  	_ =	shalt  }
0x86: {  	_ =	shalt  }
0x87: {  	_ =	shalt  }
.Lfunc_end0:
.L_simem_size_0:
called_computation_lowered:
.L_overlay_start_0:
0x88: {  	s2 =	sld [smem:$0x3FD9]  }
0x89: {  	s3 =	sld [smem:$0x3FFE];
	_ =	sdelay $0x1  }
0x8a: {  	s1 =	srdreg.scid  }
0x8b: {  	s0 =	sand.u32 $0x1, s1  }
0x8c: {  	s18 =	sshll.u32 s0, $0xA;
	s2 =	sadd.s32 s3, s2  }
0x8d: {  	s2 =	sadd.s32 s2, s18  }
0x8e: {  	[smem:$0x3FC6] =	sst s2  }
0x8f: {  	_ = 	snop  }
0x90: {  	s2 =	sld [smem:$0x3FC9]  }
0x91: {  	s19 =	sld [smem:$0x3FC8]  }
0x92: {  	s4 =	sld [smem:$0x3FD0];
	(tm) =	ssettm $0x1  }
0x93: {  	s5 =	sld [smem:$0x3FFB];
	_ =	sdelay $0x3  }
0x94: {  	_ =	strace s5  }
0x95: {  	s5 =	sld [smem:$0x3FFC];
	_ =	sdelay $0x3  }
0x96: {  	_ =	strace s5  }
0x97: {  	s5 =	sld [smem:$0x3FFD];
	_ =	sdelay $0x3  }
0x98: {  	_ =	strace s5  }
0x99: {  	_ =	strace $0x8FFFFFFF  }
0x9a: {  	s20 =	sld [smem:$0x3FDB];
	_ =	sdelay $0x1  }
0x9b: {  	s6 =	simm.s32 $_scs_section_size  }
0x9c: {  	s7 =	simm.s32 $_size__tile_overlayer_lowered;
	s8 =	simm.s32 $_tile_overlayer_lowered  }
0x9d: {  	s23 =	simm.s32 $0x1BFF;
	s22 =	sshll.u32 s8, $0x1;
	s5 =	sadd.s32 s6, s20  }
0x9e: {  	s9 =	simm.s32 $0x0;
	s21 =	sshll.u32 s7, $0x1;
	s7 =	sadd.s32 s22, s5  }
0x9f: {  	[timem:s9], [sflag:s23] =	dma.local [hbm:s7], s21  }
0xa0: {  	_ =	swait.ge [sflag:s23], s21  }
0xa1: {  	s6 =	ssub.s32 $0x0, s21;
	[sflag:s23] =	ssyncset.done $0x0  }
0xa2: {  	[sflag:s23] =	ssyncadd.s32 s6;
	_ =	sdelay $0x1  }
0xa3: {  	s24 =	simm.s32 $0x1B8B  }
0xa4: {  	_ =	swait.ge [sflag:s24], $0x1  }
0xa5: {  	[sflag:s24] =	ssyncset.done $0x0  }
0xa6: {  	s25 =	simm.s32 $0x1B8E;
	[sflag:s24] =	ssyncadd.s32 $0xFFFFFFFF  }
0xa7: {  	s26 =	simm.s32 $execute0_lowered;
	[smem:$0x3FD2] =	sst s25  }
0xa8: {  	s6 =	sshll.u32 s26, $0x1;
	_ =	strace $0x80000046;
	[dreg:$0x1] =	wrdreg $0xFFFFFFFF  }
0xa9: {  	s28 =	simm.s32 $_size_execute0_lowered;
	s5 =	sadd.s32 s5, s6;
	[dreg:$0x0] =	wrdreg $0x0  }
0xaa: {  	s6 =	sshll.u32 s28, $0x1;
	[dreg:$0x2] =	wrdreg s5  }
0xab: {  	[dreg:$0x3] =	wrdreg s6  }
0xac: {  	[dreg:$0x4] =	wrdreg $0xC0  }
0xad: {  	_ =	task [dreg:s9], $0x5FFFF  }
0xae: {  	[dreg:$0x1] =	wrdreg $0xFFFFFFFF  }
0xaf: {  	[dreg:$0x0] =	wrdreg $0x60  }
0xb0: {  	[dreg:$0x2] =	wrdreg s2  }
0xb1: {  	[dreg:$0x3] =	wrdreg s19  }
0xb2: {  	[dreg:$0x4] =	wrdreg s4  }
0xb3: {  	[dreg:$0x5] =	wrdreg $0x9  }
0xb4: {  	_ =	task.clear_ibuf [dreg:s9], $0x6FFFF;
	_ =	strace $0x90000046  }
0xb5: {  	s29 =	simm.s32 $0x9;
	_ =	strace $0x80000048  }
0xb6: {  	_ =	swait.ge [sflag:s29], $0x1  }
0xb7: {  	[sflag:s29] =	ssyncadd.s32 $0xFFFFFFFF  }
0xb8: {  	_ =	strace $0x90000048  }
0xb9: {  	_ =	sfence  }
0xba: {  	s30 =	sld [smem:$0x0];
	_ =	sdelay $0x2  }
0xbb: {  	s31 =	sshll.u32 s1, $0xD;
	s1 =	sshrl.u32 s1, $0x2  }
0xbc: {  	s3 =	sand.u32 $0x4000, s31;
	s1 =	sadd.s32 s1, s30  }
0xbd: {  	s0 =	sor.u32 s3, s0;
	s1 =	sshll.u32 s1, $0x11  }
0xbe: {  	s0 =	sor.u32 s1, s0  }
0xbf: {  	s0 =	sadd.s32 $0x8F2B, s0  }
0xc0: {  	[sflag:s0] =	ssyncadd.remote.s32 $0x1  }
0xc1: {  	_ =	sfence.sel $0xFFFF  }
0xc2: {  	[dreg:$0x0] =	wrdreg $0xFFFFFFFF;
	(pc) =	sbr.abs _section_cstart, $3  }
0xc3: {  	[dreg:$0x1] =	wrdreg $0xFFFFFFFF  }
0xc4: {  	_ =	task.clear_ibuf [dreg:s9], $0x2FFFF;
	_ =	strace $0x9FFFFFFF  }
0xc5: {  	(tm) =	ssettm $0x7FFFFFFF  }
tec
execute0_lowered:
.L_overlay_start_1:
0x0: {  	(tag) =	ssettag $0x1  }
0x1: {  	s0 =	srdreg.scid  }
0x2: {  	s2 =	stileid.u32;
	s6 =	sand.u32 $0x1, s0  }
0x3: {  	s16 =	sshll.u32 s2, $0x6;
	s17 =	sshll.u32 s6, $0x5  }
0x4: {  	s1 =	rddreg [dreg:$0x0];
	s0 =	sor.u32 s17, s16  }
0x5: {  	s5 =	rddreg [dreg:$0x1];
	s4 =	smul.u32 $0x300, s0  }
0x6: {  	s3 =	rddreg [dreg:$0x2];
	s2 =	simm.s32 $0x0  }
0x7: {  	[smem:$0x7FF] =	sst s2;
	s7 =	sadd.s32 s1, s4  }
0x8: {  	_ =	strace $0x80000047;
	s19 =	sadd.s32 s5, s4;
	[dreg:$0x4] =	wrdreg s7  }
0x9: {  	s8 =	sadd.s32 $0xC0000, s4;
	s21 =	sadd.s32 s3, s4;
	[dreg:$0x6] =	wrdreg s19  }
0xa: {  	s9 =	sor.u32 $0xC00, s4;
	s18 =	sadd.s32 s1, s8;
	[dreg:$0x8] =	wrdreg s21  }
0xb: {  	s10 =	sadd.s32 $0x180000, s4;
	s20 =	sadd.s32 s5, s9;
	[dreg:$0x5] =	wrdreg s18  }
0xc: {  	s22 =	sadd.s32 s1, s10;
	[dreg:$0x7] =	wrdreg s20  }
0xd: {  	s24 =	sadd.s32 $0x240000, s4;
	s23 =	sadd.s32 s3, s8;
	[dreg:$0x9] =	wrdreg s22  }
0xe: {  	s25 =	sadd.s32 s1, s24;
	[dreg:$0xa] =	wrdreg s23  }
0xf: {  	s26 =	sadd.s32 s3, s10;
	[dreg:$0xb] =	wrdreg s25  }
0x10: {  	s10 =	sadd.s32 s1, s9;
	[dreg:$0xc] =	wrdreg s26  }
0x11: {  	s12 =	sadd.s32 $0xC0C00, s4;
	s11 =	sadd.s32 s3, s24;
	[dreg:$0xd] =	wrdreg s10  }
0x12: {  	s14 =	sor.u32 $0x1800, s4;
	s13 =	sadd.s32 s1, s12;
	[dreg:$0xe] =	wrdreg s11  }
0x13: {  	s15 =	sadd.s32 s5, s14;
	[dreg:$0xf] =	wrdreg s13  }
0x14: {  	s16 =	sadd.s32 s3, s9;
	[dreg:$0x10] =	wrdreg s15  }
0x15: {  	s19 =	sadd.s32 s3, s12;
	[dreg:$0x11] =	wrdreg s16  }
0x16: {  	s0 =	smul.u32 $0x1800, s0;
	s12 =	sadd.s32 s3, s14;
	[dreg:$0x13] =	wrdreg s19  }
0x17: {  	s17 =	sadd.s32 $0x180C00, s4;
	[dreg:$0x1a] =	wrdreg s12  }
0x18: {  	s7 =	sshrl.u32 s0, $0x3;
	s18 =	sadd.s32 s1, s17;
	s0 =	rddreg [dreg:$0x4]  }
0x19: {  	s22 =	sadd.s32 s3, s17;
	[dreg:$0x12] =	wrdreg s18  }
0x1a: {  	s24 =	sadd.s32 $0xC1800, s4;
	s23 =	sadd.s32 s1, s14;
	[dreg:$0x15] =	wrdreg s22  }
0x1b: {  	s25 =	sadd.s32 s1, s24;
	[dreg:$0x16] =	wrdreg s23  }
0x1c: {  	s20 =	sadd.s32 $0x240C00, s4;
	s15 =	sadd.s32 s3, s24;
	[dreg:$0x18] =	wrdreg s25  }
0x1d: {  	s21 =	sadd.s32 s1, s20;
	[dreg:$0x1c] =	wrdreg s15  }
0x1e: {  	s26 =	sadd.s32 $0x2400, s7;
	s8 =	sadd.s32 s3, s20;
	[dreg:$0x14] =	wrdreg s21  }
0x1f: {  	s13 =	sadd.s32 $0x181800, s4;
	s11 =	sadd.s32 s5, s26;
	[dreg:$0x17] =	wrdreg s8  }
0x20: {  	s16 =	sadd.s32 $0x241800, s4;
	s14 =	sadd.s32 s1, s13;
	[dreg:$0x19] =	wrdreg s11  }
0x21: {  	s17 =	sadd.s32 s1, s16;
	[dreg:$0x1b] =	wrdreg s14  }
0x22: {  	s18 =	sadd.s32 s3, s13;
	[dreg:$0x1d] =	wrdreg s17  }
0x23: {  	s31 =	simm.s32 $0x12000;
	s19 =	sadd.s32 s1, s26;
	[dreg:$0x1e] =	wrdreg s18  }
0x24: {  	s29 =	simm.s32 $0x7;
	s20 =	sadd.s32 s3, s16;
	[dreg:$0x1f] =	wrdreg s19  }
0x25: {  	s23 =	sadd.s32 $0x3000, s7;
	s25 =	sadd.s32 s3, s26;
	[smem:$0x7E2] =	sst s20  }
0x26: {  	s26 =	sadd.s32 $0x182400, s4;
	s24 =	sadd.s32 s5, s23;
	[smem:$0x7E5] =	sst s25  }
0x27: {  	s13 =	sadd.s32 $0x242400, s4;
	s11 =	sadd.s32 s1, s26;
	[smem:$0x7E4] =	sst s24  }
0x28: {  	s30 =	simm.s32 $0x18000;
	s14 =	sadd.s32 s1, s13;
	[smem:$0x7E6] =	sst s11  }
0x29: {  	p0 =	por $0x0, $0x0;
	s15 =	sadd.s32 s3, s26;
	[smem:$0x7E8] =	sst s14  }
0x2a: {  	s6 =	ssub.s32 $0x2, s6;
	s16 =	sadd.s32 s1, s23;
	[smem:$0x7E9] =	sst s15  }
0x2b: {  	s21 =	sadd.s32 $0xC2400, s4;
	s17 =	sadd.s32 s3, s13;
	[smem:$0x7EA] =	sst s16  }
0x2c: {  	s18 =	sadd.s32 $0xC3000, s4;
	s22 =	sadd.s32 s1, s21;
	[smem:$0x7EB] =	sst s17  }
0x2d: {  	s20 =	sadd.s32 $0x3C00, s7;
	s12 =	sadd.s32 s3, s21;
	[smem:$0x7E3] =	sst s22  }
0x2e: {  	s26 =	sadd.s32 $0x243000, s4;
	s19 =	sadd.s32 s1, s18;
	[smem:$0x7E7] =	sst s12  }
0x2f: {  	s8 =	simm.s32 $0x4;
	s21 =	sadd.s32 s5, s20;
	[smem:$0x7EC] =	sst s19  }
0x30: {  	s25 =	sadd.s32 s3, s18;
	s11 =	sadd.s32 s1, s26;
	[smem:$0x7ED] =	sst s21  }
0x31: {  	s13 =	sadd.s32 s1, s20;
	s14 =	sadd.s32 s3, s26;
	[smem:$0x7F0] =	sst s25  }
0x32: {  	s15 =	sadd.s32 $0xC3C00, s4;
	s17 =	sadd.s32 $0x4800, s7;
	[smem:$0x7F1] =	sst s11  }
0x33: {  	s26 =	sshrl.u32 s6, $0x1;
	s7 =	sadd.s32 $0x5400, s7;
	[smem:$0x7F3] =	sst s13  }
0x34: {  	s22 =	sadd.s32 s3, s23;
	s23 =	sadd.s32 $0x183000, s4;
	[smem:$0x7F4] =	sst s14  }
0x35: {  	s16 =	sadd.s32 s1, s15;
	s18 =	sadd.s32 s5, s17;
	s19 =	sadd.s32 s3, s20  }
0x36: {  	s20 =	sadd.s32 $0x183C00, s4;
	s11 =	sadd.s32 s1, s17;
	[smem:$0x7EE] =	sst s22  }
0x37: {  	s6 =	ssub.s32 s6, s26;
	s13 =	sadd.s32 $0xC4800, s4;
	[smem:$0x7F5] =	sst s16  }
0x38: {  	s14 =	sadd.s32 $0x184800, s4;
	s24 =	sadd.s32 s1, s23;
	[smem:$0x7F6] =	sst s18  }
0x39: {  	s12 =	sadd.s32 s3, s23;
	[smem:$0x7F7] =	sst s19;
	s21 =	sadd.s32 s1, s20  }
0x3a: {  	s22 =	sadd.s32 s3, s15;
	s23 =	sadd.s32 $0x243C00, s4;
	s25 =	sadd.s32 s3, s20  }
0x3b: {  	[smem:$0x7FC] =	sst s11;
	s28 =	sadd.s32 s1, s13;
	s15 =	sadd.s32 $0x244800, s4  }
0x3c: {  	s20 =	sadd.s32 s3, s14;
	s18 =	sadd.s32 s1, s7;
	[smem:$0x7EF] =	sst s24  }
0x3d: {  	s16 =	sadd.s32 $0xC5400, s4;
	s19 =	sadd.s32 $0x185400, s4;
	[smem:$0x7F2] =	sst s12  }
0x3e: {  	s4 =	sadd.s32 $0x245400, s4;
	s26 =	smax.u32 s6, $0x1;
	[smem:$0x7F8] =	sst s21  }
0x3f: {  	s11 =	simm.s32 $0x1;
	s6 =	simm.s32 $0x5;
	[smem:$0x7F9] =	sst s22  }
0x40: {  	s24 =	sadd.s32 s1, s23;
	[smem:$0x7FB] =	sst s25;
	s12 =	sadd.s32 s3, s23  }
0x41: {  	s25 =	sadd.s32 s5, s7;
	s23 =	sadd.s32 s1, s14;
	s22 =	sadd.s32 s3, s13  }
0x42: {  	s21 =	sadd.s32 s1, s15;
	s14 =	sadd.s32 s3, s7;
	s10 =	sadd.s32 s1, s19  }
0x43: {  	s9 =	sadd.s32 s3, s16;
	s7 =	sadd.s32 s1, s4;
	p1 =	sne.s32 s26, $0x1  }
.Ltmp0:
0x44: {  	s5 =	sadd.s32 s3, s19;
	[smem:$0x7FA] =	sst s24;
	(pc) =	sbr.rel @!p1 .LBB2_3-.Ltmp0, $4  }
0x45: {  	s19 =	simm.s32 $0x3;
	s13 =	simm.s32 $0x6;
	[smem:$0x7FD] =	sst s12  }
0x46: {  	s24 =	sadd.s32 s3, s17;
	s17 =	sadd.s32 s3, s15;
	s15 =	sadd.s32 s1, s16  }
0x47: {  	s3 =	sadd.s32 s3, s4;
	s4 =	simm.s32 $0x6000;
	s16 =	simm.s32 $0xC000  }
0x48: {  	s1 =	sadd.s32 $0xFFFFFFFF, s26;
	s12 =	simm.s32 $0x2;
	s26 =	simm.s32 $0x8  }
0x49: {  	[smem:$0x7E1] =	sst s1  }
0x4a: {  	[tilespmem:s2], [sflag:$0x1] =	stream.linear.gather [hbm4b:s0+s2], $0x6000, $0x38;
	[tilespmem:$0x1E000] =	vst v63  }
0x4b: {  	s1 =	rddreg [dreg:$0x5]  }
0x4c: {  	[tilespmem:s4], [sflag:$0x2] =	stream.linear.gather [hbm4b:s1+s2], $0x6000, $0x38;
	[tilespmem:$0x1E000] =	vst v63  }
0x4d: {  	s0 =	rddreg [dreg:$0x6]  }
0x4e: {  	[tilespmem:s31], [sflag:$0x7] =	stream.linear.gather [hbm4b:s0+s2], $0x6000, $0x38;
	[tilespmem:$0x1E000] =	vst v63  }
0x4f: {  	_ =	swait.ge [sflag:s29], $0x6000  }
0x50: {  	[sflag:s29] =	ssyncset.done $0x0  }
0x51: {  	s1 =	rddreg [dreg:$0x7];
	[sflag:s29] =	ssyncadd.s32 $0xFFFFA000  }
0x52: {  	[tilespmem:s30], [sflag:$0x8] =	stream.linear.gather [hbm4b:s1+s2], $0x6000, $0x38;
	[tilespmem:$0x1E000] =	vst v63  }
0x53: {  	_ =	swait.ge [sflag:s11], $0x6000  }
0x54: {  	[sflag:s11] =	ssyncset.done $0x0  }
0x55: {  	s0 =	rddreg [dreg:$0x8];
	[sflag:s11] =	ssyncadd.s32 $0xFFFFA000  }
0x56: {  	[hbm4b:s0+s2] =	stream.linear.scatter [tilespmem:s2], [sflag:$0x4], $0x6000, $0x38;
	[tilespmem:$0x1E000] =	vst v63  }
0x57: {  	s1 =	rddreg [dreg:$0x9]  }
0x58: {  	[tilespmem:s16], [sflag:$0x3] =	stream.linear.gather [hbm4b:s1+s2], $0x6000, $0x38;
	[tilespmem:$0x1E000] =	vst v63  }
0x59: {  	_ =	swait.ge [sflag:s12], $0x6000  }
0x5a: {  	[sflag:s12] =	ssyncset.done $0x0  }
0x5b: {  	s1 =	rddreg [dreg:$0xa];
	[sflag:s12] =	ssyncadd.s32 $0xFFFFA000  }
0x5c: {  	[hbm4b:s1+s2] =	stream.linear.scatter [tilespmem:s4], [sflag:$0x5], $0x6000, $0x38;
	[tilespmem:$0x1E000] =	vst v63  }
0x5d: {  	_ =	swait.ge [sflag:s8], $0x6000  }
0x5e: {  	[sflag:s8] =	ssyncset.done $0x0  }
0x5f: {  	s1 =	rddreg [dreg:$0xb];
	[sflag:s8] =	ssyncadd.s32 $0xFFFFA000  }
0x60: {  	[tilespmem:s2], [sflag:$0x1] =	stream.linear.gather [hbm4b:s1+s2], $0x6000, $0x38;
	[tilespmem:$0x1E000] =	vst v63  }
0x61: {  	_ =	swait.ge [sflag:s19], $0x6000  }
0x62: {  	[sflag:s19] =	ssyncset.done $0x0  }
0x63: {  	s1 =	rddreg [dreg:$0xc];
	[sflag:s19] =	ssyncadd.s32 $0xFFFFA000  }
0x64: {  	[hbm4b:s1+s2] =	stream.linear.scatter [tilespmem:s16], [sflag:$0x6], $0x6000, $0x38;
	[tilespmem:$0x1E000] =	vst v63  }
0x65: {  	_ =	swait.ge [sflag:s6], $0x6000  }
0x66: {  	[sflag:s6] =	ssyncset.done $0x0  }
0x67: {  	s1 =	rddreg [dreg:$0xd];
	[sflag:s6] =	ssyncadd.s32 $0xFFFFA000  }
0x68: {  	[tilespmem:s4], [sflag:$0x2] =	stream.linear.gather [hbm4b:s1+s2], $0x6000, $0x38;
	[tilespmem:$0x1E000] =	vst v63  }
0x69: {  	_ =	swait.ge [sflag:s11], $0x6000  }
0x6a: {  	[sflag:s11] =	ssyncset.done $0x0  }
0x6b: {  	s1 =	rddreg [dreg:$0xe];
	[sflag:s11] =	ssyncadd.s32 $0xFFFFA000  }
0x6c: {  	[hbm4b:s1+s2] =	stream.linear.scatter [tilespmem:s2], [sflag:$0x4], $0x6000, $0x38;
	[tilespmem:$0x1E000] =	vst v63  }
0x6d: {  	_ =	swait.ge [sflag:s13], $0x6000  }
0x6e: {  	[sflag:s13] =	ssyncset.done $0x0  }
0x6f: {  	s1 =	rddreg [dreg:$0xf];
	[sflag:s13] =	ssyncadd.s32 $0xFFFFA000  }
0x70: {  	[tilespmem:s16], [sflag:$0x3] =	stream.linear.gather [hbm4b:s1+s2], $0x6000, $0x38;
	[tilespmem:$0x1E000] =	vst v63  }
0x71: {  	_ =	swait.ge [sflag:s26], $0x6000  }
0x72: {  	[sflag:s26] =	ssyncset.done $0x0  }
0x73: {  	s1 =	rddreg [dreg:$0x10];
	[sflag:s26] =	ssyncadd.s32 $0xFFFFA000  }
0x74: {  	[tilespmem:s31], [sflag:$0x7] =	stream.linear.gather [hbm4b:s1+s2], $0x6000, $0x38;
	[tilespmem:$0x1E000] =	vst v63  }
0x75: {  	_ =	swait.ge [sflag:s12], $0x6000  }
0x76: {  	[sflag:s12] =	ssyncset.done $0x0  }
0x77: {  	s1 =	rddreg [dreg:$0x11];
	[sflag:s12] =	ssyncadd.s32 $0xFFFFA000  }
0x78: {  	[hbm4b:s1+s2] =	stream.linear.scatter [tilespmem:s4], [sflag:$0x5], $0x6000, $0x38;
	[tilespmem:$0x1E000] =	vst v63  }
0x79: {  	_ =	swait.ge [sflag:s8], $0x6000  }
0x7a: {  	[sflag:s8] =	ssyncset.done $0x0  }
0x7b: {  	s1 =	rddreg [dreg:$0x12];
	[sflag:s8] =	ssyncadd.s32 $0xFFFFA000  }
0x7c: {  	[tilespmem:s2], [sflag:$0x1] =	stream.linear.gather [hbm4b:s1+s2], $0x6000, $0x38;
	[tilespmem:$0x1E000] =	vst v63  }
0x7d: {  	_ =	swait.ge [sflag:s19], $0x6000  }
0x7e: {  	[sflag:s19] =	ssyncset.done $0x0  }
0x7f: {  	s1 =	rddreg [dreg:$0x13];
	[sflag:s19] =	ssyncadd.s32 $0xFFFFA000  }
0x80: {  	[hbm4b:s1+s2] =	stream.linear.scatter [tilespmem:s16], [sflag:$0x6], $0x6000, $0x38;
	[tilespmem:$0x1E000] =	vst v63  }
0x81: {  	_ =	swait.ge [sflag:s6], $0x6000  }
0x82: {  	[sflag:s6] =	ssyncset.done $0x0  }
0x83: {  	s1 =	rddreg [dreg:$0x14];
	[sflag:s6] =	ssyncadd.s32 $0xFFFFA000  }
0x84: {  	[tilespmem:s4], [sflag:$0x2] =	stream.linear.gather [hbm4b:s1+s2], $0x6000, $0x38;
	[tilespmem:$0x1E000] =	vst v63  }
0x85: {  	_ =	swait.ge [sflag:s11], $0x6000  }
0x86: {  	[sflag:s11] =	ssyncset.done $0x0  }
0x87: {  	s1 =	rddreg [dreg:$0x15];
	[sflag:s11] =	ssyncadd.s32 $0xFFFFA000  }
0x88: {  	[hbm4b:s1+s2] =	stream.linear.scatter [tilespmem:s2], [sflag:$0x4], $0x6000, $0x38;
	[tilespmem:$0x1E000] =	vst v63  }
0x89: {  	_ =	swait.ge [sflag:s13], $0x6000  }
0x8a: {  	[sflag:s13] =	ssyncset.done $0x0  }
0x8b: {  	s1 =	rddreg [dreg:$0x16];
	[sflag:s13] =	ssyncadd.s32 $0xFFFFA000  }
0x8c: {  	[tilespmem:s16], [sflag:$0x3] =	stream.linear.gather [hbm4b:s1+s2], $0x6000, $0x38;
	[tilespmem:$0x1E000] =	vst v63  }
0x8d: {  	_ =	swait.ge [sflag:s12], $0x6000  }
0x8e: {  	[sflag:s12] =	ssyncset.done $0x0  }
0x8f: {  	s1 =	rddreg [dreg:$0x17];
	[sflag:s12] =	ssyncadd.s32 $0xFFFFA000  }
0x90: {  	[hbm4b:s1+s2] =	stream.linear.scatter [tilespmem:s4], [sflag:$0x5], $0x6000, $0x38;
	[tilespmem:$0x1E000] =	vst v63  }
0x91: {  	_ =	swait.ge [sflag:s8], $0x6000  }
0x92: {  	[sflag:s8] =	ssyncset.done $0x0  }
0x93: {  	s1 =	rddreg [dreg:$0x18];
	[sflag:s8] =	ssyncadd.s32 $0xFFFFA000  }
0x94: {  	[tilespmem:s2], [sflag:$0x1] =	stream.linear.gather [hbm4b:s1+s2], $0x6000, $0x38;
	[tilespmem:$0x1E000] =	vst v63  }
0x95: {  	_ =	swait.ge [sflag:s29], $0x6000  }
0x96: {  	[sflag:s29] =	ssyncset.done $0x0  }
0x97: {  	s1 =	rddreg [dreg:$0x19];
	[sflag:s29] =	ssyncadd.s32 $0xFFFFA000  }
0x98: {  	[tilespmem:s30], [sflag:$0x8] =	stream.linear.gather [hbm4b:s1+s2], $0x6000, $0x38;
	[tilespmem:$0x1E000] =	vst v63  }
0x99: {  	_ =	swait.ge [sflag:s19], $0x6000  }
0x9a: {  	[sflag:s19] =	ssyncset.done $0x0  }
0x9b: {  	s1 =	rddreg [dreg:$0x1a];
	[sflag:s19] =	ssyncadd.s32 $0xFFFFA000  }
0x9c: {  	[hbm4b:s1+s2] =	stream.linear.scatter [tilespmem:s16], [sflag:$0x6], $0x6000, $0x38;
	[tilespmem:$0x1E000] =	vst v63  }
0x9d: {  	_ =	swait.ge [sflag:s6], $0x6000  }
0x9e: {  	[sflag:s6] =	ssyncset.done $0x0  }
0x9f: {  	s1 =	rddreg [dreg:$0x1b];
	[sflag:s6] =	ssyncadd.s32 $0xFFFFA000  }
0xa0: {  	[tilespmem:s4], [sflag:$0x2] =	stream.linear.gather [hbm4b:s1+s2], $0x6000, $0x38;
	[tilespmem:$0x1E000] =	vst v63  }
0xa1: {  	_ =	swait.ge [sflag:s11], $0x6000  }
0xa2: {  	[sflag:s11] =	ssyncset.done $0x0  }
0xa3: {  	s1 =	rddreg [dreg:$0x1c];
	[sflag:s11] =	ssyncadd.s32 $0xFFFFA000  }
0xa4: {  	[hbm4b:s1+s2] =	stream.linear.scatter [tilespmem:s2], [sflag:$0x4], $0x6000, $0x38;
	[tilespmem:$0x1E000] =	vst v63  }
0xa5: {  	_ =	swait.ge [sflag:s13], $0x6000  }
0xa6: {  	[sflag:s13] =	ssyncset.done $0x0  }
0xa7: {  	s1 =	rddreg [dreg:$0x1d];
	[sflag:s13] =	ssyncadd.s32 $0xFFFFA000  }
0xa8: {  	[tilespmem:s16], [sflag:$0x3] =	stream.linear.gather [hbm4b:s1+s2], $0x6000, $0x38;
	[tilespmem:$0x1E000] =	vst v63  }
0xa9: {  	_ =	swait.ge [sflag:s12], $0x6000  }
0xaa: {  	[sflag:s12] =	ssyncset.done $0x0  }
0xab: {  	s1 =	rddreg [dreg:$0x1e];
	[sflag:s12] =	ssyncadd.s32 $0xFFFFA000  }
0xac: {  	[hbm4b:s1+s2] =	stream.linear.scatter [tilespmem:s4], [sflag:$0x5], $0x6000, $0x38;
	[tilespmem:$0x1E000] =	vst v63  }
0xad: {  	_ =	swait.ge [sflag:s8], $0x6000  }
0xae: {  	[sflag:s8] =	ssyncset.done $0x0  }
0xaf: {  	s1 =	rddreg [dreg:$0x1f];
	[sflag:s8] =	ssyncadd.s32 $0xFFFFA000  }
0xb0: {  	[tilespmem:s2], [sflag:$0x1] =	stream.linear.gather [hbm4b:s1+s2], $0x6000, $0x38;
	[tilespmem:$0x1E000] =	vst v63  }
0xb1: {  	_ =	swait.ge [sflag:s19], $0x6000  }
0xb2: {  	s1 =	sld [smem:$0x7E2]  }
0xb3: {  	[sflag:s19] =	ssyncset.done $0x0  }
0xb4: {  	[sflag:s19] =	ssyncadd.s32 $0xFFFFA000  }
0xb5: {  	[hbm4b:s1+s2] =	stream.linear.scatter [tilespmem:s16], [sflag:$0x6], $0x6000, $0x38;
	[tilespmem:$0x1E000] =	vst v63  }
0xb6: {  	_ =	swait.ge [sflag:s6], $0x6000  }
0xb7: {  	s1 =	sld [smem:$0x7E3]  }
0xb8: {  	[sflag:s6] =	ssyncset.done $0x0  }
0xb9: {  	[sflag:s6] =	ssyncadd.s32 $0xFFFFA000  }
0xba: {  	[tilespmem:s4], [sflag:$0x2] =	stream.linear.gather [hbm4b:s1+s2], $0x6000, $0x38;
	[tilespmem:$0x1E000] =	vst v63  }
0xbb: {  	_ =	swait.ge [sflag:s26], $0x6000  }
0xbc: {  	s1 =	sld [smem:$0x7E4]  }
0xbd: {  	[sflag:s26] =	ssyncset.done $0x0  }
0xbe: {  	[sflag:s26] =	ssyncadd.s32 $0xFFFFA000  }
0xbf: {  	[tilespmem:s31], [sflag:$0x7] =	stream.linear.gather [hbm4b:s1+s2], $0x6000, $0x38;
	[tilespmem:$0x1E000] =	vst v63  }
0xc0: {  	_ =	swait.ge [sflag:s11], $0x6000  }
0xc1: {  	s1 =	sld [smem:$0x7E5]  }
0xc2: {  	[sflag:s11] =	ssyncset.done $0x0  }
0xc3: {  	[sflag:s11] =	ssyncadd.s32 $0xFFFFA000  }
0xc4: {  	[hbm4b:s1+s2] =	stream.linear.scatter [tilespmem:s2], [sflag:$0x4], $0x6000, $0x38;
	[tilespmem:$0x1E000] =	vst v63  }
0xc5: {  	_ =	swait.ge [sflag:s13], $0x6000  }
0xc6: {  	s1 =	sld [smem:$0x7E6]  }
0xc7: {  	[sflag:s13] =	ssyncset.done $0x0  }
0xc8: {  	[sflag:s13] =	ssyncadd.s32 $0xFFFFA000  }
0xc9: {  	[tilespmem:s16], [sflag:$0x3] =	stream.linear.gather [hbm4b:s1+s2], $0x6000, $0x38;
	[tilespmem:$0x1E000] =	vst v63  }
0xca: {  	_ =	swait.ge [sflag:s12], $0x6000  }
0xcb: {  	s1 =	sld [smem:$0x7E7]  }
0xcc: {  	[sflag:s12] =	ssyncset.done $0x0  }
0xcd: {  	[sflag:s12] =	ssyncadd.s32 $0xFFFFA000  }
0xce: {  	[hbm4b:s1+s2] =	stream.linear.scatter [tilespmem:s4], [sflag:$0x5], $0x6000, $0x38;
	[tilespmem:$0x1E000] =	vst v63  }
0xcf: {  	_ =	swait.ge [sflag:s8], $0x6000  }
0xd0: {  	s1 =	sld [smem:$0x7E8]  }
0xd1: {  	[sflag:s8] =	ssyncset.done $0x0  }
0xd2: {  	[sflag:s8] =	ssyncadd.s32 $0xFFFFA000  }
0xd3: {  	[tilespmem:s2], [sflag:$0x1] =	stream.linear.gather [hbm4b:s1+s2], $0x6000, $0x38;
	[tilespmem:$0x1E000] =	vst v63  }
0xd4: {  	_ =	swait.ge [sflag:s19], $0x6000  }
0xd5: {  	s1 =	sld [smem:$0x7E9]  }
0xd6: {  	[sflag:s19] =	ssyncset.done $0x0  }
0xd7: {  	[sflag:s19] =	ssyncadd.s32 $0xFFFFA000  }
0xd8: {  	[hbm4b:s1+s2] =	stream.linear.scatter [tilespmem:s16], [sflag:$0x6], $0x6000, $0x38;
	[tilespmem:$0x1E000] =	vst v63  }
0xd9: {  	_ =	swait.ge [sflag:s6], $0x6000  }
0xda: {  	s1 =	sld [smem:$0x7EA]  }
0xdb: {  	[sflag:s6] =	ssyncset.done $0x0  }
0xdc: {  	[sflag:s6] =	ssyncadd.s32 $0xFFFFA000  }
0xdd: {  	[tilespmem:s4], [sflag:$0x2] =	stream.linear.gather [hbm4b:s1+s2], $0x6000, $0x38;
	[tilespmem:$0x1E000] =	vst v63  }
0xde: {  	_ =	swait.ge [sflag:s11], $0x6000  }
0xdf: {  	s1 =	sld [smem:$0x7EB]  }
0xe0: {  	[sflag:s11] =	ssyncset.done $0x0  }
0xe1: {  	[sflag:s11] =	ssyncadd.s32 $0xFFFFA000  }
0xe2: {  	[hbm4b:s1+s2] =	stream.linear.scatter [tilespmem:s2], [sflag:$0x4], $0x6000, $0x38;
	[tilespmem:$0x1E000] =	vst v63  }
0xe3: {  	_ =	swait.ge [sflag:s13], $0x6000  }
0xe4: {  	s1 =	sld [smem:$0x7EC]  }
0xe5: {  	[sflag:s13] =	ssyncset.done $0x0  }
0xe6: {  	[sflag:s13] =	ssyncadd.s32 $0xFFFFA000  }
0xe7: {  	[tilespmem:s16], [sflag:$0x3] =	stream.linear.gather [hbm4b:s1+s2], $0x6000, $0x38;
	[tilespmem:$0x1E000] =	vst v63  }
0xe8: {  	_ =	swait.ge [sflag:s29], $0x6000  }
0xe9: {  	s1 =	sld [smem:$0x7ED]  }
0xea: {  	[sflag:s29] =	ssyncset.done $0x0  }
0xeb: {  	[sflag:s29] =	ssyncadd.s32 $0xFFFFA000  }
0xec: {  	[tilespmem:s30], [sflag:$0x8] =	stream.linear.gather [hbm4b:s1+s2], $0x6000, $0x38;
	[tilespmem:$0x1E000] =	vst v63  }
0xed: {  	_ =	swait.ge [sflag:s12], $0x6000  }
0xee: {  	s1 =	sld [smem:$0x7EE]  }
0xef: {  	[sflag:s12] =	ssyncset.done $0x0  }
0xf0: {  	[sflag:s12] =	ssyncadd.s32 $0xFFFFA000  }
0xf1: {  	[hbm4b:s1+s2] =	stream.linear.scatter [tilespmem:s4], [sflag:$0x5], $0x6000, $0x38;
	[tilespmem:$0x1E000] =	vst v63  }
0xf2: {  	_ =	swait.ge [sflag:s8], $0x6000  }
0xf3: {  	s1 =	sld [smem:$0x7EF]  }
0xf4: {  	[sflag:s8] =	ssyncset.done $0x0  }
0xf5: {  	[sflag:s8] =	ssyncadd.s32 $0xFFFFA000  }
0xf6: {  	[tilespmem:s2], [sflag:$0x1] =	stream.linear.gather [hbm4b:s1+s2], $0x6000, $0x38;
	[tilespmem:$0x1E000] =	vst v63  }
0xf7: {  	_ =	swait.ge [sflag:s19], $0x6000  }
0xf8: {  	s1 =	sld [smem:$0x7F0]  }
0xf9: {  	[sflag:s19] =	ssyncset.done $0x0  }
0xfa: {  	[sflag:s19] =	ssyncadd.s32 $0xFFFFA000  }
0xfb: {  	[hbm4b:s1+s2] =	stream.linear.scatter [tilespmem:s16], [sflag:$0x6], $0x6000, $0x38;
	[tilespmem:$0x1E000] =	vst v63  }
0xfc: {  	_ =	swait.ge [sflag:s6], $0x6000  }
0xfd: {  	s1 =	sld [smem:$0x7F1]  }
0xfe: {  	[sflag:s6] =	ssyncset.done $0x0  }
0xff: {  	[sflag:s6] =	ssyncadd.s32 $0xFFFFA000  }
0x100: {  	[tilespmem:s4], [sflag:$0x2] =	stream.linear.gather [hbm4b:s1+s2], $0x6000, $0x38;
	[tilespmem:$0x1E000] =	vst v63  }
0x101: {  	_ =	swait.ge [sflag:s11], $0x6000  }
0x102: {  	s1 =	sld [smem:$0x7F2]  }
0x103: {  	[sflag:s11] =	ssyncset.done $0x0  }
0x104: {  	[sflag:s11] =	ssyncadd.s32 $0xFFFFA000  }
0x105: {  	[hbm4b:s1+s2] =	stream.linear.scatter [tilespmem:s2], [sflag:$0x4], $0x6000, $0x38;
	[tilespmem:$0x1E000] =	vst v63  }
0x106: {  	_ =	swait.ge [sflag:s13], $0x6000  }
0x107: {  	s1 =	sld [smem:$0x7F3]  }
0x108: {  	[sflag:s13] =	ssyncset.done $0x0  }
0x109: {  	[sflag:s13] =	ssyncadd.s32 $0xFFFFA000  }
0x10a: {  	[tilespmem:s16], [sflag:$0x3] =	stream.linear.gather [hbm4b:s1+s2], $0x6000, $0x38;
	[tilespmem:$0x1E000] =	vst v63  }
0x10b: {  	_ =	swait.ge [sflag:s12], $0x6000  }
0x10c: {  	s1 =	sld [smem:$0x7F4]  }
0x10d: {  	[sflag:s12] =	ssyncset.done $0x0  }
0x10e: {  	[sflag:s12] =	ssyncadd.s32 $0xFFFFA000  }
0x10f: {  	[hbm4b:s1+s2] =	stream.linear.scatter [tilespmem:s4], [sflag:$0x5], $0x6000, $0x38;
	[tilespmem:$0x1E000] =	vst v63  }
0x110: {  	_ =	swait.ge [sflag:s8], $0x6000  }
0x111: {  	s1 =	sld [smem:$0x7F5]  }
0x112: {  	[sflag:s8] =	ssyncset.done $0x0  }
0x113: {  	[sflag:s8] =	ssyncadd.s32 $0xFFFFA000  }
0x114: {  	[tilespmem:s2], [sflag:$0x1] =	stream.linear.gather [hbm4b:s1+s2], $0x6000, $0x38;
	[tilespmem:$0x1E000] =	vst v63  }
0x115: {  	_ =	swait.ge [sflag:s26], $0x6000  }
0x116: {  	s1 =	sld [smem:$0x7F6]  }
0x117: {  	[sflag:s26] =	ssyncset.done $0x0  }
0x118: {  	[sflag:s26] =	ssyncadd.s32 $0xFFFFA000  }
0x119: {  	[tilespmem:s31], [sflag:$0x7] =	stream.linear.gather [hbm4b:s1+s2], $0x6000, $0x38;
	[tilespmem:$0x1E000] =	vst v63  }
0x11a: {  	_ =	swait.ge [sflag:s19], $0x6000  }
0x11b: {  	s1 =	sld [smem:$0x7F7]  }
0x11c: {  	[sflag:s19] =	ssyncset.done $0x0  }
0x11d: {  	[sflag:s19] =	ssyncadd.s32 $0xFFFFA000  }
0x11e: {  	[hbm4b:s1+s2] =	stream.linear.scatter [tilespmem:s16], [sflag:$0x6], $0x6000, $0x38;
	[tilespmem:$0x1E000] =	vst v63  }
0x11f: {  	_ =	swait.ge [sflag:s6], $0x6000  }
0x120: {  	s1 =	sld [smem:$0x7F8]  }
0x121: {  	[sflag:s6] =	ssyncset.done $0x0  }
0x122: {  	[sflag:s6] =	ssyncadd.s32 $0xFFFFA000  }
0x123: {  	[tilespmem:s4], [sflag:$0x2] =	stream.linear.gather [hbm4b:s1+s2], $0x6000, $0x38;
	[tilespmem:$0x1E000] =	vst v63  }
0x124: {  	_ =	swait.ge [sflag:s11], $0x6000  }
0x125: {  	s1 =	sld [smem:$0x7F9]  }
0x126: {  	[sflag:s11] =	ssyncset.done $0x0  }
0x127: {  	[sflag:s11] =	ssyncadd.s32 $0xFFFFA000  }
0x128: {  	[hbm4b:s1+s2] =	stream.linear.scatter [tilespmem:s2], [sflag:$0x4], $0x6000, $0x38;
	[tilespmem:$0x1E000] =	vst v63  }
0x129: {  	_ =	swait.ge [sflag:s13], $0x6000  }
0x12a: {  	s1 =	sld [smem:$0x7FA]  }
0x12b: {  	[sflag:s13] =	ssyncset.done $0x0  }
0x12c: {  	[sflag:s13] =	ssyncadd.s32 $0xFFFFA000  }
0x12d: {  	[tilespmem:s16], [sflag:$0x3] =	stream.linear.gather [hbm4b:s1+s2], $0x6000, $0x38;
	[tilespmem:$0x1E000] =	vst v63  }
0x12e: {  	_ =	swait.ge [sflag:s12], $0x6000  }
0x12f: {  	s1 =	sld [smem:$0x7FB]  }
0x130: {  	[sflag:s12] =	ssyncset.done $0x0  }
0x131: {  	[sflag:s12] =	ssyncadd.s32 $0xFFFFA000  }
0x132: {  	[hbm4b:s1+s2] =	stream.linear.scatter [tilespmem:s4], [sflag:$0x5], $0x6000, $0x38;
	[tilespmem:$0x1E000] =	vst v63  }
0x133: {  	_ =	swait.ge [sflag:s8], $0x6000  }
0x134: {  	s1 =	sld [smem:$0x7FC]  }
0x135: {  	[sflag:s8] =	ssyncset.done $0x0  }
0x136: {  	[sflag:s8] =	ssyncadd.s32 $0xFFFFA000  }
0x137: {  	[tilespmem:s2], [sflag:$0x1] =	stream.linear.gather [hbm4b:s1+s2], $0x6000, $0x38;
	[tilespmem:$0x1E000] =	vst v63  }
0x138: {  	_ =	swait.ge [sflag:s19], $0x6000  }
0x139: {  	s1 =	sld [smem:$0x7FD]  }
0x13a: {  	[sflag:s19] =	ssyncset.done $0x0  }
0x13b: {  	[sflag:s19] =	ssyncadd.s32 $0xFFFFA000  }
0x13c: {  	[hbm4b:s1+s2] =	stream.linear.scatter [tilespmem:s16], [sflag:$0x6], $0x6000, $0x38;
	[tilespmem:$0x1E000] =	vst v63  }
0x13d: {  	_ =	swait.ge [sflag:s6], $0x6000  }
0x13e: {  	[sflag:s6] =	ssyncset.done $0x0  }
0x13f: {  	[sflag:s6] =	ssyncadd.s32 $0xFFFFA000  }
0x140: {  	[tilespmem:s4], [sflag:$0x2] =	stream.linear.gather [hbm4b:s28+s2], $0x6000, $0x38;
	[tilespmem:$0x1E000] =	vst v63  }
0x141: {  	_ =	swait.ge [sflag:s29], $0x6000  }
0x142: {  	[sflag:s29] =	ssyncset.done $0x0  }
0x143: {  	[sflag:s29] =	ssyncadd.s32 $0xFFFFA000  }
0x144: {  	[tilespmem:s30], [sflag:$0x8] =	stream.linear.gather [hbm4b:s25+s2], $0x6000, $0x38;
	[tilespmem:$0x1E000] =	vst v63  }
0x145: {  	_ =	swait.ge [sflag:s11], $0x6000  }
0x146: {  	[sflag:s11] =	ssyncset.done $0x0  }
0x147: {  	[sflag:s11] =	ssyncadd.s32 $0xFFFFA000  }
0x148: {  	[hbm4b:s24+s2] =	stream.linear.scatter [tilespmem:s2], [sflag:$0x4], $0x6000, $0x38;
	[tilespmem:$0x1E000] =	vst v63  }
0x149: {  	_ =	swait.ge [sflag:s13], $0x6000  }
0x14a: {  	[sflag:s13] =	ssyncset.done $0x0  }
0x14b: {  	[sflag:s13] =	ssyncadd.s32 $0xFFFFA000  }
0x14c: {  	[tilespmem:s16], [sflag:$0x3] =	stream.linear.gather [hbm4b:s23+s2], $0x6000, $0x38;
	[tilespmem:$0x1E000] =	vst v63  }
0x14d: {  	_ =	swait.ge [sflag:s12], $0x6000  }
0x14e: {  	[sflag:s12] =	ssyncset.done $0x0  }
0x14f: {  	[sflag:s12] =	ssyncadd.s32 $0xFFFFA000  }
0x150: {  	[hbm4b:s22+s2] =	stream.linear.scatter [tilespmem:s4], [sflag:$0x5], $0x6000, $0x38;
	[tilespmem:$0x1E000] =	vst v63  }
0x151: {  	_ =	swait.ge [sflag:s8], $0x6000  }
0x152: {  	[sflag:s8] =	ssyncset.done $0x0  }
0x153: {  	[sflag:s8] =	ssyncadd.s32 $0xFFFFA000  }
0x154: {  	[tilespmem:s2], [sflag:$0x1] =	stream.linear.gather [hbm4b:s21+s2], $0x6000, $0x38;
	[tilespmem:$0x1E000] =	vst v63  }
0x155: {  	_ =	swait.ge [sflag:s19], $0x6000  }
0x156: {  	[sflag:s19] =	ssyncset.done $0x0  }
0x157: {  	[sflag:s19] =	ssyncadd.s32 $0xFFFFA000  }
0x158: {  	[hbm4b:s20+s2] =	stream.linear.scatter [tilespmem:s16], [sflag:$0x6], $0x6000, $0x38;
	[tilespmem:$0x1E000] =	vst v63  }
0x159: {  	_ =	swait.ge [sflag:s6], $0x6000  }
0x15a: {  	[sflag:s6] =	ssyncset.done $0x0  }
0x15b: {  	[sflag:s6] =	ssyncadd.s32 $0xFFFFA000  }
0x15c: {  	[tilespmem:s4], [sflag:$0x2] =	stream.linear.gather [hbm4b:s18+s2], $0x6000, $0x38;
	[tilespmem:$0x1E000] =	vst v63  }
0x15d: {  	_ =	swait.ge [sflag:s11], $0x6000  }
0x15e: {  	[sflag:s11] =	ssyncset.done $0x0  }
0x15f: {  	[sflag:s11] =	ssyncadd.s32 $0xFFFFA000  }
0x160: {  	[hbm4b:s17+s2] =	stream.linear.scatter [tilespmem:s2], [sflag:$0x4], $0x6000, $0x38;
	[tilespmem:$0x1E000] =	vst v63  }
0x161: {  	_ =	swait.ge [sflag:s13], $0x6000  }
0x162: {  	[sflag:s13] =	ssyncset.done $0x0  }
0x163: {  	[sflag:s13] =	ssyncadd.s32 $0xFFFFA000  }
0x164: {  	[tilespmem:s16], [sflag:$0x3] =	stream.linear.gather [hbm4b:s15+s2], $0x6000, $0x38;
	[tilespmem:$0x1E000] =	vst v63  }
0x165: {  	_ =	swait.ge [sflag:s26], $0x6000  }
0x166: {  	[sflag:s26] =	ssyncset.done $0x0  }
0x167: {  	[sflag:s26] =	ssyncadd.s32 $0xFFFFA000  }
0x168: {  	_ =	swait.ge [sflag:s12], $0x6000  }
0x169: {  	[sflag:s12] =	ssyncset.done $0x0  }
0x16a: {  	[sflag:s12] =	ssyncadd.s32 $0xFFFFA000  }
0x16b: {  	[hbm4b:s14+s2] =	stream.linear.scatter [tilespmem:s4], [sflag:$0x5], $0x6000, $0x38;
	[tilespmem:$0x1E000] =	vst v63  }
0x16c: {  	_ =	swait.ge [sflag:s8], $0x6000  }
0x16d: {  	[sflag:s8] =	ssyncset.done $0x0  }
0x16e: {  	[sflag:s8] =	ssyncadd.s32 $0xFFFFA000  }
0x16f: {  	[tilespmem:s2], [sflag:$0x1] =	stream.linear.gather [hbm4b:s10+s2], $0x6000, $0x38;
	[tilespmem:$0x1E000] =	vst v63  }
0x170: {  	_ =	swait.ge [sflag:s19], $0x6000  }
0x171: {  	[sflag:s19] =	ssyncset.done $0x0  }
0x172: {  	[sflag:s19] =	ssyncadd.s32 $0xFFFFA000  }
0x173: {  	[hbm4b:s9+s2] =	stream.linear.scatter [tilespmem:s16], [sflag:$0x6], $0x6000, $0x38;
	[tilespmem:$0x1E000] =	vst v63  }
0x174: {  	_ =	swait.ge [sflag:s6], $0x6000  }
0x175: {  	[sflag:s6] =	ssyncset.done $0x0  }
0x176: {  	[sflag:s6] =	ssyncadd.s32 $0xFFFFA000  }
0x177: {  	[tilespmem:s4], [sflag:$0x2] =	stream.linear.gather [hbm4b:s7+s2], $0x6000, $0x38;
	[tilespmem:$0x1E000] =	vst v63  }
0x178: {  	_ =	swait.ge [sflag:s11], $0x6000  }
0x179: {  	[sflag:s11] =	ssyncset.done $0x0  }
0x17a: {  	[sflag:s11] =	ssyncadd.s32 $0xFFFFA000  }
0x17b: {  	[hbm4b:s5+s2] =	stream.linear.scatter [tilespmem:s2], [sflag:$0x4], $0x6000, $0x38;
	[tilespmem:$0x1E000] =	vst v63  }
0x17c: {  	_ =	swait.ge [sflag:s12], $0x6000  }
0x17d: {  	[sflag:s12] =	ssyncset.done $0x0  }
0x17e: {  	[sflag:s12] =	ssyncadd.s32 $0xFFFFA000  }
0x17f: {  	[hbm4b:s3+s2] =	stream.linear.scatter [tilespmem:s4], [sflag:$0x5], $0x6000, $0x38;
	[tilespmem:$0x1E000] =	vst v63  }
0x180: {  	_ =	swait.ge [sflag:s13], $0x6000  }
0x181: {  	[sflag:s13] =	ssyncset.done $0x0  }
0x182: {  	[sflag:s13] =	ssyncadd.s32 $0xFFFFA000  }
0x183: {  	_ =	swait.ge [sflag:s8], $0x6000  }
0x184: {  	s1 =	sld [smem:$0x7E1];
	_ =	sdelay $0x2  }
0x185: {  	p1 =	sne.s32 s1, $0x1  }
.Ltmp1:
0x186: {  	_ = 	snop;
	(pc) =	sbr.rel @!p1 .LBB2_3-.Ltmp1, $4  }
0x187: {  	[sflag:s8] =	ssyncset.done $0x0  }
0x188: {  	[sflag:s8] =	ssyncadd.s32 $0xFFFFA000  }
0x189: {  	p0 =	por $0x1, $0x1;
	_ =	swait.ge [sflag:s6], $0x6000  }
0x18a: {  	s1 =	sadd.s32 $0xFFFFFFFF, s1;
	s0 =	rddreg [dreg:$0x4];
	[sflag:s6] =	ssyncset.done $0x0  }
.LBB2_2:
0x18b: {  	[sflag:s6] =	ssyncadd.s32 $0xFFFFA000;
	s30 =	smov.u32 s28;
	s28 =	smov.u32 s25  }
0x18c: {  	s25 =	smov.u32 s24;
	s24 =	smov.u32 s23;
	s23 =	smov.u32 s22  }
0x18d: {  	s22 =	smov.u32 s21;
	s21 =	smov.u32 s20;
	s20 =	smov.u32 s18  }
0x18e: {  	s18 =	smov.u32 s17;
	s17 =	smov.u32 s15;
	s15 =	smov.u32 s14  }
0x18f: {  	s14 =	smov.u32 s10;
	s10 =	smov.u32 s9;
	s9 =	smov.u32 s7  }
0x190: {  	[tilespmem:s2], [sflag:$0x1] =	stream.linear.gather [hbm4b:s0+s2], $0x6000, $0x38;
	[tilespmem:$0x1E000] =	vst v63  }
0x191: {  	s7 =	smov.u32 s5;
	s5 =	smov.u32 s3;
	s3 =	rddreg [dreg:$0x5]  }
0x192: {  	[tilespmem:s4], [sflag:$0x2] =	stream.linear.gather [hbm4b:s3+s2], $0x6000, $0x38;
	[tilespmem:$0x1E000] =	vst v63  }
0x193: {  	s26 =	simm.s32 $0x12000;
	s0 =	rddreg [dreg:$0x6]  }
0x194: {  	[tilespmem:s26], [sflag:$0x7] =	stream.linear.gather [hbm4b:s0+s2], $0x6000, $0x38;
	[tilespmem:$0x1E000] =	vst v63  }
0x195: {  	_ =	swait.ge [sflag:s29], $0x6000  }
0x196: {  	[sflag:s29] =	ssyncset.done $0x0  }
0x197: {  	s31 =	simm.s32 $0x18000;
	s3 =	rddreg [dreg:$0x7];
	[sflag:s29] =	ssyncadd.s32 $0xFFFFA000  }
0x198: {  	[tilespmem:s31], [sflag:$0x8] =	stream.linear.gather [hbm4b:s3+s2], $0x6000, $0x38;
	[tilespmem:$0x1E000] =	vst v63  }
0x199: {  	_ =	swait.ge [sflag:s11], $0x6000  }
0x19a: {  	[sflag:s11] =	ssyncset.done $0x0  }
0x19b: {  	s0 =	rddreg [dreg:$0x8];
	[sflag:s11] =	ssyncadd.s32 $0xFFFFA000  }
0x19c: {  	[hbm4b:s0+s2] =	stream.linear.scatter [tilespmem:s2], [sflag:$0x4], $0x6000, $0x38;
	[tilespmem:$0x1E000] =	vst v63  }
0x19d: {  	s3 =	rddreg [dreg:$0x9]  }
0x19e: {  	[tilespmem:s16], [sflag:$0x3] =	stream.linear.gather [hbm4b:s3+s2], $0x6000, $0x38;
	[tilespmem:$0x1E000] =	vst v63  }
0x19f: {  	_ =	swait.ge [sflag:s12], $0x6000  }
0x1a0: {  	[sflag:s12] =	ssyncset.done $0x0  }
0x1a1: {  	s0 =	rddreg [dreg:$0xa];
	[sflag:s12] =	ssyncadd.s32 $0xFFFFA000  }
0x1a2: {  	[hbm4b:s0+s2] =	stream.linear.scatter [tilespmem:s4], [sflag:$0x5], $0x6000, $0x38;
	[tilespmem:$0x1E000] =	vst v63  }
0x1a3: {  	_ =	swait.ge [sflag:s8], $0x6000  }
0x1a4: {  	[sflag:s8] =	ssyncset.done $0x0  }
0x1a5: {  	s0 =	rddreg [dreg:$0xb];
	[sflag:s8] =	ssyncadd.s32 $0xFFFFA000  }
0x1a6: {  	[tilespmem:s2], [sflag:$0x1] =	stream.linear.gather [hbm4b:s0+s2], $0x6000, $0x38;
	[tilespmem:$0x1E000] =	vst v63  }
0x1a7: {  	_ =	swait.ge [sflag:s19], $0x6000  }
0x1a8: {  	[sflag:s19] =	ssyncset.done $0x0  }
0x1a9: {  	s0 =	rddreg [dreg:$0xc];
	[sflag:s19] =	ssyncadd.s32 $0xFFFFA000  }
0x1aa: {  	[hbm4b:s0+s2] =	stream.linear.scatter [tilespmem:s16], [sflag:$0x6], $0x6000, $0x38;
	[tilespmem:$0x1E000] =	vst v63  }
0x1ab: {  	_ =	swait.ge [sflag:s6], $0x6000  }
0x1ac: {  	[sflag:s6] =	ssyncset.done $0x0  }
0x1ad: {  	s0 =	rddreg [dreg:$0xd];
	[sflag:s6] =	ssyncadd.s32 $0xFFFFA000  }
0x1ae: {  	[tilespmem:s4], [sflag:$0x2] =	stream.linear.gather [hbm4b:s0+s2], $0x6000, $0x38;
	[tilespmem:$0x1E000] =	vst v63  }
0x1af: {  	_ =	swait.ge [sflag:s11], $0x6000  }
0x1b0: {  	[sflag:s11] =	ssyncset.done $0x0  }
0x1b1: {  	s0 =	rddreg [dreg:$0xe];
	[sflag:s11] =	ssyncadd.s32 $0xFFFFA000  }
0x1b2: {  	[hbm4b:s0+s2] =	stream.linear.scatter [tilespmem:s2], [sflag:$0x4], $0x6000, $0x38;
	[tilespmem:$0x1E000] =	vst v63  }
0x1b3: {  	_ =	swait.ge [sflag:s13], $0x6000  }
0x1b4: {  	[sflag:s13] =	ssyncset.done $0x0  }
0x1b5: {  	s26 =	simm.s32 $0x8;
	s0 =	rddreg [dreg:$0xf];
	[sflag:s13] =	ssyncadd.s32 $0xFFFFA000  }
0x1b6: {  	[tilespmem:s16], [sflag:$0x3] =	stream.linear.gather [hbm4b:s0+s2], $0x6000, $0x38;
	[tilespmem:$0x1E000] =	vst v63  }
0x1b7: {  	_ =	swait.ge [sflag:s26], $0x6000  }
0x1b8: {  	[sflag:s26] =	ssyncset.done $0x0  }
0x1b9: {  	s31 =	simm.s32 $0x12000;
	s0 =	rddreg [dreg:$0x10];
	[sflag:s26] =	ssyncadd.s32 $0xFFFFA000  }
0x1ba: {  	[tilespmem:s31], [sflag:$0x7] =	stream.linear.gather [hbm4b:s0+s2], $0x6000, $0x38;
	[tilespmem:$0x1E000] =	vst v63  }
0x1bb: {  	_ =	swait.ge [sflag:s12], $0x6000  }
0x1bc: {  	[sflag:s12] =	ssyncset.done $0x0  }
0x1bd: {  	s0 =	rddreg [dreg:$0x11];
	[sflag:s12] =	ssyncadd.s32 $0xFFFFA000  }
0x1be: {  	[hbm4b:s0+s2] =	stream.linear.scatter [tilespmem:s4], [sflag:$0x5], $0x6000, $0x38;
	[tilespmem:$0x1E000] =	vst v63  }
0x1bf: {  	_ =	swait.ge [sflag:s8], $0x6000  }
0x1c0: {  	[sflag:s8] =	ssyncset.done $0x0  }
0x1c1: {  	s0 =	rddreg [dreg:$0x12];
	[sflag:s8] =	ssyncadd.s32 $0xFFFFA000  }
0x1c2: {  	[tilespmem:s2], [sflag:$0x1] =	stream.linear.gather [hbm4b:s0+s2], $0x6000, $0x38;
	[tilespmem:$0x1E000] =	vst v63  }
0x1c3: {  	_ =	swait.ge [sflag:s19], $0x6000  }
0x1c4: {  	[sflag:s19] =	ssyncset.done $0x0  }
0x1c5: {  	s0 =	rddreg [dreg:$0x13];
	[sflag:s19] =	ssyncadd.s32 $0xFFFFA000  }
0x1c6: {  	[hbm4b:s0+s2] =	stream.linear.scatter [tilespmem:s16], [sflag:$0x6], $0x6000, $0x38;
	[tilespmem:$0x1E000] =	vst v63  }
0x1c7: {  	_ =	swait.ge [sflag:s6], $0x6000  }
0x1c8: {  	[sflag:s6] =	ssyncset.done $0x0  }
0x1c9: {  	s0 =	rddreg [dreg:$0x14];
	[sflag:s6] =	ssyncadd.s32 $0xFFFFA000  }
0x1ca: {  	[tilespmem:s4], [sflag:$0x2] =	stream.linear.gather [hbm4b:s0+s2], $0x6000, $0x38;
	[tilespmem:$0x1E000] =	vst v63  }
0x1cb: {  	_ =	swait.ge [sflag:s11], $0x6000  }
0x1cc: {  	[sflag:s11] =	ssyncset.done $0x0  }
0x1cd: {  	s0 =	rddreg [dreg:$0x15];
	[sflag:s11] =	ssyncadd.s32 $0xFFFFA000  }
0x1ce: {  	[hbm4b:s0+s2] =	stream.linear.scatter [tilespmem:s2], [sflag:$0x4], $0x6000, $0x38;
	[tilespmem:$0x1E000] =	vst v63  }
0x1cf: {  	_ =	swait.ge [sflag:s13], $0x6000  }
0x1d0: {  	s3 =	smov.u32 s5;
	[sflag:s13] =	ssyncset.done $0x0  }
0x1d1: {  	s5 =	smov.u32 s7;
	s0 =	rddreg [dreg:$0x16];
	[sflag:s13] =	ssyncadd.s32 $0xFFFFA000  }
0x1d2: {  	[tilespmem:s16], [sflag:$0x3] =	stream.linear.gather [hbm4b:s0+s2], $0x6000, $0x38;
	[tilespmem:$0x1E000] =	vst v63  }
0x1d3: {  	s7 =	smov.u32 s9;
	s9 =	smov.u32 s10;
	_ =	swait.ge [sflag:s12], $0x6000  }
0x1d4: {  	s10 =	smov.u32 s14;
	s14 =	smov.u32 s15;
	[sflag:s12] =	ssyncset.done $0x0  }
0x1d5: {  	s15 =	smov.u32 s17;
	s0 =	rddreg [dreg:$0x17];
	[sflag:s12] =	ssyncadd.s32 $0xFFFFA000  }
0x1d6: {  	[hbm4b:s0+s2] =	stream.linear.scatter [tilespmem:s4], [sflag:$0x5], $0x6000, $0x38;
	[tilespmem:$0x1E000] =	vst v63  }
0x1d7: {  	s17 =	smov.u32 s18;
	s18 =	smov.u32 s20;
	_ =	swait.ge [sflag:s8], $0x6000  }
0x1d8: {  	s20 =	smov.u32 s21;
	s21 =	smov.u32 s22;
	[sflag:s8] =	ssyncset.done $0x0  }
0x1d9: {  	s22 =	smov.u32 s23;
	s0 =	rddreg [dreg:$0x18];
	[sflag:s8] =	ssyncadd.s32 $0xFFFFA000  }
0x1da: {  	[tilespmem:s2], [sflag:$0x1] =	stream.linear.gather [hbm4b:s0+s2], $0x6000, $0x38;
	[tilespmem:$0x1E000] =	vst v63  }
0x1db: {  	s23 =	smov.u32 s24;
	s24 =	smov.u32 s25;
	_ =	swait.ge [sflag:s29], $0x6000  }
0x1dc: {  	s25 =	smov.u32 s28;
	s28 =	smov.u32 s30;
	[sflag:s29] =	ssyncset.done $0x0  }
0x1dd: {  	s30 =	simm.s32 $0x18000;
	s0 =	rddreg [dreg:$0x19];
	[sflag:s29] =	ssyncadd.s32 $0xFFFFA000  }
0x1de: {  	[tilespmem:s30], [sflag:$0x8] =	stream.linear.gather [hbm4b:s0+s2], $0x6000, $0x38;
	[tilespmem:$0x1E000] =	vst v63  }
0x1df: {  	_ =	swait.ge [sflag:s19], $0x6000  }
0x1e0: {  	[sflag:s19] =	ssyncset.done $0x0  }
0x1e1: {  	s0 =	rddreg [dreg:$0x1a];
	[sflag:s19] =	ssyncadd.s32 $0xFFFFA000  }
0x1e2: {  	[hbm4b:s0+s2] =	stream.linear.scatter [tilespmem:s16], [sflag:$0x6], $0x6000, $0x38;
	[tilespmem:$0x1E000] =	vst v63  }
0x1e3: {  	_ =	swait.ge [sflag:s6], $0x6000  }
0x1e4: {  	[sflag:s6] =	ssyncset.done $0x0  }
0x1e5: {  	s0 =	rddreg [dreg:$0x1b];
	[sflag:s6] =	ssyncadd.s32 $0xFFFFA000  }
0x1e6: {  	[tilespmem:s4], [sflag:$0x2] =	stream.linear.gather [hbm4b:s0+s2], $0x6000, $0x38;
	[tilespmem:$0x1E000] =	vst v63  }
0x1e7: {  	_ =	swait.ge [sflag:s11], $0x6000  }
0x1e8: {  	[sflag:s11] =	ssyncset.done $0x0  }
0x1e9: {  	s0 =	rddreg [dreg:$0x1c];
	[sflag:s11] =	ssyncadd.s32 $0xFFFFA000  }
0x1ea: {  	[hbm4b:s0+s2] =	stream.linear.scatter [tilespmem:s2], [sflag:$0x4], $0x6000, $0x38;
	[tilespmem:$0x1E000] =	vst v63  }
0x1eb: {  	_ =	swait.ge [sflag:s13], $0x6000  }
0x1ec: {  	[sflag:s13] =	ssyncset.done $0x0  }
0x1ed: {  	s0 =	rddreg [dreg:$0x1d];
	[sflag:s13] =	ssyncadd.s32 $0xFFFFA000  }
0x1ee: {  	[tilespmem:s16], [sflag:$0x3] =	stream.linear.gather [hbm4b:s0+s2], $0x6000, $0x38;
	[tilespmem:$0x1E000] =	vst v63  }
0x1ef: {  	_ =	swait.ge [sflag:s12], $0x6000  }
0x1f0: {  	[sflag:s12] =	ssyncset.done $0x0  }
0x1f1: {  	s0 =	rddreg [dreg:$0x1e];
	[sflag:s12] =	ssyncadd.s32 $0xFFFFA000  }
0x1f2: {  	[hbm4b:s0+s2] =	stream.linear.scatter [tilespmem:s4], [sflag:$0x5], $0x6000, $0x38;
	[tilespmem:$0x1E000] =	vst v63  }
0x1f3: {  	_ =	swait.ge [sflag:s8], $0x6000  }
0x1f4: {  	[sflag:s8] =	ssyncset.done $0x0  }
0x1f5: {  	s0 =	rddreg [dreg:$0x1f];
	[sflag:s8] =	ssyncadd.s32 $0xFFFFA000  }
0x1f6: {  	[tilespmem:s2], [sflag:$0x1] =	stream.linear.gather [hbm4b:s0+s2], $0x6000, $0x38;
	[tilespmem:$0x1E000] =	vst v63  }
0x1f7: {  	_ =	swait.ge [sflag:s19], $0x6000  }
0x1f8: {  	s0 =	sld [smem:$0x7E2]  }
0x1f9: {  	[sflag:s19] =	ssyncset.done $0x0  }
0x1fa: {  	[sflag:s19] =	ssyncadd.s32 $0xFFFFA000  }
0x1fb: {  	[hbm4b:s0+s2] =	stream.linear.scatter [tilespmem:s16], [sflag:$0x6], $0x6000, $0x38;
	[tilespmem:$0x1E000] =	vst v63  }
0x1fc: {  	_ =	swait.ge [sflag:s6], $0x6000  }
0x1fd: {  	s0 =	sld [smem:$0x7E3]  }
0x1fe: {  	[sflag:s6] =	ssyncset.done $0x0  }
0x1ff: {  	[sflag:s6] =	ssyncadd.s32 $0xFFFFA000  }
0x200: {  	[tilespmem:s4], [sflag:$0x2] =	stream.linear.gather [hbm4b:s0+s2], $0x6000, $0x38;
	[tilespmem:$0x1E000] =	vst v63  }
0x201: {  	_ =	swait.ge [sflag:s26], $0x6000  }
0x202: {  	s0 =	sld [smem:$0x7E4]  }
0x203: {  	[sflag:s26] =	ssyncset.done $0x0  }
0x204: {  	[sflag:s26] =	ssyncadd.s32 $0xFFFFA000  }
0x205: {  	[tilespmem:s31], [sflag:$0x7] =	stream.linear.gather [hbm4b:s0+s2], $0x6000, $0x38;
	[tilespmem:$0x1E000] =	vst v63  }
0x206: {  	_ =	swait.ge [sflag:s11], $0x6000  }
0x207: {  	s0 =	sld [smem:$0x7E5]  }
0x208: {  	[sflag:s11] =	ssyncset.done $0x0  }
0x209: {  	[sflag:s11] =	ssyncadd.s32 $0xFFFFA000  }
0x20a: {  	[hbm4b:s0+s2] =	stream.linear.scatter [tilespmem:s2], [sflag:$0x4], $0x6000, $0x38;
	[tilespmem:$0x1E000] =	vst v63  }
0x20b: {  	_ =	swait.ge [sflag:s13], $0x6000  }
0x20c: {  	s0 =	sld [smem:$0x7E6]  }
0x20d: {  	[sflag:s13] =	ssyncset.done $0x0  }
0x20e: {  	[sflag:s13] =	ssyncadd.s32 $0xFFFFA000  }
0x20f: {  	[tilespmem:s16], [sflag:$0x3] =	stream.linear.gather [hbm4b:s0+s2], $0x6000, $0x38;
	[tilespmem:$0x1E000] =	vst v63  }
0x210: {  	_ =	swait.ge [sflag:s12], $0x6000  }
0x211: {  	s0 =	sld [smem:$0x7E7]  }
0x212: {  	[sflag:s12] =	ssyncset.done $0x0  }
0x213: {  	[sflag:s12] =	ssyncadd.s32 $0xFFFFA000  }
0x214: {  	[hbm4b:s0+s2] =	stream.linear.scatter [tilespmem:s4], [sflag:$0x5], $0x6000, $0x38;
	[tilespmem:$0x1E000] =	vst v63  }
0x215: {  	_ =	swait.ge [sflag:s8], $0x6000  }
0x216: {  	s0 =	sld [smem:$0x7E8]  }
0x217: {  	[sflag:s8] =	ssyncset.done $0x0  }
0x218: {  	[sflag:s8] =	ssyncadd.s32 $0xFFFFA000  }
0x219: {  	[tilespmem:s2], [sflag:$0x1] =	stream.linear.gather [hbm4b:s0+s2], $0x6000, $0x38;
	[tilespmem:$0x1E000] =	vst v63  }
0x21a: {  	_ =	swait.ge [sflag:s19], $0x6000  }
0x21b: {  	s0 =	sld [smem:$0x7E9]  }
0x21c: {  	[sflag:s19] =	ssyncset.done $0x0  }
0x21d: {  	[sflag:s19] =	ssyncadd.s32 $0xFFFFA000  }
0x21e: {  	[hbm4b:s0+s2] =	stream.linear.scatter [tilespmem:s16], [sflag:$0x6], $0x6000, $0x38;
	[tilespmem:$0x1E000] =	vst v63  }
0x21f: {  	_ =	swait.ge [sflag:s6], $0x6000  }
0x220: {  	s0 =	sld [smem:$0x7EA]  }
0x221: {  	[sflag:s6] =	ssyncset.done $0x0  }
0x222: {  	[sflag:s6] =	ssyncadd.s32 $0xFFFFA000  }
0x223: {  	[tilespmem:s4], [sflag:$0x2] =	stream.linear.gather [hbm4b:s0+s2], $0x6000, $0x38;
	[tilespmem:$0x1E000] =	vst v63  }
0x224: {  	_ =	swait.ge [sflag:s11], $0x6000  }
0x225: {  	s0 =	sld [smem:$0x7EB]  }
0x226: {  	[sflag:s11] =	ssyncset.done $0x0  }
0x227: {  	[sflag:s11] =	ssyncadd.s32 $0xFFFFA000  }
0x228: {  	[hbm4b:s0+s2] =	stream.linear.scatter [tilespmem:s2], [sflag:$0x4], $0x6000, $0x38;
	[tilespmem:$0x1E000] =	vst v63  }
0x229: {  	_ =	swait.ge [sflag:s13], $0x6000  }
0x22a: {  	s0 =	sld [smem:$0x7EC]  }
0x22b: {  	[sflag:s13] =	ssyncset.done $0x0  }
0x22c: {  	[sflag:s13] =	ssyncadd.s32 $0xFFFFA000  }
0x22d: {  	[tilespmem:s16], [sflag:$0x3] =	stream.linear.gather [hbm4b:s0+s2], $0x6000, $0x38;
	[tilespmem:$0x1E000] =	vst v63  }
0x22e: {  	_ =	swait.ge [sflag:s29], $0x6000  }
0x22f: {  	s0 =	sld [smem:$0x7ED]  }
0x230: {  	[sflag:s29] =	ssyncset.done $0x0  }
0x231: {  	[sflag:s29] =	ssyncadd.s32 $0xFFFFA000  }
0x232: {  	[tilespmem:s30], [sflag:$0x8] =	stream.linear.gather [hbm4b:s0+s2], $0x6000, $0x38;
	[tilespmem:$0x1E000] =	vst v63  }
0x233: {  	_ =	swait.ge [sflag:s12], $0x6000  }
0x234: {  	s0 =	sld [smem:$0x7EE]  }
0x235: {  	[sflag:s12] =	ssyncset.done $0x0  }
0x236: {  	[sflag:s12] =	ssyncadd.s32 $0xFFFFA000  }
0x237: {  	[hbm4b:s0+s2] =	stream.linear.scatter [tilespmem:s4], [sflag:$0x5], $0x6000, $0x38;
	[tilespmem:$0x1E000] =	vst v63  }
0x238: {  	_ =	swait.ge [sflag:s8], $0x6000  }
0x239: {  	s0 =	sld [smem:$0x7EF]  }
0x23a: {  	[sflag:s8] =	ssyncset.done $0x0  }
0x23b: {  	[sflag:s8] =	ssyncadd.s32 $0xFFFFA000  }
0x23c: {  	[tilespmem:s2], [sflag:$0x1] =	stream.linear.gather [hbm4b:s0+s2], $0x6000, $0x38;
	[tilespmem:$0x1E000] =	vst v63  }
0x23d: {  	_ =	swait.ge [sflag:s19], $0x6000  }
0x23e: {  	s0 =	sld [smem:$0x7F0]  }
0x23f: {  	[sflag:s19] =	ssyncset.done $0x0  }
0x240: {  	[sflag:s19] =	ssyncadd.s32 $0xFFFFA000  }
0x241: {  	[hbm4b:s0+s2] =	stream.linear.scatter [tilespmem:s16], [sflag:$0x6], $0x6000, $0x38;
	[tilespmem:$0x1E000] =	vst v63  }
0x242: {  	_ =	swait.ge [sflag:s6], $0x6000  }
0x243: {  	s0 =	sld [smem:$0x7F1]  }
0x244: {  	[sflag:s6] =	ssyncset.done $0x0  }
0x245: {  	[sflag:s6] =	ssyncadd.s32 $0xFFFFA000  }
0x246: {  	[tilespmem:s4], [sflag:$0x2] =	stream.linear.gather [hbm4b:s0+s2], $0x6000, $0x38;
	[tilespmem:$0x1E000] =	vst v63  }
0x247: {  	_ =	swait.ge [sflag:s11], $0x6000  }
0x248: {  	s0 =	sld [smem:$0x7F2]  }
0x249: {  	[sflag:s11] =	ssyncset.done $0x0  }
0x24a: {  	[sflag:s11] =	ssyncadd.s32 $0xFFFFA000  }
0x24b: {  	[hbm4b:s0+s2] =	stream.linear.scatter [tilespmem:s2], [sflag:$0x4], $0x6000, $0x38;
	[tilespmem:$0x1E000] =	vst v63  }
0x24c: {  	_ =	swait.ge [sflag:s13], $0x6000  }
0x24d: {  	s0 =	sld [smem:$0x7F3]  }
0x24e: {  	[sflag:s13] =	ssyncset.done $0x0  }
0x24f: {  	[sflag:s13] =	ssyncadd.s32 $0xFFFFA000  }
0x250: {  	[tilespmem:s16], [sflag:$0x3] =	stream.linear.gather [hbm4b:s0+s2], $0x6000, $0x38;
	[tilespmem:$0x1E000] =	vst v63  }
0x251: {  	_ =	swait.ge [sflag:s12], $0x6000  }
0x252: {  	s0 =	sld [smem:$0x7F4]  }
0x253: {  	[sflag:s12] =	ssyncset.done $0x0  }
0x254: {  	[sflag:s12] =	ssyncadd.s32 $0xFFFFA000  }
0x255: {  	[hbm4b:s0+s2] =	stream.linear.scatter [tilespmem:s4], [sflag:$0x5], $0x6000, $0x38;
	[tilespmem:$0x1E000] =	vst v63  }
0x256: {  	_ =	swait.ge [sflag:s8], $0x6000  }
0x257: {  	s0 =	sld [smem:$0x7F5]  }
0x258: {  	[sflag:s8] =	ssyncset.done $0x0  }
0x259: {  	[sflag:s8] =	ssyncadd.s32 $0xFFFFA000  }
0x25a: {  	[tilespmem:s2], [sflag:$0x1] =	stream.linear.gather [hbm4b:s0+s2], $0x6000, $0x38;
	[tilespmem:$0x1E000] =	vst v63  }
0x25b: {  	_ =	swait.ge [sflag:s26], $0x6000  }
0x25c: {  	s0 =	sld [smem:$0x7F6]  }
0x25d: {  	[sflag:s26] =	ssyncset.done $0x0  }
0x25e: {  	[sflag:s26] =	ssyncadd.s32 $0xFFFFA000  }
0x25f: {  	[tilespmem:s31], [sflag:$0x7] =	stream.linear.gather [hbm4b:s0+s2], $0x6000, $0x38;
	[tilespmem:$0x1E000] =	vst v63  }
0x260: {  	_ =	swait.ge [sflag:s19], $0x6000  }
0x261: {  	s0 =	sld [smem:$0x7F7]  }
0x262: {  	[sflag:s19] =	ssyncset.done $0x0  }
0x263: {  	[sflag:s19] =	ssyncadd.s32 $0xFFFFA000  }
0x264: {  	[hbm4b:s0+s2] =	stream.linear.scatter [tilespmem:s16], [sflag:$0x6], $0x6000, $0x38;
	[tilespmem:$0x1E000] =	vst v63  }
0x265: {  	_ =	swait.ge [sflag:s6], $0x6000  }
0x266: {  	s0 =	sld [smem:$0x7F8]  }
0x267: {  	[sflag:s6] =	ssyncset.done $0x0  }
0x268: {  	[sflag:s6] =	ssyncadd.s32 $0xFFFFA000  }
0x269: {  	[tilespmem:s4], [sflag:$0x2] =	stream.linear.gather [hbm4b:s0+s2], $0x6000, $0x38;
	[tilespmem:$0x1E000] =	vst v63  }
0x26a: {  	_ =	swait.ge [sflag:s11], $0x6000  }
0x26b: {  	s0 =	sld [smem:$0x7F9]  }
0x26c: {  	[sflag:s11] =	ssyncset.done $0x0  }
0x26d: {  	[sflag:s11] =	ssyncadd.s32 $0xFFFFA000  }
0x26e: {  	[hbm4b:s0+s2] =	stream.linear.scatter [tilespmem:s2], [sflag:$0x4], $0x6000, $0x38;
	[tilespmem:$0x1E000] =	vst v63  }
0x26f: {  	_ =	swait.ge [sflag:s13], $0x6000  }
0x270: {  	s0 =	sld [smem:$0x7FA]  }
0x271: {  	[sflag:s13] =	ssyncset.done $0x0  }
0x272: {  	[sflag:s13] =	ssyncadd.s32 $0xFFFFA000  }
0x273: {  	[tilespmem:s16], [sflag:$0x3] =	stream.linear.gather [hbm4b:s0+s2], $0x6000, $0x38;
	[tilespmem:$0x1E000] =	vst v63  }
0x274: {  	_ =	swait.ge [sflag:s12], $0x6000  }
0x275: {  	s0 =	sld [smem:$0x7FB]  }
0x276: {  	[sflag:s12] =	ssyncset.done $0x0  }
0x277: {  	[sflag:s12] =	ssyncadd.s32 $0xFFFFA000  }
0x278: {  	[hbm4b:s0+s2] =	stream.linear.scatter [tilespmem:s4], [sflag:$0x5], $0x6000, $0x38;
	[tilespmem:$0x1E000] =	vst v63  }
0x279: {  	_ =	swait.ge [sflag:s8], $0x6000  }
0x27a: {  	s0 =	sld [smem:$0x7FC]  }
0x27b: {  	[sflag:s8] =	ssyncset.done $0x0  }
0x27c: {  	[sflag:s8] =	ssyncadd.s32 $0xFFFFA000  }
0x27d: {  	[tilespmem:s2], [sflag:$0x1] =	stream.linear.gather [hbm4b:s0+s2], $0x6000, $0x38;
	[tilespmem:$0x1E000] =	vst v63  }
0x27e: {  	_ =	swait.ge [sflag:s19], $0x6000  }
0x27f: {  	s0 =	sld [smem:$0x7FD]  }
0x280: {  	[sflag:s19] =	ssyncset.done $0x0  }
0x281: {  	[sflag:s19] =	ssyncadd.s32 $0xFFFFA000  }
0x282: {  	[hbm4b:s0+s2] =	stream.linear.scatter [tilespmem:s16], [sflag:$0x6], $0x6000, $0x38;
	[tilespmem:$0x1E000] =	vst v63  }
0x283: {  	_ =	swait.ge [sflag:s6], $0x6000  }
0x284: {  	[sflag:s6] =	ssyncset.done $0x0  }
0x285: {  	[sflag:s6] =	ssyncadd.s32 $0xFFFFA000  }
0x286: {  	[tilespmem:s4], [sflag:$0x2] =	stream.linear.gather [hbm4b:s28+s2], $0x6000, $0x38;
	[tilespmem:$0x1E000] =	vst v63  }
0x287: {  	_ =	swait.ge [sflag:s29], $0x6000  }
0x288: {  	[sflag:s29] =	ssyncset.done $0x0  }
0x289: {  	[sflag:s29] =	ssyncadd.s32 $0xFFFFA000  }
0x28a: {  	[tilespmem:s30], [sflag:$0x8] =	stream.linear.gather [hbm4b:s25+s2], $0x6000, $0x38;
	[tilespmem:$0x1E000] =	vst v63  }
0x28b: {  	_ =	swait.ge [sflag:s11], $0x6000  }
0x28c: {  	[sflag:s11] =	ssyncset.done $0x0  }
0x28d: {  	[sflag:s11] =	ssyncadd.s32 $0xFFFFA000  }
0x28e: {  	[hbm4b:s24+s2] =	stream.linear.scatter [tilespmem:s2], [sflag:$0x4], $0x6000, $0x38;
	[tilespmem:$0x1E000] =	vst v63  }
0x28f: {  	_ =	swait.ge [sflag:s13], $0x6000  }
0x290: {  	[sflag:s13] =	ssyncset.done $0x0  }
0x291: {  	[sflag:s13] =	ssyncadd.s32 $0xFFFFA000  }
0x292: {  	[tilespmem:s16], [sflag:$0x3] =	stream.linear.gather [hbm4b:s23+s2], $0x6000, $0x38;
	[tilespmem:$0x1E000] =	vst v63  }
0x293: {  	_ =	swait.ge [sflag:s12], $0x6000  }
0x294: {  	[sflag:s12] =	ssyncset.done $0x0  }
0x295: {  	[sflag:s12] =	ssyncadd.s32 $0xFFFFA000  }
0x296: {  	[hbm4b:s22+s2] =	stream.linear.scatter [tilespmem:s4], [sflag:$0x5], $0x6000, $0x38;
	[tilespmem:$0x1E000] =	vst v63  }
0x297: {  	_ =	swait.ge [sflag:s8], $0x6000  }
0x298: {  	[sflag:s8] =	ssyncset.done $0x0  }
0x299: {  	[sflag:s8] =	ssyncadd.s32 $0xFFFFA000  }
0x29a: {  	[tilespmem:s2], [sflag:$0x1] =	stream.linear.gather [hbm4b:s21+s2], $0x6000, $0x38;
	[tilespmem:$0x1E000] =	vst v63  }
0x29b: {  	_ =	swait.ge [sflag:s19], $0x6000  }
0x29c: {  	[sflag:s19] =	ssyncset.done $0x0  }
0x29d: {  	[sflag:s19] =	ssyncadd.s32 $0xFFFFA000  }
0x29e: {  	[hbm4b:s20+s2] =	stream.linear.scatter [tilespmem:s16], [sflag:$0x6], $0x6000, $0x38;
	[tilespmem:$0x1E000] =	vst v63  }
0x29f: {  	_ =	swait.ge [sflag:s6], $0x6000  }
0x2a0: {  	[sflag:s6] =	ssyncset.done $0x0  }
0x2a1: {  	[sflag:s6] =	ssyncadd.s32 $0xFFFFA000  }
0x2a2: {  	[tilespmem:s4], [sflag:$0x2] =	stream.linear.gather [hbm4b:s18+s2], $0x6000, $0x38;
	[tilespmem:$0x1E000] =	vst v63  }
0x2a3: {  	_ =	swait.ge [sflag:s11], $0x6000  }
0x2a4: {  	[sflag:s11] =	ssyncset.done $0x0  }
0x2a5: {  	[sflag:s11] =	ssyncadd.s32 $0xFFFFA000  }
0x2a6: {  	[hbm4b:s17+s2] =	stream.linear.scatter [tilespmem:s2], [sflag:$0x4], $0x6000, $0x38;
	[tilespmem:$0x1E000] =	vst v63  }
0x2a7: {  	_ =	swait.ge [sflag:s13], $0x6000  }
0x2a8: {  	[sflag:s13] =	ssyncset.done $0x0  }
0x2a9: {  	[sflag:s13] =	ssyncadd.s32 $0xFFFFA000  }
0x2aa: {  	[tilespmem:s16], [sflag:$0x3] =	stream.linear.gather [hbm4b:s15+s2], $0x6000, $0x38;
	[tilespmem:$0x1E000] =	vst v63  }
0x2ab: {  	_ =	swait.ge [sflag:s26], $0x6000  }
0x2ac: {  	[sflag:s26] =	ssyncset.done $0x0  }
0x2ad: {  	[sflag:s26] =	ssyncadd.s32 $0xFFFFA000  }
0x2ae: {  	_ =	swait.ge [sflag:s12], $0x6000  }
0x2af: {  	[sflag:s12] =	ssyncset.done $0x0  }
0x2b0: {  	[sflag:s12] =	ssyncadd.s32 $0xFFFFA000  }
0x2b1: {  	[hbm4b:s14+s2] =	stream.linear.scatter [tilespmem:s4], [sflag:$0x5], $0x6000, $0x38;
	[tilespmem:$0x1E000] =	vst v63  }
0x2b2: {  	_ =	swait.ge [sflag:s8], $0x6000  }
0x2b3: {  	[sflag:s8] =	ssyncset.done $0x0  }
0x2b4: {  	[sflag:s8] =	ssyncadd.s32 $0xFFFFA000  }
0x2b5: {  	[tilespmem:s2], [sflag:$0x1] =	stream.linear.gather [hbm4b:s10+s2], $0x6000, $0x38;
	[tilespmem:$0x1E000] =	vst v63  }
0x2b6: {  	_ =	swait.ge [sflag:s19], $0x6000  }
0x2b7: {  	[sflag:s19] =	ssyncset.done $0x0  }
0x2b8: {  	[sflag:s19] =	ssyncadd.s32 $0xFFFFA000  }
0x2b9: {  	[hbm4b:s9+s2] =	stream.linear.scatter [tilespmem:s16], [sflag:$0x6], $0x6000, $0x38;
	[tilespmem:$0x1E000] =	vst v63  }
0x2ba: {  	_ =	swait.ge [sflag:s6], $0x6000  }
0x2bb: {  	[sflag:s6] =	ssyncset.done $0x0  }
0x2bc: {  	[sflag:s6] =	ssyncadd.s32 $0xFFFFA000  }
0x2bd: {  	[tilespmem:s4], [sflag:$0x2] =	stream.linear.gather [hbm4b:s7+s2], $0x6000, $0x38;
	[tilespmem:$0x1E000] =	vst v63  }
0x2be: {  	_ =	swait.ge [sflag:s11], $0x6000  }
0x2bf: {  	[sflag:s11] =	ssyncset.done $0x0  }
0x2c0: {  	[sflag:s11] =	ssyncadd.s32 $0xFFFFA000  }
0x2c1: {  	[hbm4b:s5+s2] =	stream.linear.scatter [tilespmem:s2], [sflag:$0x4], $0x6000, $0x38;
	[tilespmem:$0x1E000] =	vst v63  }
0x2c2: {  	_ =	swait.ge [sflag:s12], $0x6000  }
0x2c3: {  	[sflag:s12] =	ssyncset.done $0x0  }
0x2c4: {  	[sflag:s12] =	ssyncadd.s32 $0xFFFFA000  }
0x2c5: {  	[hbm4b:s3+s2] =	stream.linear.scatter [tilespmem:s4], [sflag:$0x5], $0x6000, $0x38;
	[tilespmem:$0x1E000] =	vst v63  }
0x2c6: {  	_ =	swait.ge [sflag:s13], $0x6000  }
0x2c7: {  	[sflag:s13] =	ssyncset.done $0x0  }
0x2c8: {  	p1 =	sne.s32 s1, $0x1;
	[sflag:s13] =	ssyncadd.s32 $0xFFFFA000  }
.Ltmp2:
0x2c9: {  	_ =	swait.ge [sflag:s8], $0x6000;
	(pc) =	sbr.rel @p1 .LBB2_2-.Ltmp2, $4  }
0x2ca: {  	[sflag:s8] =	ssyncset.done $0x0  }
0x2cb: {  	[sflag:s8] =	ssyncadd.s32 $0xFFFFA000  }
0x2cc: {  	_ =	swait.ge [sflag:s6], $0x6000  }
0x2cd: {  	s1 =	sadd.s32 $0xFFFFFFFF, s1;
	s0 =	rddreg [dreg:$0x4];
	[sflag:s6] =	ssyncset.done $0x0  }
.LBB2_3:
0x2ce: {  	[sflag:s6] =	ssyncadd.s32 @p0 $0xFFFFA000  }
0x2cf: {  	[tilespmem:s2], [sflag:$0x1] =	stream.linear.gather [hbm4b:s0+s2], $0x6000, $0x38;
	[tilespmem:$0x1E000] =	vst v63  }
0x2d0: {  	s1 =	rddreg [dreg:$0x5]  }
0x2d1: {  	[tilespmem:s4], [sflag:$0x2] =	stream.linear.gather [hbm4b:s1+s2], $0x6000, $0x38;
	[tilespmem:$0x1E000] =	vst v63  }
0x2d2: {  	s0 =	rddreg [dreg:$0x6]  }
0x2d3: {  	[tilespmem:s31], [sflag:$0x7] =	stream.linear.gather [hbm4b:s0+s2], $0x6000, $0x38;
	[tilespmem:$0x1E000] =	vst v63  }
0x2d4: {  	_ =	swait.ge [sflag:s29], $0x6000  }
0x2d5: {  	[sflag:s29] =	ssyncset.done $0x0  }
0x2d6: {  	s1 =	rddreg [dreg:$0x7];
	[sflag:s29] =	ssyncadd.s32 $0xFFFFA000  }
0x2d7: {  	[tilespmem:s30], [sflag:$0x8] =	stream.linear.gather [hbm4b:s1+s2], $0x6000, $0x38;
	[tilespmem:$0x1E000] =	vst v63  }
0x2d8: {  	_ =	swait.ge [sflag:s11], $0x6000  }
0x2d9: {  	[sflag:s11] =	ssyncset.done $0x0  }
0x2da: {  	s0 =	rddreg [dreg:$0x8];
	[sflag:s11] =	ssyncadd.s32 $0xFFFFA000  }
0x2db: {  	[hbm4b:s0+s2] =	stream.linear.scatter [tilespmem:s2], [sflag:$0x4], $0x6000, $0x38;
	[tilespmem:$0x1E000] =	vst v63  }
0x2dc: {  	s1 =	rddreg [dreg:$0x9]  }
0x2dd: {  	[tilespmem:s16], [sflag:$0x3] =	stream.linear.gather [hbm4b:s1+s2], $0x6000, $0x38;
	[tilespmem:$0x1E000] =	vst v63  }
0x2de: {  	_ =	swait.ge [sflag:s12], $0x6000  }
0x2df: {  	[sflag:s12] =	ssyncset.done $0x0  }
0x2e0: {  	s1 =	rddreg [dreg:$0xa];
	[sflag:s12] =	ssyncadd.s32 $0xFFFFA000  }
0x2e1: {  	[hbm4b:s1+s2] =	stream.linear.scatter [tilespmem:s4], [sflag:$0x5], $0x6000, $0x38;
	[tilespmem:$0x1E000] =	vst v63  }
0x2e2: {  	_ =	swait.ge [sflag:s8], $0x6000  }
0x2e3: {  	[sflag:s8] =	ssyncset.done $0x0  }
0x2e4: {  	s1 =	rddreg [dreg:$0xb];
	[sflag:s8] =	ssyncadd.s32 $0xFFFFA000  }
0x2e5: {  	[tilespmem:s2], [sflag:$0x1] =	stream.linear.gather [hbm4b:s1+s2], $0x6000, $0x38;
	[tilespmem:$0x1E000] =	vst v63  }
0x2e6: {  	_ =	swait.ge [sflag:s19], $0x6000  }
0x2e7: {  	[sflag:s19] =	ssyncset.done $0x0  }
0x2e8: {  	s1 =	rddreg [dreg:$0xc];
	[sflag:s19] =	ssyncadd.s32 $0xFFFFA000  }
0x2e9: {  	[hbm4b:s1+s2] =	stream.linear.scatter [tilespmem:s16], [sflag:$0x6], $0x6000, $0x38;
	[tilespmem:$0x1E000] =	vst v63  }
0x2ea: {  	_ =	swait.ge [sflag:s6], $0x6000  }
0x2eb: {  	[sflag:s6] =	ssyncset.done $0x0  }
0x2ec: {  	s1 =	rddreg [dreg:$0xd];
	[sflag:s6] =	ssyncadd.s32 $0xFFFFA000  }
0x2ed: {  	[tilespmem:s4], [sflag:$0x2] =	stream.linear.gather [hbm4b:s1+s2], $0x6000, $0x38;
	[tilespmem:$0x1E000] =	vst v63  }
0x2ee: {  	_ =	swait.ge [sflag:s11], $0x6000  }
0x2ef: {  	[sflag:s11] =	ssyncset.done $0x0  }
0x2f0: {  	s1 =	rddreg [dreg:$0xe];
	[sflag:s11] =	ssyncadd.s32 $0xFFFFA000  }
0x2f1: {  	[hbm4b:s1+s2] =	stream.linear.scatter [tilespmem:s2], [sflag:$0x4], $0x6000, $0x38;
	[tilespmem:$0x1E000] =	vst v63  }
0x2f2: {  	_ =	swait.ge [sflag:s13], $0x6000  }
0x2f3: {  	[sflag:s13] =	ssyncset.done $0x0  }
0x2f4: {  	s1 =	rddreg [dreg:$0xf];
	[sflag:s13] =	ssyncadd.s32 $0xFFFFA000  }
0x2f5: {  	[tilespmem:s16], [sflag:$0x3] =	stream.linear.gather [hbm4b:s1+s2], $0x6000, $0x38;
	[tilespmem:$0x1E000] =	vst v63  }
0x2f6: {  	_ =	swait.ge [sflag:s26], $0x6000  }
0x2f7: {  	[sflag:s26] =	ssyncset.done $0x0  }
0x2f8: {  	s1 =	rddreg [dreg:$0x10];
	[sflag:s26] =	ssyncadd.s32 $0xFFFFA000  }
0x2f9: {  	[tilespmem:s31], [sflag:$0x7] =	stream.linear.gather [hbm4b:s1+s2], $0x6000, $0x38;
	[tilespmem:$0x1E000] =	vst v63  }
0x2fa: {  	_ =	swait.ge [sflag:s12], $0x6000  }
0x2fb: {  	[sflag:s12] =	ssyncset.done $0x0  }
0x2fc: {  	s1 =	rddreg [dreg:$0x11];
	[sflag:s12] =	ssyncadd.s32 $0xFFFFA000  }
0x2fd: {  	[hbm4b:s1+s2] =	stream.linear.scatter [tilespmem:s4], [sflag:$0x5], $0x6000, $0x38;
	[tilespmem:$0x1E000] =	vst v63  }
0x2fe: {  	_ =	swait.ge [sflag:s8], $0x6000  }
0x2ff: {  	[sflag:s8] =	ssyncset.done $0x0  }
0x300: {  	s1 =	rddreg [dreg:$0x12];
	[sflag:s8] =	ssyncadd.s32 $0xFFFFA000  }
0x301: {  	[tilespmem:s2], [sflag:$0x1] =	stream.linear.gather [hbm4b:s1+s2], $0x6000, $0x38;
	[tilespmem:$0x1E000] =	vst v63  }
0x302: {  	_ =	swait.ge [sflag:s19], $0x6000  }
0x303: {  	[sflag:s19] =	ssyncset.done $0x0  }
0x304: {  	s1 =	rddreg [dreg:$0x13];
	[sflag:s19] =	ssyncadd.s32 $0xFFFFA000  }
0x305: {  	[hbm4b:s1+s2] =	stream.linear.scatter [tilespmem:s16], [sflag:$0x6], $0x6000, $0x38;
	[tilespmem:$0x1E000] =	vst v63  }
0x306: {  	_ =	swait.ge [sflag:s6], $0x6000  }
0x307: {  	[sflag:s6] =	ssyncset.done $0x0  }
0x308: {  	s1 =	rddreg [dreg:$0x14];
	[sflag:s6] =	ssyncadd.s32 $0xFFFFA000  }
0x309: {  	[tilespmem:s4], [sflag:$0x2] =	stream.linear.gather [hbm4b:s1+s2], $0x6000, $0x38;
	[tilespmem:$0x1E000] =	vst v63  }
0x30a: {  	_ =	swait.ge [sflag:s11], $0x6000  }
0x30b: {  	[sflag:s11] =	ssyncset.done $0x0  }
0x30c: {  	s1 =	rddreg [dreg:$0x15];
	[sflag:s11] =	ssyncadd.s32 $0xFFFFA000  }
0x30d: {  	[hbm4b:s1+s2] =	stream.linear.scatter [tilespmem:s2], [sflag:$0x4], $0x6000, $0x38;
	[tilespmem:$0x1E000] =	vst v63  }
0x30e: {  	_ =	swait.ge [sflag:s13], $0x6000  }
0x30f: {  	[sflag:s13] =	ssyncset.done $0x0  }
0x310: {  	s1 =	rddreg [dreg:$0x16];
	[sflag:s13] =	ssyncadd.s32 $0xFFFFA000  }
0x311: {  	[tilespmem:s16], [sflag:$0x3] =	stream.linear.gather [hbm4b:s1+s2], $0x6000, $0x38;
	[tilespmem:$0x1E000] =	vst v63  }
0x312: {  	_ =	swait.ge [sflag:s12], $0x6000  }
0x313: {  	[sflag:s12] =	ssyncset.done $0x0  }
0x314: {  	s1 =	rddreg [dreg:$0x17];
	[sflag:s12] =	ssyncadd.s32 $0xFFFFA000  }
0x315: {  	[hbm4b:s1+s2] =	stream.linear.scatter [tilespmem:s4], [sflag:$0x5], $0x6000, $0x38;
	[tilespmem:$0x1E000] =	vst v63  }
0x316: {  	_ =	swait.ge [sflag:s8], $0x6000  }
0x317: {  	[sflag:s8] =	ssyncset.done $0x0  }
0x318: {  	s1 =	rddreg [dreg:$0x18];
	[sflag:s8] =	ssyncadd.s32 $0xFFFFA000  }
0x319: {  	[tilespmem:s2], [sflag:$0x1] =	stream.linear.gather [hbm4b:s1+s2], $0x6000, $0x38;
	[tilespmem:$0x1E000] =	vst v63  }
0x31a: {  	_ =	swait.ge [sflag:s29], $0x6000  }
0x31b: {  	[sflag:s29] =	ssyncset.done $0x0  }
0x31c: {  	s1 =	rddreg [dreg:$0x19];
	[sflag:s29] =	ssyncadd.s32 $0xFFFFA000  }
0x31d: {  	[tilespmem:s30], [sflag:$0x8] =	stream.linear.gather [hbm4b:s1+s2], $0x6000, $0x38;
	[tilespmem:$0x1E000] =	vst v63  }
0x31e: {  	_ =	swait.ge [sflag:s19], $0x6000  }
0x31f: {  	[sflag:s19] =	ssyncset.done $0x0  }
0x320: {  	s1 =	rddreg [dreg:$0x1a];
	[sflag:s19] =	ssyncadd.s32 $0xFFFFA000  }
0x321: {  	[hbm4b:s1+s2] =	stream.linear.scatter [tilespmem:s16], [sflag:$0x6], $0x6000, $0x38;
	[tilespmem:$0x1E000] =	vst v63  }
0x322: {  	_ =	swait.ge [sflag:s6], $0x6000  }
0x323: {  	[sflag:s6] =	ssyncset.done $0x0  }
0x324: {  	s1 =	rddreg [dreg:$0x1b];
	[sflag:s6] =	ssyncadd.s32 $0xFFFFA000  }
0x325: {  	[tilespmem:s4], [sflag:$0x2] =	stream.linear.gather [hbm4b:s1+s2], $0x6000, $0x38;
	[tilespmem:$0x1E000] =	vst v63  }
0x326: {  	_ =	swait.ge [sflag:s11], $0x6000  }
0x327: {  	[sflag:s11] =	ssyncset.done $0x0  }
0x328: {  	s1 =	rddreg [dreg:$0x1c];
	[sflag:s11] =	ssyncadd.s32 $0xFFFFA000  }
0x329: {  	[hbm4b:s1+s2] =	stream.linear.scatter [tilespmem:s2], [sflag:$0x4], $0x6000, $0x38;
	[tilespmem:$0x1E000] =	vst v63  }
0x32a: {  	_ =	swait.ge [sflag:s13], $0x6000  }
0x32b: {  	[sflag:s13] =	ssyncset.done $0x0  }
0x32c: {  	s1 =	rddreg [dreg:$0x1d];
	[sflag:s13] =	ssyncadd.s32 $0xFFFFA000  }
0x32d: {  	[tilespmem:s16], [sflag:$0x3] =	stream.linear.gather [hbm4b:s1+s2], $0x6000, $0x38;
	[tilespmem:$0x1E000] =	vst v63  }
0x32e: {  	_ =	swait.ge [sflag:s12], $0x6000  }
0x32f: {  	[sflag:s12] =	ssyncset.done $0x0  }
0x330: {  	s1 =	rddreg [dreg:$0x1e];
	[sflag:s12] =	ssyncadd.s32 $0xFFFFA000  }
0x331: {  	[hbm4b:s1+s2] =	stream.linear.scatter [tilespmem:s4], [sflag:$0x5], $0x6000, $0x38;
	[tilespmem:$0x1E000] =	vst v63  }
0x332: {  	_ =	swait.ge [sflag:s8], $0x6000  }
0x333: {  	[sflag:s8] =	ssyncset.done $0x0  }
0x334: {  	s1 =	rddreg [dreg:$0x1f];
	[sflag:s8] =	ssyncadd.s32 $0xFFFFA000  }
0x335: {  	[tilespmem:s2], [sflag:$0x1] =	stream.linear.gather [hbm4b:s1+s2], $0x6000, $0x38;
	[tilespmem:$0x1E000] =	vst v63  }
0x336: {  	_ =	swait.ge [sflag:s19], $0x6000  }
0x337: {  	s1 =	sld [smem:$0x7E2]  }
0x338: {  	[sflag:s19] =	ssyncset.done $0x0  }
0x339: {  	[sflag:s19] =	ssyncadd.s32 $0xFFFFA000  }
0x33a: {  	[hbm4b:s1+s2] =	stream.linear.scatter [tilespmem:s16], [sflag:$0x6], $0x6000, $0x38;
	[tilespmem:$0x1E000] =	vst v63  }
0x33b: {  	_ =	swait.ge [sflag:s6], $0x6000  }
0x33c: {  	s1 =	sld [smem:$0x7E3]  }
0x33d: {  	[sflag:s6] =	ssyncset.done $0x0  }
0x33e: {  	[sflag:s6] =	ssyncadd.s32 $0xFFFFA000  }
0x33f: {  	[tilespmem:s4], [sflag:$0x2] =	stream.linear.gather [hbm4b:s1+s2], $0x6000, $0x38;
	[tilespmem:$0x1E000] =	vst v63  }
0x340: {  	_ =	swait.ge [sflag:s26], $0x6000  }
0x341: {  	s1 =	sld [smem:$0x7E4]  }
0x342: {  	[sflag:s26] =	ssyncset.done $0x0  }
0x343: {  	[sflag:s26] =	ssyncadd.s32 $0xFFFFA000  }
0x344: {  	[tilespmem:s31], [sflag:$0x7] =	stream.linear.gather [hbm4b:s1+s2], $0x6000, $0x38;
	[tilespmem:$0x1E000] =	vst v63  }
0x345: {  	_ =	swait.ge [sflag:s11], $0x6000  }
0x346: {  	s1 =	sld [smem:$0x7E5]  }
0x347: {  	[sflag:s11] =	ssyncset.done $0x0  }
0x348: {  	[sflag:s11] =	ssyncadd.s32 $0xFFFFA000  }
0x349: {  	[hbm4b:s1+s2] =	stream.linear.scatter [tilespmem:s2], [sflag:$0x4], $0x6000, $0x38;
	[tilespmem:$0x1E000] =	vst v63  }
0x34a: {  	_ =	swait.ge [sflag:s13], $0x6000  }
0x34b: {  	s1 =	sld [smem:$0x7E6]  }
0x34c: {  	[sflag:s13] =	ssyncset.done $0x0  }
0x34d: {  	[sflag:s13] =	ssyncadd.s32 $0xFFFFA000  }
0x34e: {  	[tilespmem:s16], [sflag:$0x3] =	stream.linear.gather [hbm4b:s1+s2], $0x6000, $0x38;
	[tilespmem:$0x1E000] =	vst v63  }
0x34f: {  	_ =	swait.ge [sflag:s12], $0x6000  }
0x350: {  	s1 =	sld [smem:$0x7E7]  }
0x351: {  	[sflag:s12] =	ssyncset.done $0x0  }
0x352: {  	[sflag:s12] =	ssyncadd.s32 $0xFFFFA000  }
0x353: {  	[hbm4b:s1+s2] =	stream.linear.scatter [tilespmem:s4], [sflag:$0x5], $0x6000, $0x38;
	[tilespmem:$0x1E000] =	vst v63  }
0x354: {  	_ =	swait.ge [sflag:s8], $0x6000  }
0x355: {  	s1 =	sld [smem:$0x7E8]  }
0x356: {  	[sflag:s8] =	ssyncset.done $0x0  }
0x357: {  	[sflag:s8] =	ssyncadd.s32 $0xFFFFA000  }
0x358: {  	[tilespmem:s2], [sflag:$0x1] =	stream.linear.gather [hbm4b:s1+s2], $0x6000, $0x38;
	[tilespmem:$0x1E000] =	vst v63  }
0x359: {  	_ =	swait.ge [sflag:s19], $0x6000  }
0x35a: {  	s1 =	sld [smem:$0x7E9]  }
0x35b: {  	[sflag:s19] =	ssyncset.done $0x0  }
0x35c: {  	[sflag:s19] =	ssyncadd.s32 $0xFFFFA000  }
0x35d: {  	[hbm4b:s1+s2] =	stream.linear.scatter [tilespmem:s16], [sflag:$0x6], $0x6000, $0x38;
	[tilespmem:$0x1E000] =	vst v63  }
0x35e: {  	_ =	swait.ge [sflag:s6], $0x6000  }
0x35f: {  	s1 =	sld [smem:$0x7EA]  }
0x360: {  	[sflag:s6] =	ssyncset.done $0x0  }
0x361: {  	[sflag:s6] =	ssyncadd.s32 $0xFFFFA000  }
0x362: {  	[tilespmem:s4], [sflag:$0x2] =	stream.linear.gather [hbm4b:s1+s2], $0x6000, $0x38;
	[tilespmem:$0x1E000] =	vst v63  }
0x363: {  	_ =	swait.ge [sflag:s11], $0x6000  }
0x364: {  	s1 =	sld [smem:$0x7EB]  }
0x365: {  	[sflag:s11] =	ssyncset.done $0x0  }
0x366: {  	[sflag:s11] =	ssyncadd.s32 $0xFFFFA000  }
0x367: {  	[hbm4b:s1+s2] =	stream.linear.scatter [tilespmem:s2], [sflag:$0x4], $0x6000, $0x38;
	[tilespmem:$0x1E000] =	vst v63  }
0x368: {  	_ =	swait.ge [sflag:s13], $0x6000  }
0x369: {  	s1 =	sld [smem:$0x7EC]  }
0x36a: {  	[sflag:s13] =	ssyncset.done $0x0  }
0x36b: {  	[sflag:s13] =	ssyncadd.s32 $0xFFFFA000  }
0x36c: {  	[tilespmem:s16], [sflag:$0x3] =	stream.linear.gather [hbm4b:s1+s2], $0x6000, $0x38;
	[tilespmem:$0x1E000] =	vst v63  }
0x36d: {  	_ =	swait.ge [sflag:s29], $0x6000  }
0x36e: {  	s1 =	sld [smem:$0x7ED]  }
0x36f: {  	[sflag:s29] =	ssyncset.done $0x0  }
0x370: {  	[sflag:s29] =	ssyncadd.s32 $0xFFFFA000  }
0x371: {  	[tilespmem:s30], [sflag:$0x8] =	stream.linear.gather [hbm4b:s1+s2], $0x6000, $0x38;
	[tilespmem:$0x1E000] =	vst v63  }
0x372: {  	_ =	swait.ge [sflag:s12], $0x6000  }
0x373: {  	s1 =	sld [smem:$0x7EE]  }
0x374: {  	[sflag:s12] =	ssyncset.done $0x0  }
0x375: {  	[sflag:s12] =	ssyncadd.s32 $0xFFFFA000  }
0x376: {  	[hbm4b:s1+s2] =	stream.linear.scatter [tilespmem:s4], [sflag:$0x5], $0x6000, $0x38;
	[tilespmem:$0x1E000] =	vst v63  }
0x377: {  	_ =	swait.ge [sflag:s8], $0x6000  }
0x378: {  	s1 =	sld [smem:$0x7EF]  }
0x379: {  	[sflag:s8] =	ssyncset.done $0x0  }
0x37a: {  	[sflag:s8] =	ssyncadd.s32 $0xFFFFA000  }
0x37b: {  	[tilespmem:s2], [sflag:$0x1] =	stream.linear.gather [hbm4b:s1+s2], $0x6000, $0x38;
	[tilespmem:$0x1E000] =	vst v63  }
0x37c: {  	_ =	swait.ge [sflag:s19], $0x6000  }
0x37d: {  	s1 =	sld [smem:$0x7F0]  }
0x37e: {  	[sflag:s19] =	ssyncset.done $0x0  }
0x37f: {  	[sflag:s19] =	ssyncadd.s32 $0xFFFFA000  }
0x380: {  	[hbm4b:s1+s2] =	stream.linear.scatter [tilespmem:s16], [sflag:$0x6], $0x6000, $0x38;
	[tilespmem:$0x1E000] =	vst v63  }
0x381: {  	_ =	swait.ge [sflag:s6], $0x6000  }
0x382: {  	s1 =	sld [smem:$0x7F1]  }
0x383: {  	[sflag:s6] =	ssyncset.done $0x0  }
0x384: {  	[sflag:s6] =	ssyncadd.s32 $0xFFFFA000  }
0x385: {  	[tilespmem:s4], [sflag:$0x2] =	stream.linear.gather [hbm4b:s1+s2], $0x6000, $0x38;
	[tilespmem:$0x1E000] =	vst v63  }
0x386: {  	_ =	swait.ge [sflag:s11], $0x6000  }
0x387: {  	s1 =	sld [smem:$0x7F2]  }
0x388: {  	[sflag:s11] =	ssyncset.done $0x0  }
0x389: {  	[sflag:s11] =	ssyncadd.s32 $0xFFFFA000  }
0x38a: {  	[hbm4b:s1+s2] =	stream.linear.scatter [tilespmem:s2], [sflag:$0x4], $0x6000, $0x38;
	[tilespmem:$0x1E000] =	vst v63  }
0x38b: {  	_ =	swait.ge [sflag:s13], $0x6000  }
0x38c: {  	s1 =	sld [smem:$0x7F3]  }
0x38d: {  	[sflag:s13] =	ssyncset.done $0x0  }
0x38e: {  	[sflag:s13] =	ssyncadd.s32 $0xFFFFA000  }
0x38f: {  	[tilespmem:s16], [sflag:$0x3] =	stream.linear.gather [hbm4b:s1+s2], $0x6000, $0x38;
	[tilespmem:$0x1E000] =	vst v63  }
0x390: {  	_ =	swait.ge [sflag:s12], $0x6000  }
0x391: {  	s1 =	sld [smem:$0x7F4]  }
0x392: {  	[sflag:s12] =	ssyncset.done $0x0  }
0x393: {  	[sflag:s12] =	ssyncadd.s32 $0xFFFFA000  }
0x394: {  	[hbm4b:s1+s2] =	stream.linear.scatter [tilespmem:s4], [sflag:$0x5], $0x6000, $0x38;
	[tilespmem:$0x1E000] =	vst v63  }
0x395: {  	_ =	swait.ge [sflag:s8], $0x6000  }
0x396: {  	s1 =	sld [smem:$0x7F5]  }
0x397: {  	[sflag:s8] =	ssyncset.done $0x0  }
0x398: {  	[sflag:s8] =	ssyncadd.s32 $0xFFFFA000  }
0x399: {  	[tilespmem:s2], [sflag:$0x1] =	stream.linear.gather [hbm4b:s1+s2], $0x6000, $0x38;
	[tilespmem:$0x1E000] =	vst v63  }
0x39a: {  	_ =	swait.ge [sflag:s26], $0x6000  }
0x39b: {  	s1 =	sld [smem:$0x7F6]  }
0x39c: {  	[sflag:s26] =	ssyncset.done $0x0  }
0x39d: {  	[sflag:s26] =	ssyncadd.s32 $0xFFFFA000  }
0x39e: {  	[tilespmem:s31], [sflag:$0x7] =	stream.linear.gather [hbm4b:s1+s2], $0x6000, $0x38;
	[tilespmem:$0x1E000] =	vst v63  }
0x39f: {  	_ =	swait.ge [sflag:s19], $0x6000  }
0x3a0: {  	s1 =	sld [smem:$0x7F7]  }
0x3a1: {  	[sflag:s19] =	ssyncset.done $0x0  }
0x3a2: {  	[sflag:s19] =	ssyncadd.s32 $0xFFFFA000  }
0x3a3: {  	[hbm4b:s1+s2] =	stream.linear.scatter [tilespmem:s16], [sflag:$0x6], $0x6000, $0x38;
	[tilespmem:$0x1E000] =	vst v63  }
0x3a4: {  	_ =	swait.ge [sflag:s6], $0x6000  }
0x3a5: {  	s31 =	sld [smem:$0x7F8]  }
0x3a6: {  	[sflag:s6] =	ssyncset.done $0x0  }
0x3a7: {  	[sflag:s6] =	ssyncadd.s32 $0xFFFFA000  }
0x3a8: {  	[tilespmem:s4], [sflag:$0x2] =	stream.linear.gather [hbm4b:s31+s2], $0x6000, $0x38;
	[tilespmem:$0x1E000] =	vst v63  }
0x3a9: {  	_ =	swait.ge [sflag:s11], $0x6000  }
0x3aa: {  	s1 =	sld [smem:$0x7F9]  }
0x3ab: {  	[sflag:s11] =	ssyncset.done $0x0  }
0x3ac: {  	[sflag:s11] =	ssyncadd.s32 $0xFFFFA000  }
0x3ad: {  	[hbm4b:s1+s2] =	stream.linear.scatter [tilespmem:s2], [sflag:$0x4], $0x6000, $0x38;
	[tilespmem:$0x1E000] =	vst v63  }
0x3ae: {  	_ =	swait.ge [sflag:s13], $0x6000  }
0x3af: {  	s31 =	sld [smem:$0x7FA]  }
0x3b0: {  	[sflag:s13] =	ssyncset.done $0x0  }
0x3b1: {  	[sflag:s13] =	ssyncadd.s32 $0xFFFFA000  }
0x3b2: {  	[tilespmem:s16], [sflag:$0x3] =	stream.linear.gather [hbm4b:s31+s2], $0x6000, $0x38;
	[tilespmem:$0x1E000] =	vst v63  }
0x3b3: {  	_ =	swait.ge [sflag:s12], $0x6000  }
0x3b4: {  	s1 =	sld [smem:$0x7FB]  }
0x3b5: {  	[sflag:s12] =	ssyncset.done $0x0  }
0x3b6: {  	[sflag:s12] =	ssyncadd.s32 $0xFFFFA000  }
0x3b7: {  	[hbm4b:s1+s2] =	stream.linear.scatter [tilespmem:s4], [sflag:$0x5], $0x6000, $0x38;
	[tilespmem:$0x1E000] =	vst v63  }
0x3b8: {  	_ =	swait.ge [sflag:s8], $0x6000  }
0x3b9: {  	s31 =	sld [smem:$0x7FC]  }
0x3ba: {  	[sflag:s8] =	ssyncset.done $0x0  }
0x3bb: {  	[sflag:s8] =	ssyncadd.s32 $0xFFFFA000  }
0x3bc: {  	[tilespmem:s2], [sflag:$0x1] =	stream.linear.gather [hbm4b:s31+s2], $0x6000, $0x38;
	[tilespmem:$0x1E000] =	vst v63  }
0x3bd: {  	_ =	swait.ge [sflag:s19], $0x6000  }
0x3be: {  	s1 =	sld [smem:$0x7FD]  }
0x3bf: {  	[sflag:s19] =	ssyncset.done $0x0  }
0x3c0: {  	[sflag:s19] =	ssyncadd.s32 $0xFFFFA000  }
0x3c1: {  	[hbm4b:s1+s2] =	stream.linear.scatter [tilespmem:s16], [sflag:$0x6], $0x6000, $0x38;
	[tilespmem:$0x1E000] =	vst v63  }
0x3c2: {  	_ =	swait.ge [sflag:s6], $0x6000  }
0x3c3: {  	[sflag:s6] =	ssyncset.done $0x0  }
0x3c4: {  	[sflag:s6] =	ssyncadd.s32 $0xFFFFA000  }
0x3c5: {  	[tilespmem:s4], [sflag:$0x2] =	stream.linear.gather [hbm4b:s28+s2], $0x6000, $0x38;
	[tilespmem:$0x1E000] =	vst v63  }
0x3c6: {  	_ =	swait.ge [sflag:s29], $0x6000  }
0x3c7: {  	[sflag:s29] =	ssyncset.done $0x0  }
0x3c8: {  	[sflag:s29] =	ssyncadd.s32 $0xFFFFA000  }
0x3c9: {  	[tilespmem:s30], [sflag:$0x8] =	stream.linear.gather [hbm4b:s25+s2], $0x6000, $0x38;
	[tilespmem:$0x1E000] =	vst v63  }
0x3ca: {  	_ =	swait.ge [sflag:s11], $0x6000  }
0x3cb: {  	[sflag:s11] =	ssyncset.done $0x0  }
0x3cc: {  	[sflag:s11] =	ssyncadd.s32 $0xFFFFA000  }
0x3cd: {  	[hbm4b:s24+s2] =	stream.linear.scatter [tilespmem:s2], [sflag:$0x4], $0x6000, $0x38;
	[tilespmem:$0x1E000] =	vst v63  }
0x3ce: {  	_ =	swait.ge [sflag:s13], $0x6000  }
0x3cf: {  	[sflag:s13] =	ssyncset.done $0x0  }
0x3d0: {  	[sflag:s13] =	ssyncadd.s32 $0xFFFFA000  }
0x3d1: {  	[tilespmem:s16], [sflag:$0x3] =	stream.linear.gather [hbm4b:s23+s2], $0x6000, $0x38;
	[tilespmem:$0x1E000] =	vst v63  }
0x3d2: {  	_ =	swait.ge [sflag:s12], $0x6000  }
0x3d3: {  	[sflag:s12] =	ssyncset.done $0x0  }
0x3d4: {  	[sflag:s12] =	ssyncadd.s32 $0xFFFFA000  }
0x3d5: {  	[hbm4b:s22+s2] =	stream.linear.scatter [tilespmem:s4], [sflag:$0x5], $0x6000, $0x38;
	[tilespmem:$0x1E000] =	vst v63  }
0x3d6: {  	_ =	swait.ge [sflag:s8], $0x6000  }
0x3d7: {  	[sflag:s8] =	ssyncset.done $0x0  }
0x3d8: {  	[sflag:s8] =	ssyncadd.s32 $0xFFFFA000  }
0x3d9: {  	[tilespmem:s2], [sflag:$0x1] =	stream.linear.gather [hbm4b:s21+s2], $0x6000, $0x38;
	[tilespmem:$0x1E000] =	vst v63  }
0x3da: {  	_ =	swait.ge [sflag:s19], $0x6000  }
0x3db: {  	[sflag:s19] =	ssyncset.done $0x0  }
0x3dc: {  	[sflag:s19] =	ssyncadd.s32 $0xFFFFA000  }
0x3dd: {  	[hbm4b:s20+s2] =	stream.linear.scatter [tilespmem:s16], [sflag:$0x6], $0x6000, $0x38;
	[tilespmem:$0x1E000] =	vst v63  }
0x3de: {  	_ =	swait.ge [sflag:s6], $0x6000  }
0x3df: {  	[sflag:s6] =	ssyncset.done $0x0  }
0x3e0: {  	[sflag:s6] =	ssyncadd.s32 $0xFFFFA000  }
0x3e1: {  	[tilespmem:s4], [sflag:$0x2] =	stream.linear.gather [hbm4b:s18+s2], $0x6000, $0x38;
	[tilespmem:$0x1E000] =	vst v63  }
0x3e2: {  	_ =	swait.ge [sflag:s11], $0x6000  }
0x3e3: {  	[sflag:s11] =	ssyncset.done $0x0  }
0x3e4: {  	[sflag:s11] =	ssyncadd.s32 $0xFFFFA000  }
0x3e5: {  	[hbm4b:s17+s2] =	stream.linear.scatter [tilespmem:s2], [sflag:$0x4], $0x6000, $0x38;
	[tilespmem:$0x1E000] =	vst v63  }
0x3e6: {  	_ =	swait.ge [sflag:s13], $0x6000  }
0x3e7: {  	[sflag:s13] =	ssyncset.done $0x0  }
0x3e8: {  	[sflag:s13] =	ssyncadd.s32 $0xFFFFA000  }
0x3e9: {  	[tilespmem:s16], [sflag:$0x3] =	stream.linear.gather [hbm4b:s15+s2], $0x6000, $0x38;
	[tilespmem:$0x1E000] =	vst v63  }
0x3ea: {  	_ =	swait.ge [sflag:s26], $0x6000  }
0x3eb: {  	[sflag:s26] =	ssyncset.done $0x0  }
0x3ec: {  	[sflag:s26] =	ssyncadd.s32 $0xFFFFA000  }
0x3ed: {  	_ =	swait.ge [sflag:s12], $0x6000  }
0x3ee: {  	[sflag:s12] =	ssyncset.done $0x0  }
0x3ef: {  	[sflag:s12] =	ssyncadd.s32 $0xFFFFA000  }
0x3f0: {  	[hbm4b:s14+s2] =	stream.linear.scatter [tilespmem:s4], [sflag:$0x5], $0x6000, $0x38;
	[tilespmem:$0x1E000] =	vst v63  }
0x3f1: {  	_ =	swait.ge [sflag:s8], $0x6000  }
0x3f2: {  	[sflag:s8] =	ssyncset.done $0x0  }
0x3f3: {  	[sflag:s8] =	ssyncadd.s32 $0xFFFFA000  }
0x3f4: {  	[tilespmem:s2], [sflag:$0x1] =	stream.linear.gather [hbm4b:s10+s2], $0x6000, $0x38;
	[tilespmem:$0x1E000] =	vst v63  }
0x3f5: {  	_ =	swait.ge [sflag:s19], $0x6000  }
0x3f6: {  	[sflag:s19] =	ssyncset.done $0x0  }
0x3f7: {  	[sflag:s19] =	ssyncadd.s32 $0xFFFFA000  }
0x3f8: {  	[hbm4b:s9+s2] =	stream.linear.scatter [tilespmem:s16], [sflag:$0x6], $0x6000, $0x38;
	[tilespmem:$0x1E000] =	vst v63  }
0x3f9: {  	_ =	swait.ge [sflag:s6], $0x6000  }
0x3fa: {  	[sflag:s6] =	ssyncset.done $0x0  }
0x3fb: {  	[sflag:s6] =	ssyncadd.s32 $0xFFFFA000  }
0x3fc: {  	[tilespmem:s4], [sflag:$0x2] =	stream.linear.gather [hbm4b:s7+s2], $0x6000, $0x38;
	[tilespmem:$0x1E000] =	vst v63  }
0x3fd: {  	_ =	swait.ge [sflag:s11], $0x6000  }
0x3fe: {  	[sflag:s11] =	ssyncset.done $0x0  }
0x3ff: {  	[sflag:s11] =	ssyncadd.s32 $0xFFFFA000  }
0x400: {  	[hbm4b:s5+s2] =	stream.linear.scatter [tilespmem:s2], [sflag:$0x4], $0x6000, $0x38;
	[tilespmem:$0x1E000] =	vst v63  }
0x401: {  	_ =	swait.ge [sflag:s12], $0x6000  }
0x402: {  	[sflag:s12] =	ssyncset.done $0x0  }
0x403: {  	[sflag:s12] =	ssyncadd.s32 $0xFFFFA000  }
0x404: {  	[hbm4b:s3+s2] =	stream.linear.scatter [tilespmem:s4], [sflag:$0x5], $0x6000, $0x38;
	[tilespmem:$0x1E000] =	vst v63  }
0x405: {  	_ =	swait.ge [sflag:s13], $0x6000  }
0x406: {  	[sflag:s13] =	ssyncset.done $0x0  }
0x407: {  	[sflag:s13] =	ssyncadd.s32 $0xFFFFA000  }
0x408: {  	_ =	swait.ge [sflag:s8], $0x6000  }
0x409: {  	[sflag:s8] =	ssyncset.done $0x0  }
0x40a: {  	[sflag:s8] =	ssyncadd.s32 $0xFFFFA000  }
0x40b: {  	_ =	swait.ge [sflag:s6], $0x6000  }
0x40c: {  	[sflag:s6] =	ssyncset.done $0x0  }
0x40d: {  	[sflag:s6] =	ssyncadd.s32 $0xFFFFA000  }
0x40e: {  	_ =	sfence.sel $0x180000  }
0x40f: {  	[bflag:$0x0] =	sbarrier.arrive $0xFFFF  }
0x410: {  	_ =	strace $0x90000047  }
0x411: {  	s31 =	stileid.u32;
	[bflag:$0x2] =	sbarrier.arrive $0xFFFF  }
0x412: {  	p0 =	sne.s32 s31, $0x0;
	s0 =	rddreg [dreg:$0x3]  }
0x413: {  	s0 =	sadd.s32 @!p0 $0x100000, s0  }
0x414: {  	[sflag:s0] =	ssyncadd.tile.s32 @!p0 $0x1;
	_ =	shalt  }
.Lfunc_end2:
_tile_overlayer_lowered:
.L_overlay_start_2:
0x415: {  	(tag) =	ssettag $0x2  }
0x416: {  	s0 =	rddreg [dreg:$0x0];
	s2 =	stileid.u32  }
0x417: {  	s1 =	rddreg [dreg:$0x1];
	p0 =	sne.s32 s2, $0x0  }
0x418: {  	s3 =	rddreg [dreg:$0x2];
	[bflag:$0x3] =	sbarrier.arrive $0xFFFF;
	s2 =	simm.s32 @!p0 $0x1C09  }
0x419: {  	[timem:s3], [sflag:s2] =	dma.local @!p0 [hbm:s0], s1  }
0x41a: {  	s0 =	simm.s32 @!p0 $0x9  }
0x41b: {  	_ =	swait.ge @!p0 [sflag:s0], s1  }
0x41c: {  	s1 =	ssub.s32 @!p0 $0x0, s1;
	[sflag:s0] =	ssyncset.done @!p0 $0x0  }
0x41d: {  	[sflag:s0] =	ssyncadd.s32 @!p0 s1  }
0x41e: {  	[bflag:$0x3] =	sbarrier.arrive $0xFFFF  }
0x41f: {  	_ =	shalt  }

</sc_bundles>
